<compile_context>
chip_gen: v7x
topology: tpu7x:2x2x1
jax: 0.10.2.dev20260603
libtpu: 0.0.44.dev20260713+nightly
codegen_flags: <defaults>
</compile_context>

<pallas_src>
import functools

import jax
import jax.numpy as jnp
from jax import lax
from jax.experimental import pallas as pl
from jax.experimental.pallas import tpu as pltpu
from jax.experimental.pallas import tpu_sc as plsc

N_NODES = 10000
MAX_DEG = 32
D_FEAT = 128
_INV = 1.0 / MAX_DEG

_NC, _NS, _L = 2, 16, 16
_NW = _NC * _NS
_TILE = 8

_SC_N = _NW * _TILE
_TC_N = N_NODES - _SC_N
_BN = 464


def _tc_body(x_ref, o_ref):
    o_ref[...] = jnp.sum(x_ref[...], axis=1) * _INV


_mesh = plsc.VectorSubcoreMesh(core_axis_name="c", subcore_axis_name="s")


@functools.partial(
    pl.kernel,
    mesh=_mesh,
    out_type=jax.ShapeDtypeStruct((_SC_N, D_FEAT), jnp.float32),
    scratch_types=[
        pltpu.VMEM((_TILE, MAX_DEG, D_FEAT), jnp.float32),
        pltpu.VMEM((_TILE, D_FEAT), jnp.float32),
    ],
)
def _sc_mean(mail_hbm, out_hbm, in_v, out_v):
    wid = lax.axis_index("s") * _NC + lax.axis_index("c")
    base = _TC_N + wid * _TILE
    obase = wid * _TILE

    pltpu.sync_copy(mail_hbm.at[pl.ds(base, _TILE)], in_v)

    @plsc.parallel_loop(0, _TILE, step=1)
    def _node(n):
        for c in range(D_FEAT // _L):
            acc = in_v[n, 0, pl.ds(c * _L, _L)]
            for j in range(1, MAX_DEG):
                acc = acc + in_v[n, j, pl.ds(c * _L, _L)]
            out_v[n, pl.ds(c * _L, _L)] = acc * _INV

    pltpu.sync_copy(out_v, out_hbm.at[pl.ds(obase, _TILE)])


def kernel(mailbox_m):
    sc_out = _sc_mean(mailbox_m)
    tc_out = pl.pallas_call(
        _tc_body,
        grid=(_TC_N // _BN,),
        in_specs=[pl.BlockSpec((_BN, MAX_DEG, D_FEAT), lambda i: (i, 0, 0))],
        out_specs=pl.BlockSpec((_BN, D_FEAT), lambda i: (i, 0)),
        out_shape=jax.ShapeDtypeStruct((N_NODES, D_FEAT), jnp.float32),
    )(mailbox_m)
    return lax.dynamic_update_slice(tc_out, sc_out, (_TC_N, 0))

# --- scband reference (transcript-rebuilt; emitter-appended) ---
"""Pipeline reference for scband-aggregator-86517821210867 (READ-ONLY COPY).

The authoritative reference and input builder live on the scoring server;
editing this copy changes nothing except your own understanding.
"""

import jax, jax.numpy as jnp
import numpy as np

N_NODES = 10000
MAX_DEG = 32
D_FEAT = 128

def setup_inputs(seed: int = 0) -> dict:
    key = jax.random.key(seed)
    mailbox_m = jax.random.normal(key, (N_NODES, MAX_DEG, D_FEAT), dtype=jnp.float32)
    return {"mailbox_m": mailbox_m}

def reference(mailbox_m):
    # Aggregator.forward: neighbour = node.mailbox['m']; c = self.aggre(neighbour)
    # Base class leaves aggre abstract; the canonical DGL/GraphSAGE subclass
    # (MeanAggregator) implements aggre as a mean over the neighbor axis.
    c = jnp.mean(mailbox_m, axis=1)
    return c

if __name__ == "__main__":
    import jax
    _d = setup_inputs()
    print(jax.jit(kernel)(*tuple(_d.values())))

</pallas_src>

<mosaic_0001>
#map = affine_map<(d0, d1) -> (0, 0, 0)>
#map1 = affine_map<(d0, d1) -> (0, 0)>
module attributes {stable_mosaic.version = 14 : i64} {
  func.func @_sc_mean(%arg0: i32, %arg1: i32, %arg2: memref<10000x32x128xf32, #tpu.memory_space<hbm>>, %arg3: memref<256x128xf32, #tpu.memory_space<hbm>>, %arg4: memref<8x32x128xf32, #tpu.memory_space<vmem>>, %arg5: memref<8x128xf32, #tpu.memory_space<vmem>>) attributes {dimension_semantics = [#tpu.dimension_semantics<core_parallel>, #tpu.dimension_semantics<subcore_parallel>], iteration_bounds = array<i64: 2, 16>, scalar_prefetch = 0 : i64, scratch_operands = 2 : i64, tpu.core_type = #tpu.core_type<sc_vector_subcore>, window_params = [{transform_indices = #map}, {transform_indices = #map1}]} {
    %mul3A = arith.constant 2 : i32
    %mul3A_0 = arith.muli %arg1, %mul3A : i32
    %add3A = arith.addi %mul3A_0, %arg0 : i32
    %mul3A_1 = arith.constant 8 : i32
    %mul3A_2 = arith.muli %add3A, %mul3A_1 : i32
    %add3A_3 = arith.constant 9744 : i32
    %add3A_4 = arith.addi %add3A_3, %mul3A_2 : i32
    %mul3A_5 = arith.constant 8 : i32
    %mul3A_6 = arith.muli %add3A, %mul3A_5 : i32
    "tpu.region"() ({
      %run_scoped3A = tpu.sem_alloc : memref<!tpu.dma_semaphore, #tpu.memory_space<semaphore_mem>>
      %dma_start3A = arith.constant 0 : i32
      %dma_start3A_9 = arith.constant 0 : i32
      %dma_start3A_10 = tpu.memref_slice %arg2[%add3A_4, %dma_start3A, %dma_start3A_9] : memref<10000x32x128xf32, #tpu.memory_space<hbm>> -> memref<8x32x128xf32, #tpu.memory_space<hbm>>
      %dma_start3A_11 = arith.constant 0 : i32
      %dma_start3A_12 = arith.constant 0 : i32
      %dma_start3A_13 = tpu.memref_slice %arg2[%add3A_4, %dma_start3A_11, %dma_start3A_12] : memref<10000x32x128xf32, #tpu.memory_space<hbm>> -> memref<8x32x128xf32, #tpu.memory_space<hbm>>
      tpu.enqueue_dma source(%dma_start3A_13 : memref<8x32x128xf32, #tpu.memory_space<hbm>>) target(%arg4 : memref<8x32x128xf32, #tpu.memory_space<vmem>>) target_semaphore(%run_scoped3A : memref<!tpu.dma_semaphore, #tpu.memory_space<semaphore_mem>>)
      %dma_wait3A = arith.constant 0 : i32
      %dma_wait3A_14 = arith.constant 0 : i32
      %dma_wait3A_15 = tpu.memref_slice %arg2[%add3A_4, %dma_wait3A, %dma_wait3A_14] : memref<10000x32x128xf32, #tpu.memory_space<hbm>> -> memref<8x32x128xf32, #tpu.memory_space<hbm>>
      %dma_wait3A_16 = arith.constant 0 : i32
      %dma_wait3A_17 = arith.constant 0 : i32
      %dma_wait3A_18 = tpu.memref_slice %arg2[%add3A_4, %dma_wait3A_16, %dma_wait3A_17] : memref<10000x32x128xf32, #tpu.memory_space<hbm>> -> memref<8x32x128xf32, #tpu.memory_space<hbm>>
      tpu.wait_dma2 semaphore(%run_scoped3A : memref<!tpu.dma_semaphore, #tpu.memory_space<semaphore_mem>>) src(%dma_wait3A_18 : memref<8x32x128xf32, #tpu.memory_space<hbm>>) dst(%arg4 : memref<8x32x128xf32, #tpu.memory_space<vmem>>)
      tpu.yield
    }) : () -> ()
    %parallel_loop3A = arith.constant 0 : i32
    %parallel_loop3A_7 = arith.constant 8 : i32
    %parallel_loop3A_8 = arith.constant 1 : i32
    scf.for %parallel_loop3A_9 = %parallel_loop3A to %parallel_loop3A_7 step %parallel_loop3A_8  : i32 {
      %parallel_loop3A_10 = arith.constant 0 : i32
      %parallel_loop3A_11 = arith.index_cast %parallel_loop3A_9 : i32 to index
      %parallel_loop3A_12 = arith.index_cast %parallel_loop3A_10 : i32 to index
      %parallel_loop3A_13 = arith.constant 0 : index
      %parallel_loop3A_14 = tpu.vector_load %arg4[%parallel_loop3A_11, %parallel_loop3A_12, %parallel_loop3A_13] {strides = array<i32>} : memref<8x32x128xf32, #tpu.memory_space<vmem>>, vector<1x1x16xf32>,
      %parallel_loop3A_15 = vector.shape_cast %parallel_loop3A_14 : vector<1x1x16xf32> to vector<16xf32>
      %parallel_loop3A_16 = arith.constant 1 : i32
      %parallel_loop3A_17 = arith.index_cast %parallel_loop3A_9 : i32 to index
      %parallel_loop3A_18 = arith.index_cast %parallel_loop3A_16 : i32 to index
      %parallel_loop3A_19 = arith.constant 0 : index
      %parallel_loop3A_20 = tpu.vector_load %arg4[%parallel_loop3A_17, %parallel_loop3A_18, %parallel_loop3A_19] {strides = array<i32>} : memref<8x32x128xf32, #tpu.memory_space<vmem>>, vector<1x1x16xf32>,
      %parallel_loop3A_21 = vector.shape_cast %parallel_loop3A_20 : vector<1x1x16xf32> to vector<16xf32>
      %parallel_loop3A_22 = arith.addf %parallel_loop3A_15, %parallel_loop3A_21 : vector<16xf32>
      %parallel_loop3A_23 = arith.constant 2 : i32
      %parallel_loop3A_24 = arith.index_cast %parallel_loop3A_9 : i32 to index
      %parallel_loop3A_25 = arith.index_cast %parallel_loop3A_23 : i32 to index
      %parallel_loop3A_26 = arith.constant 0 : index
      %parallel_loop3A_27 = tpu.vector_load %arg4[%parallel_loop3A_24, %parallel_loop3A_25, %parallel_loop3A_26] {strides = array<i32>} : memref<8x32x128xf32, #tpu.memory_space<vmem>>, vector<1x1x16xf32>,
      %parallel_loop3A_28 = vector.shape_cast %parallel_loop3A_27 : vector<1x1x16xf32> to vector<16xf32>
      %parallel_loop3A_29 = arith.addf %parallel_loop3A_22, %parallel_loop3A_28 : vector<16xf32>
      %parallel_loop3A_30 = arith.constant 3 : i32
      %parallel_loop3A_31 = arith.index_cast %parallel_loop3A_9 : i32 to index
      %parallel_loop3A_32 = arith.index_cast %parallel_loop3A_30 : i32 to index
      %parallel_loop3A_33 = arith.constant 0 : index
      %parallel_loop3A_34 = tpu.vector_load %arg4[%parallel_loop3A_31, %parallel_loop3A_32, %parallel_loop3A_33] {strides = array<i32>} : memref<8x32x128xf32, #tpu.memory_space<vmem>>, vector<1x1x16xf32>,
      %parallel_loop3A_35 = vector.shape_cast %parallel_loop3A_34 : vector<1x1x16xf32> to vector<16xf32>
      %parallel_loop3A_36 = arith.addf %parallel_loop3A_29, %parallel_loop3A_35 : vector<16xf32>
      %parallel_loop3A_37 = arith.constant 4 : i32
      %parallel_loop3A_38 = arith.index_cast %parallel_loop3A_9 : i32 to index
      %parallel_loop3A_39 = arith.index_cast %parallel_loop3A_37 : i32 to index
      %parallel_loop3A_40 = arith.constant 0 : index
      %parallel_loop3A_41 = tpu.vector_load %arg4[%parallel_loop3A_38, %parallel_loop3A_39, %parallel_loop3A_40] {strides = array<i32>} : memref<8x32x128xf32, #tpu.memory_space<vmem>>, vector<1x1x16xf32>,
      %parallel_loop3A_42 = vector.shape_cast %parallel_loop3A_41 : vector<1x1x16xf32> to vector<16xf32>
      %parallel_loop3A_43 = arith.addf %parallel_loop3A_36, %parallel_loop3A_42 : vector<16xf32>
      %parallel_loop3A_44 = arith.constant 5 : i32
      %parallel_loop3A_45 = arith.index_cast %parallel_loop3A_9 : i32 to index
      %parallel_loop3A_46 = arith.index_cast %parallel_loop3A_44 : i32 to index
      %parallel_loop3A_47 = arith.constant 0 : index
      %parallel_loop3A_48 = tpu.vector_load %arg4[%parallel_loop3A_45, %parallel_loop3A_46, %parallel_loop3A_47] {strides = array<i32>} : memref<8x32x128xf32, #tpu.memory_space<vmem>>, vector<1x1x16xf32>,
      %parallel_loop3A_49 = vector.shape_cast %parallel_loop3A_48 : vector<1x1x16xf32> to vector<16xf32>
      %parallel_loop3A_50 = arith.addf %parallel_loop3A_43, %parallel_loop3A_49 : vector<16xf32>
      %parallel_loop3A_51 = arith.constant 6 : i32
      %parallel_loop3A_52 = arith.index_cast %parallel_loop3A_9 : i32 to index
      %parallel_loop3A_53 = arith.index_cast %parallel_loop3A_51 : i32 to index
      %parallel_loop3A_54 = arith.constant 0 : index
      %parallel_loop3A_55 = tpu.vector_load %arg4[%parallel_loop3A_52, %parallel_loop3A_53, %parallel_loop3A_54] {strides = array<i32>} : memref<8x32x128xf32, #tpu.memory_space<vmem>>, vector<1x1x16xf32>,
      %parallel_loop3A_56 = vector.shape_cast %parallel_loop3A_55 : vector<1x1x16xf32> to vector<16xf32>
      %parallel_loop3A_57 = arith.addf %parallel_loop3A_50, %parallel_loop3A_56 : vector<16xf32>
      %parallel_loop3A_58 = arith.constant 7 : i32
      %parallel_loop3A_59 = arith.index_cast %parallel_loop3A_9 : i32 to index
      %parallel_loop3A_60 = arith.index_cast %parallel_loop3A_58 : i32 to index
      %parallel_loop3A_61 = arith.constant 0 : index
      %parallel_loop3A_62 = tpu.vector_load %arg4[%parallel_loop3A_59, %parallel_loop3A_60, %parallel_loop3A_61] {strides = array<i32>} : memref<8x32x128xf32, #tpu.memory_space<vmem>>, vector<1x1x16xf32>,
      %parallel_loop3A_63 = vector.shape_cast %parallel_loop3A_62 : vector<1x1x16xf32> to vector<16xf32>
      %parallel_loop3A_64 = arith.addf %parallel_loop3A_57, %parallel_loop3A_63 : vector<16xf32>
      %parallel_loop3A_65 = arith.constant 8 : i32
      %parallel_loop3A_66 = arith.index_cast %parallel_loop3A_9 : i32 to index
      %parallel_loop3A_67 = arith.index_cast %parallel_loop3A_65 : i32 to index
      %parallel_loop3A_68 = arith.constant 0 : index
      %parallel_loop3A_69 = tpu.vector_load %arg4[%parallel_loop3A_66, %parallel_loop3A_67, %parallel_loop3A_68] {strides = array<i32>} : memref<8x32x128xf32, #tpu.memory_space<vmem>>, vector<1x1x16xf32>,
      %parallel_loop3A_70 = vector.shape_cast %parallel_loop3A_69 : vector<1x1x16xf32> to vector<16xf32>
      %parallel_loop3A_71 = arith.addf %parallel_loop3A_64, %parallel_loop3A_70 : vector<16xf32>
      %parallel_loop3A_72 = arith.constant 9 : i32
      %parallel_loop3A_73 = arith.index_cast %parallel_loop3A_9 : i32 to index
      %parallel_loop3A_74 = arith.index_cast %parallel_loop3A_72 : i32 to index
      %parallel_loop3A_75 = arith.constant 0 : index
      %parallel_loop3A_76 = tpu.vector_load %arg4[%parallel_loop3A_73, %parallel_loop3A_74, %parallel_loop3A_75] {strides = array<i32>} : memref<8x32x128xf32, #tpu.memory_space<vmem>>, vector<1x1x16xf32>,
      %parallel_loop3A_77 = vector.shape_cast %parallel_loop3A_76 : vector<1x1x16xf32> to vector<16xf32>
      %parallel_loop3A_78 = arith.addf %parallel_loop3A_71, %parallel_loop3A_77 : vector<16xf32>
      %parallel_loop3A_79 = arith.constant 10 : i32
      %parallel_loop3A_80 = arith.index_cast %parallel_loop3A_9 : i32 to index
      %parallel_loop3A_81 = arith.index_cast %parallel_loop3A_79 : i32 to index
      %parallel_loop3A_82 = arith.constant 0 : index
      %parallel_loop3A_83 = tpu.vector_load %arg4[%parallel_loop3A_80, %parallel_loop3A_81, %parallel_loop3A_82] {strides = array<i32>} : memref<8x32x128xf32, #tpu.memory_space<vmem>>, vector<1x1x16xf32>,
      %parallel_loop3A_84 = vector.shape_cast %parallel_loop3A_83 : vector<1x1x16xf32> to vector<16xf32>
      %parallel_loop3A_85 = arith.addf %parallel_loop3A_78, %parallel_loop3A_84 : vector<16xf32>
      %parallel_loop3A_86 = arith.constant 11 : i32
      %parallel_loop3A_87 = arith.index_cast %parallel_loop3A_9 : i32 to index
      %parallel_loop3A_88 = arith.index_cast %parallel_loop3A_86 : i32 to index
      %parallel_loop3A_89 = arith.constant 0 : index
      %parallel_loop3A_90 = tpu.vector_load %arg4[%parallel_loop3A_87, %parallel_loop3A_88, %parallel_loop3A_89] {strides = array<i32>} : memref<8x32x128xf32, #tpu.memory_space<vmem>>, vector<1x1x16xf32>,
      %parallel_loop3A_91 = vector.shape_cast %parallel_loop3A_90 : vector<1x1x16xf32> to vector<16xf32>
      %parallel_loop3A_92 = arith.addf %parallel_loop3A_85, %parallel_loop3A_91 : vector<16xf32>
      %parallel_loop3A_93 = arith.constant 12 : i32
      %parallel_loop3A_94 = arith.index_cast %parallel_loop3A_9 : i32 to index
      %parallel_loop3A_95 = arith.index_cast %parallel_loop3A_93 : i32 to index
      %parallel_loop3A_96 = arith.constant 0 : index
      %parallel_loop3A_97 = tpu.vector_load %arg4[%parallel_loop3A_94, %parallel_loop3A_95, %parallel_loop3A_96] {strides = array<i32>} : memref<8x32x128xf32, #tpu.memory_space<vmem>>, vector<1x1x16xf32>,
      %parallel_loop3A_98 = vector.shape_cast %parallel_loop3A_97 : vector<1x1x16xf32> to vector<16xf32>
      %parallel_loop3A_99 = arith.addf %parallel_loop3A_92, %parallel_loop3A_98 : vector<16xf32>
      %parallel_loop3A_100 = arith.constant 13 : i32
      %parallel_loop3A_101 = arith.index_cast %parallel_loop3A_9 : i32 to index
      %parallel_loop3A_102 = arith.index_cast %parallel_loop3A_100 : i32 to index
      %parallel_loop3A_103 = arith.constant 0 : index
      %parallel_loop3A_104 = tpu.vector_load %arg4[%parallel_loop3A_101, %parallel_loop3A_102, %parallel_loop3A_103] {strides = array<i32>} : memref<8x32x128xf32, #tpu.memory_space<vmem>>, vector<1x1x16xf32>,
      %parallel_loop3A_105 = vector.shape_cast %parallel_loop3A_104 : vector<1x1x16xf32> to vector<16xf32>
      %parallel_loop3A_106 = arith.addf %parallel_loop3A_99, %parallel_loop3A_105 : vector<16xf32>
      %parallel_loop3A_107 = arith.constant 14 : i32
      %parallel_loop3A_108 = arith.index_cast %parallel_loop3A_9 : i32 to index
      %parallel_loop3A_109 = arith.index_cast %parallel_loop3A_107 : i32 to index
      %parallel_loop3A_110 = arith.constant 0 : index
      %parallel_loop3A_111 = tpu.vector_load %arg4[%parallel_loop3A_108, %parallel_loop3A_109, %parallel_loop3A_110] {strides = array<i32>} : memref<8x32x128xf32, #tpu.memory_space<vmem>>, vector<1x1x16xf32>,
      %parallel_loop3A_112 = vector.shape_cast %parallel_loop3A_111 : vector<1x1x16xf32> to vector<16xf32>
      %parallel_loop3A_113 = arith.addf %parallel_loop3A_106, %parallel_loop3A_112 : vector<16xf32>
      %parallel_loop3A_114 = arith.constant 15 : i32
      %parallel_loop3A_115 = arith.index_cast %parallel_loop3A_9 : i32 to index
      %parallel_loop3A_116 = arith.index_cast %parallel_loop3A_114 : i32 to index
      %parallel_loop3A_117 = arith.constant 0 : index
      %parallel_loop3A_118 = tpu.vector_load %arg4[%parallel_loop3A_115, %parallel_loop3A_116, %parallel_loop3A_117] {strides = array<i32>} : memref<8x32x128xf32, #tpu.memory_space<vmem>>, vector<1x1x16xf32>,
      %parallel_loop3A_119 = vector.shape_cast %parallel_loop3A_118 : vector<1x1x16xf32> to vector<16xf32>
      %parallel_loop3A_120 = arith.addf %parallel_loop3A_113, %parallel_loop3A_119 : vector<16xf32>
      %parallel_loop3A_121 = arith.constant 16 : i32
      %parallel_loop3A_122 = arith.index_cast %parallel_loop3A_9 : i32 to index
      %parallel_loop3A_123 = arith.index_cast %parallel_loop3A_121 : i32 to index
      %parallel_loop3A_124 = arith.constant 0 : index
      %parallel_loop3A_125 = tpu.vector_load %arg4[%parallel_loop3A_122, %parallel_loop3A_123, %parallel_loop3A_124] {strides = array<i32>} : memref<8x32x128xf32, #tpu.memory_space<vmem>>, vector<1x1x16xf32>,
      %parallel_loop3A_126 = vector.shape_cast %parallel_loop3A_125 : vector<1x1x16xf32> to vector<16xf32>
      %parallel_loop3A_127 = arith.addf %parallel_loop3A_120, %parallel_loop3A_126 : vector<16xf32>
      %parallel_loop3A_128 = arith.constant 17 : i32
      %parallel_loop3A_129 = arith.index_cast %parallel_loop3A_9 : i32 to index
      %parallel_loop3A_130 = arith.index_cast %parallel_loop3A_128 : i32 to index
      %parallel_loop3A_131 = arith.constant 0 : index
      %parallel_loop3A_132 = tpu.vector_load %arg4[%parallel_loop3A_129, %parallel_loop3A_130, %parallel_loop3A_131] {strides = array<i32>} : memref<8x32x128xf32, #tpu.memory_space<vmem>>, vector<1x1x16xf32>,
      %parallel_loop3A_133 = vector.shape_cast %parallel_loop3A_132 : vector<1x1x16xf32> to vector<16xf32>
      %parallel_loop3A_134 = arith.addf %parallel_loop3A_127, %parallel_loop3A_133 : vector<16xf32>
      %parallel_loop3A_135 = arith.constant 18 : i32
      %parallel_loop3A_136 = arith.index_cast %parallel_loop3A_9 : i32 to index
      %parallel_loop3A_137 = arith.index_cast %parallel_loop3A_135 : i32 to index
      %parallel_loop3A_138 = arith.constant 0 : index
      %parallel_loop3A_139 = tpu.vector_load %arg4[%parallel_loop3A_136, %parallel_loop3A_137, %parallel_loop3A_138] {strides = array<i32>} : memref<8x32x128xf32, #tpu.memory_space<vmem>>, vector<1x1x16xf32>,
      %parallel_loop3A_140 = vector.shape_cast %parallel_loop3A_139 : vector<1x1x16xf32> to vector<16xf32>
      %parallel_loop3A_141 = arith.addf %parallel_loop3A_134, %parallel_loop3A_140 : vector<16xf32>
      %parallel_loop3A_142 = arith.constant 19 : i32
      %parallel_loop3A_143 = arith.index_cast %parallel_loop3A_9 : i32 to index
      %parallel_loop3A_144 = arith.index_cast %parallel_loop3A_142 : i32 to index
      %parallel_loop3A_145 = arith.constant 0 : index
      %parallel_loop3A_146 = tpu.vector_load %arg4[%parallel_loop3A_143, %parallel_loop3A_144, %parallel_loop3A_145] {strides = array<i32>} : memref<8x32x128xf32, #tpu.memory_space<vmem>>, vector<1x1x16xf32>,
      %parallel_loop3A_147 = vector.shape_cast %parallel_loop3A_146 : vector<1x1x16xf32> to vector<16xf32>
      %parallel_loop3A_148 = arith.addf %parallel_loop3A_141, %parallel_loop3A_147 : vector<16xf32>
      %parallel_loop3A_149 = arith.constant 20 : i32
      %parallel_loop3A_150 = arith.index_cast %parallel_loop3A_9 : i32 to index
      %parallel_loop3A_151 = arith.index_cast %parallel_loop3A_149 : i32 to index
      %parallel_loop3A_152 = arith.constant 0 : index
      %parallel_loop3A_153 = tpu.vector_load %arg4[%parallel_loop3A_150, %parallel_loop3A_151, %parallel_loop3A_152] {strides = array<i32>} : memref<8x32x128xf32, #tpu.memory_space<vmem>>, vector<1x1x16xf32>,
      %parallel_loop3A_154 = vector.shape_cast %parallel_loop3A_153 : vector<1x1x16xf32> to vector<16xf32>
      %parallel_loop3A_155 = arith.addf %parallel_loop3A_148, %parallel_loop3A_154 : vector<16xf32>
      %parallel_loop3A_156 = arith.constant 21 : i32
      %parallel_loop3A_157 = arith.index_cast %parallel_loop3A_9 : i32 to index
      %parallel_loop3A_158 = arith.index_cast %parallel_loop3A_156 : i32 to index
      %parallel_loop3A_159 = arith.constant 0 : index
      %parallel_loop3A_160 = tpu.vector_load %arg4[%parallel_loop3A_157, %parallel_loop3A_158, %parallel_loop3A_159] {strides = array<i32>} : memref<8x32x128xf32, #tpu.memory_space<vmem>>, vector<1x1x16xf32>,
      %parallel_loop3A_161 = vector.shape_cast %parallel_loop3A_160 : vector<1x1x16xf32> to vector<16xf32>
      %parallel_loop3A_162 = arith.addf %parallel_loop3A_155, %parallel_loop3A_161 : vector<16xf32>
      %parallel_loop3A_163 = arith.constant 22 : i32
      %parallel_loop3A_164 = arith.index_cast %parallel_loop3A_9 : i32 to index
      %parallel_loop3A_165 = arith.index_cast %parallel_loop3A_163 : i32 to index
      %parallel_loop3A_166 = arith.constant 0 : index
      %parallel_loop3A_167 = tpu.vector_load %arg4[%parallel_loop3A_164, %parallel_loop3A_165, %parallel_loop3A_166] {strides = array<i32>} : memref<8x32x128xf32, #tpu.memory_space<vmem>>, vector<1x1x16xf32>,
      %parallel_loop3A_168 = vector.shape_cast %parallel_loop3A_167 : vector<1x1x16xf32> to vector<16xf32>
      %parallel_loop3A_169 = arith.addf %parallel_loop3A_162, %parallel_loop3A_168 : vector<16xf32>
      %parallel_loop3A_170 = arith.constant 23 : i32
      %parallel_loop3A_171 = arith.index_cast %parallel_loop3A_9 : i32 to index
      %parallel_loop3A_172 = arith.index_cast %parallel_loop3A_170 : i32 to index
      %parallel_loop3A_173 = arith.constant 0 : index
      %parallel_loop3A_174 = tpu.vector_load %arg4[%parallel_loop3A_171, %parallel_loop3A_172, %parallel_loop3A_173] {strides = array<i32>} : memref<8x32x128xf32, #tpu.memory_space<vmem>>, vector<1x1x16xf32>,
      %parallel_loop3A_175 = vector.shape_cast %parallel_loop3A_174 : vector<1x1x16xf32> to vector<16xf32>
      %parallel_loop3A_176 = arith.addf %parallel_loop3A_169, %parallel_loop3A_175 : vector<16xf32>
      %parallel_loop3A_177 = arith.constant 24 : i32
      %parallel_loop3A_178 = arith.index_cast %parallel_loop3A_9 : i32 to index
      %parallel_loop3A_179 = arith.index_cast %parallel_loop3A_177 : i32 to index
      %parallel_loop3A_180 = arith.constant 0 : index
      %parallel_loop3A_181 = tpu.vector_load %arg4[%parallel_loop3A_178, %parallel_loop3A_179, %parallel_loop3A_180] {strides = array<i32>} : memref<8x32x128xf32, #tpu.memory_space<vmem>>, vector<1x1x16xf32>,
      %parallel_loop3A_182 = vector.shape_cast %parallel_loop3A_181 : vector<1x1x16xf32> to vector<16xf32>
      %parallel_loop3A_183 = arith.addf %parallel_loop3A_176, %parallel_loop3A_182 : vector<16xf32>
      %parallel_loop3A_184 = arith.constant 25 : i32
      %parallel_loop3A_185 = arith.index_cast %parallel_loop3A_9 : i32 to index
      %parallel_loop3A_186 = arith.index_cast %parallel_loop3A_184 : i32 to index
      %parallel_loop3A_187 = arith.constant 0 : index
      %parallel_loop3A_188 = tpu.vector_load %arg4[%parallel_loop3A_185, %parallel_loop3A_186, %parallel_loop3A_187] {strides = array<i32>} : memref<8x32x128xf32, #tpu.memory_space<vmem>>, vector<1x1x16xf32>,
      %parallel_loop3A_189 = vector.shape_cast %parallel_loop3A_188 : vector<1x1x16xf32> to vector<16xf32>
      %parallel_loop3A_190 = arith.addf %parallel_loop3A_183, %parallel_loop3A_189 : vector<16xf32>
      %parallel_loop3A_191 = arith.constant 26 : i32
      %parallel_loop3A_192 = arith.index_cast %parallel_loop3A_9 : i32 to index
      %parallel_loop3A_193 = arith.index_cast %parallel_loop3A_191 : i32 to index
      %parallel_loop3A_194 = arith.constant 0 : index
      %parallel_loop3A_195 = tpu.vector_load %arg4[%parallel_loop3A_192, %parallel_loop3A_193, %parallel_loop3A_194] {strides = array<i32>} : memref<8x32x128xf32, #tpu.memory_space<vmem>>, vector<1x1x16xf32>,
      %parallel_loop3A_196 = vector.shape_cast %parallel_loop3A_195 : vector<1x1x16xf32> to vector<16xf32>
      %parallel_loop3A_197 = arith.addf %parallel_loop3A_190, %parallel_loop3A_196 : vector<16xf32>
      %parallel_loop3A_198 = arith.constant 27 : i32
      %parallel_loop3A_199 = arith.index_cast %parallel_loop3A_9 : i32 to index
      %parallel_loop3A_200 = arith.index_cast %parallel_loop3A_198 : i32 to index
      %parallel_loop3A_201 = arith.constant 0 : index
      %parallel_loop3A_202 = tpu.vector_load %arg4[%parallel_loop3A_199, %parallel_loop3A_200, %parallel_loop3A_201] {strides = array<i32>} : memref<8x32x128xf32, #tpu.memory_space<vmem>>, vector<1x1x16xf32>,
      %parallel_loop3A_203 = vector.shape_cast %parallel_loop3A_202 : vector<1x1x16xf32> to vector<16xf32>
      %parallel_loop3A_204 = arith.addf %parallel_loop3A_197, %parallel_loop3A_203 : vector<16xf32>
      %parallel_loop3A_205 = arith.constant 28 : i32
      %parallel_loop3A_206 = arith.index_cast %parallel_loop3A_9 : i32 to index
      %parallel_loop3A_207 = arith.index_cast %parallel_loop3A_205 : i32 to index
      %parallel_loop3A_208 = arith.constant 0 : index
      %parallel_loop3A_209 = tpu.vector_load %arg4[%parallel_loop3A_206, %parallel_loop3A_207, %parallel_loop3A_208] {strides = array<i32>} : memref<8x32x128xf32, #tpu.memory_space<vmem>>, vector<1x1x16xf32>,
      %parallel_loop3A_210 = vector.shape_cast %parallel_loop3A_209 : vector<1x1x16xf32> to vector<16xf32>
      %parallel_loop3A_211 = arith.addf %parallel_loop3A_204, %parallel_loop3A_210 : vector<16xf32>
      %parallel_loop3A_212 = arith.constant 29 : i32
      %parallel_loop3A_213 = arith.index_cast %parallel_loop3A_9 : i32 to index
      %parallel_loop3A_214 = arith.index_cast %parallel_loop3A_212 : i32 to index
      %parallel_loop3A_215 = arith.constant 0 : index
      %parallel_loop3A_216 = tpu.vector_load %arg4[%parallel_loop3A_213, %parallel_loop3A_214, %parallel_loop3A_215] {strides = array<i32>} : memref<8x32x128xf32, #tpu.memory_space<vmem>>, vector<1x1x16xf32>,
      %parallel_loop3A_217 = vector.shape_cast %parallel_loop3A_216 : vector<1x1x16xf32> to vector<16xf32>
      %parallel_loop3A_218 = arith.addf %parallel_loop3A_211, %parallel_loop3A_217 : vector<16xf32>
      %parallel_loop3A_219 = arith.constant 30 : i32
      %parallel_loop3A_220 = arith.index_cast %parallel_loop3A_9 : i32 to index
      %parallel_loop3A_221 = arith.index_cast %parallel_loop3A_219 : i32 to index
      %parallel_loop3A_222 = arith.constant 0 : index
      %parallel_loop3A_223 = tpu.vector_load %arg4[%parallel_loop3A_220, %parallel_loop3A_221, %parallel_loop3A_222] {strides = array<i32>} : memref<8x32x128xf32, #tpu.memory_space<vmem>>, vector<1x1x16xf32>,
      %parallel_loop3A_224 = vector.shape_cast %parallel_loop3A_223 : vector<1x1x16xf32> to vector<16xf32>
      %parallel_loop3A_225 = arith.addf %parallel_loop3A_218, %parallel_loop3A_224 : vector<16xf32>
      %parallel_loop3A_226 = arith.constant 31 : i32
      %parallel_loop3A_227 = arith.index_cast %parallel_loop3A_9 : i32 to index
      %parallel_loop3A_228 = arith.index_cast %parallel_loop3A_226 : i32 to index
      %parallel_loop3A_229 = arith.constant 0 : index
      %parallel_loop3A_230 = tpu.vector_load %arg4[%parallel_loop3A_227, %parallel_loop3A_228, %parallel_loop3A_229] {strides = array<i32>} : memref<8x32x128xf32, #tpu.memory_space<vmem>>, vector<1x1x16xf32>,
      %parallel_loop3A_231 = vector.shape_cast %parallel_loop3A_230 : vector<1x1x16xf32> to vector<16xf32>
      %parallel_loop3A_232 = arith.addf %parallel_loop3A_225, %parallel_loop3A_231 : vector<16xf32>
      %parallel_loop3A_233 = arith.constant 3.125000e-02 : f32
      %parallel_loop3A_234 = vector.broadcast %parallel_loop3A_233 : f32 to vector<16xf32>
      %parallel_loop3A_235 = arith.mulf %parallel_loop3A_232, %parallel_loop3A_234 : vector<16xf32>
      %parallel_loop3A_236 = arith.index_cast %parallel_loop3A_9 : i32 to index
      %parallel_loop3A_237 = arith.constant 0 : index
      %parallel_loop3A_238 = tpu.vector_load %arg5[%parallel_loop3A_236, %parallel_loop3A_237] {strides = array<i32>} : memref<8x128xf32, #tpu.memory_space<vmem>>, vector<1x16xf32>,
      %parallel_loop3A_239 = vector.shape_cast %parallel_loop3A_238 : vector<1x16xf32> to vector<16xf32>
      %parallel_loop3A_240 = vector.shape_cast %parallel_loop3A_235 : vector<16xf32> to vector<1x16xf32>
      tpu.vector_store %arg5[%parallel_loop3A_236, %parallel_loop3A_237], %parallel_loop3A_240 {strides = array<i32>} : memref<8x128xf32, #tpu.memory_space<vmem>>, vector<1x16xf32>,
      %parallel_loop3A_241 = arith.constant 0 : i32
      %parallel_loop3A_242 = arith.index_cast %parallel_loop3A_9 : i32 to index
      %parallel_loop3A_243 = arith.index_cast %parallel_loop3A_241 : i32 to index
      %parallel_loop3A_244 = arith.constant 16 : index
      %parallel_loop3A_245 = tpu.vector_load %arg4[%parallel_loop3A_242, %parallel_loop3A_243, %parallel_loop3A_244] {strides = array<i32>} : memref<8x32x128xf32, #tpu.memory_space<vmem>>, vector<1x1x16xf32>,
      %parallel_loop3A_246 = vector.shape_cast %parallel_loop3A_245 : vector<1x1x16xf32> to vector<16xf32>
      %parallel_loop3A_247 = arith.constant 1 : i32
      %parallel_loop3A_248 = arith.index_cast %parallel_loop3A_9 : i32 to index
      %parallel_loop3A_249 = arith.index_cast %parallel_loop3A_247 : i32 to index
      %parallel_loop3A_250 = arith.constant 16 : index
      %parallel_loop3A_251 = tpu.vector_load %arg4[%parallel_loop3A_248, %parallel_loop3A_249, %parallel_loop3A_250] {strides = array<i32>} : memref<8x32x128xf32, #tpu.memory_space<vmem>>, vector<1x1x16xf32>,
      %parallel_loop3A_252 = vector.shape_cast %parallel_loop3A_251 : vector<1x1x16xf32> to vector<16xf32>
      %parallel_loop3A_253 = arith.addf %parallel_loop3A_246, %parallel_loop3A_252 : vector<16xf32>
      %parallel_loop3A_254 = arith.constant 2 : i32
      %parallel_loop3A_255 = arith.index_cast %parallel_loop3A_9 : i32 to index
      %parallel_loop3A_256 = arith.index_cast %parallel_loop3A_254 : i32 to index
      %parallel_loop3A_257 = arith.constant 16 : index
      %parallel_loop3A_258 = tpu.vector_load %arg4[%parallel_loop3A_255, %parallel_loop3A_256, %parallel_loop3A_257] {strides = array<i32>} : memref<8x32x128xf32, #tpu.memory_space<vmem>>, vector<1x1x16xf32>,
      %parallel_loop3A_259 = vector.shape_cast %parallel_loop3A_258 : vector<1x1x16xf32> to vector<16xf32>
      %parallel_loop3A_260 = arith.addf %parallel_loop3A_253, %parallel_loop3A_259 : vector<16xf32>
      %parallel_loop3A_261 = arith.constant 3 : i32
      %parallel_loop3A_262 = arith.index_cast %parallel_loop3A_9 : i32 to index
      %parallel_loop3A_263 = arith.index_cast %parallel_loop3A_261 : i32 to index
      %parallel_loop3A_264 = arith.constant 16 : index
      %parallel_loop3A_265 = tpu.vector_load %arg4[%parallel_loop3A_262, %parallel_loop3A_263, %parallel_loop3A_264] {strides = array<i32>} : memref<8x32x128xf32, #tpu.memory_space<vmem>>, vector<1x1x16xf32>,
      %parallel_loop3A_266 = vector.shape_cast %parallel_loop3A_265 : vector<1x1x16xf32> to vector<16xf32>
      %parallel_loop3A_267 = arith.addf %parallel_loop3A_260, %parallel_loop3A_266 : vector<16xf32>
      %parallel_loop3A_268 = arith.constant 4 : i32
      %parallel_loop3A_269 = arith.index_cast %parallel_loop3A_9 : i32 to index
      %parallel_loop3A_270 = arith.index_cast %parallel_loop3A_268 : i32 to index
      %parallel_loop3A_271 = arith.constant 16 : index
      %parallel_loop3A_272 = tpu.vector_load %arg4[%parallel_loop3A_269, %parallel_loop3A_270, %parallel_loop3A_271] {strides = array<i32>} : memref<8x32x128xf32, #tpu.memory_space<vmem>>, vector<1x1x16xf32>,
      %parallel_loop3A_273 = vector.shape_cast %parallel_loop3A_272 : vector<1x1x16xf32> to vector<16xf32>
      %parallel_loop3A_274 = arith.addf %parallel_loop3A_267, %parallel_loop3A_273 : vector<16xf32>
      %parallel_loop3A_275 = arith.constant 5 : i32
      %parallel_loop3A_276 = arith.index_cast %parallel_loop3A_9 : i32 to index
      %parallel_loop3A_277 = arith.index_cast %parallel_loop3A_275 : i32 to index
      %parallel_loop3A_278 = arith.constant 16 : index
      %parallel_loop3A_279 = tpu.vector_load %arg4[%parallel_loop3A_276, %parallel_loop3A_277, %parallel_loop3A_278] {strides = array<i32>} : memref<8x32x128xf32, #tpu.memory_space<vmem>>, vector<1x1x16xf32>,
      %parallel_loop3A_280 = vector.shape_cast %parallel_loop3A_279 : vector<1x1x16xf32> to vector<16xf32>
      %parallel_loop3A_281 = arith.addf %parallel_loop3A_274, %parallel_loop3A_280 : vector<16xf32>
      %parallel_loop3A_282 = arith.constant 6 : i32
      %parallel_loop3A_283 = arith.index_cast %parallel_loop3A_9 : i32 to index
      %parallel_loop3A_284 = arith.index_cast %parallel_loop3A_282 : i32 to index
      %parallel_loop3A_285 = arith.constant 16 : index
      %parallel_loop3A_286 = tpu.vector_load %arg4[%parallel_loop3A_283, %parallel_loop3A_284, %parallel_loop3A_285] {strides = array<i32>} : memref<8x32x128xf32, #tpu.memory_space<vmem>>, vector<1x1x16xf32>,
      %parallel_loop3A_287 = vector.shape_cast %parallel_loop3A_286 : vector<1x1x16xf32> to vector<16xf32>
      %parallel_loop3A_288 = arith.addf %parallel_loop3A_281, %parallel_loop3A_287 : vector<16xf32>
      %parallel_loop3A_289 = arith.constant 7 : i32
      %parallel_loop3A_290 = arith.index_cast %parallel_loop3A_9 : i32 to index
      %parallel_loop3A_291 = arith.index_cast %parallel_loop3A_289 : i32 to index
      %parallel_loop3A_292 = arith.constant 16 : index
      %parallel_loop3A_293 = tpu.vector_load %arg4[%parallel_loop3A_290, %parallel_loop3A_291, %parallel_loop3A_292] {strides = array<i32>} : memref<8x32x128xf32, #tpu.memory_space<vmem>>, vector<1x1x16xf32>,
      %parallel_loop3A_294 = vector.shape_cast %parallel_loop3A_293 : vector<1x1x16xf32> to vector<16xf32>
      %parallel_loop3A_295 = arith.addf %parallel_loop3A_288, %parallel_loop3A_294 : vector<16xf32>
      %parallel_loop3A_296 = arith.constant 8 : i32
      %parallel_loop3A_297 = arith.index_cast %parallel_loop3A_9 : i32 to index
      %parallel_loop3A_298 = arith.index_cast %parallel_loop3A_296 : i32 to index
      %parallel_loop3A_299 = arith.constant 16 : index
      %parallel_loop3A_300 = tpu.vector_load %arg4[%parallel_loop3A_297, %parallel_loop3A_298, %parallel_loop3A_299] {strides = array<i32>} : memref<8x32x128xf32, #tpu.memory_space<vmem>>, vector<1x1x16xf32>,
      %parallel_loop3A_301 = vector.shape_cast %parallel_loop3A_300 : vector<1x1x16xf32> to vector<16xf32>
      %parallel_loop3A_302 = arith.addf %parallel_loop3A_295, %parallel_loop3A_301 : vector<16xf32>
      %parallel_loop3A_303 = arith.constant 9 : i32
      %parallel_loop3A_304 = arith.index_cast %parallel_loop3A_9 : i32 to index
      %parallel_loop3A_305 = arith.index_cast %parallel_loop3A_303 : i32 to index
      %parallel_loop3A_306 = arith.constant 16 : index
      %parallel_loop3A_307 = tpu.vector_load %arg4[%parallel_loop3A_304, %parallel_loop3A_305, %parallel_loop3A_306] {strides = array<i32>} : memref<8x32x128xf32, #tpu.memory_space<vmem>>, vector<1x1x16xf32>,
      %parallel_loop3A_308 = vector.shape_cast %parallel_loop3A_307 : vector<1x1x16xf32> to vector<16xf32>
      %parallel_loop3A_309 = arith.addf %parallel_loop3A_302, %parallel_loop3A_308 : vector<16xf32>
      %parallel_loop3A_310 = arith.constant 10 : i32
      %parallel_loop3A_311 = arith.index_cast %parallel_loop3A_9 : i32 to index
      %parallel_loop3A_312 = arith.index_cast %parallel_loop3A_310 : i32 to index
      %parallel_loop3A_313 = arith.constant 16 : index
      %parallel_loop3A_314 = tpu.vector_load %arg4[%parallel_loop3A_311, %parallel_loop3A_312, %parallel_loop3A_313] {strides = array<i32>} : memref<8x32x128xf32, #tpu.memory_space<vmem>>, vector<1x1x16xf32>,
      %parallel_loop3A_315 = vector.shape_cast %parallel_loop3A_314 : vector<1x1x16xf32> to vector<16xf32>
      %parallel_loop3A_316 = arith.addf %parallel_loop3A_309, %parallel_loop3A_315 : vector<16xf32>
      %parallel_loop3A_317 = arith.constant 11 : i32
      %parallel_loop3A_318 = arith.index_cast %parallel_loop3A_9 : i32 to index
      %parallel_loop3A_319 = arith.index_cast %parallel_loop3A_317 : i32 to index
      %parallel_loop3A_320 = arith.constant 16 : index
      %parallel_loop3A_321 = tpu.vector_load %arg4[%parallel_loop3A_318, %parallel_loop3A_319, %parallel_loop3A_320] {strides = array<i32>} : memref<8x32x128xf32, #tpu.memory_space<vmem>>, vector<1x1x16xf32>,
      %parallel_loop3A_322 = vector.shape_cast %parallel_loop3A_321 : vector<1x1x16xf32> to vector<16xf32>
      %parallel_loop3A_323 = arith.addf %parallel_loop3A_316, %parallel_loop3A_322 : vector<16xf32>
      %parallel_loop3A_324 = arith.constant 12 : i32
      %parallel_loop3A_325 = arith.index_cast %parallel_loop3A_9 : i32 to index
      %parallel_loop3A_326 = arith.index_cast %parallel_loop3A_324 : i32 to index
      %parallel_loop3A_327 = arith.constant 16 : index
      %parallel_loop3A_328 = tpu.vector_load %arg4[%parallel_loop3A_325, %parallel_loop3A_326, %parallel_loop3A_327] {strides = array<i32>} : memref<8x32x128xf32, #tpu.memory_space<vmem>>, vector<1x1x16xf32>,
      %parallel_loop3A_329 = vector.shape_cast %parallel_loop3A_328 : vector<1x1x16xf32> to vector<16xf32>
      %parallel_loop3A_330 = arith.addf %parallel_loop3A_323, %parallel_loop3A_329 : vector<16xf32>
      %parallel_loop3A_331 = arith.constant 13 : i32
      %parallel_loop3A_332 = arith.index_cast %parallel_loop3A_9 : i32 to index
      %parallel_loop3A_333 = arith.index_cast %parallel_loop3A_331 : i32 to index
      %parallel_loop3A_334 = arith.constant 16 : index
      %parallel_loop3A_335 = tpu.vector_load %arg4[%parallel_loop3A_332, %parallel_loop3A_333, %parallel_loop3A_334] {strides = array<i32>} : memref<8x32x128xf32, #tpu.memory_space<vmem>>, vector<1x1x16xf32>,
      %parallel_loop3A_336 = vector.shape_cast %parallel_loop3A_335 : vector<1x1x16xf32> to vector<16xf32>
      %parallel_loop3A_337 = arith.addf %parallel_loop3A_330, %parallel_loop3A_336 : vector<16xf32>
      %parallel_loop3A_338 = arith.constant 14 : i32
      %parallel_loop3A_339 = arith.index_cast %parallel_loop3A_9 : i32 to index
      %parallel_loop3A_340 = arith.index_cast %parallel_loop3A_338 : i32 to index
      %parallel_loop3A_341 = arith.constant 16 : index
      %parallel_loop3A_342 = tpu.vector_load %arg4[%parallel_loop3A_339, %parallel_loop3A_340, %parallel_loop3A_341] {strides = array<i32>} : memref<8x32x128xf32, #tpu.memory_space<vmem>>, vector<1x1x16xf32>,
      %parallel_loop3A_343 = vector.shape_cast %parallel_loop3A_342 : vector<1x1x16xf32> to vector<16xf32>
      %parallel_loop3A_344 = arith.addf %parallel_loop3A_337, %parallel_loop3A_343 : vector<16xf32>
      %parallel_loop3A_345 = arith.constant 15 : i32
      %parallel_loop3A_346 = arith.index_cast %parallel_loop3A_9 : i32 to index
      %parallel_loop3A_347 = arith.index_cast %parallel_loop3A_345 : i32 to index
      %parallel_loop3A_348 = arith.constant 16 : index
      %parallel_loop3A_349 = tpu.vector_load %arg4[%parallel_loop3A_346, %parallel_loop3A_347, %parallel_loop3A_348] {strides = array<i32>} : memref<8x32x128xf32, #tpu.memory_space<vmem>>, vector<1x1x16xf32>,
      %parallel_loop3A_350 = vector.shape_cast %parallel_loop3A_349 : vector<1x1x16xf32> to vector<16xf32>
      %parallel_loop3A_351 = arith.addf %parallel_loop3A_344, %parallel_loop3A_350 : vector<16xf32>
      %parallel_loop3A_352 = arith.constant 16 : i32
      %parallel_loop3A_353 = arith.index_cast %parallel_loop3A_9 : i32 to index
      %parallel_loop3A_354 = arith.index_cast %parallel_loop3A_352 : i32 to index
      %parallel_loop3A_355 = arith.constant 16 : index
      %parallel_loop3A_356 = tpu.vector_load %arg4[%parallel_loop3A_353, %parallel_loop3A_354, %parallel_loop3A_355] {strides = array<i32>} : memref<8x32x128xf32, #tpu.memory_space<vmem>>, vector<1x1x16xf32>,
      %parallel_loop3A_357 = vector.shape_cast %parallel_loop3A_356 : vector<1x1x16xf32> to vector<16xf32>
      %parallel_loop3A_358 = arith.addf %parallel_loop3A_351, %parallel_loop3A_357 : vector<16xf32>
      %parallel_loop3A_359 = arith.constant 17 : i32
      %parallel_loop3A_360 = arith.index_cast %parallel_loop3A_9 : i32 to index
      %parallel_loop3A_361 = arith.index_cast %parallel_loop3A_359 : i32 to index
      %parallel_loop3A_362 = arith.constant 16 : index
      %parallel_loop3A_363 = tpu.vector_load %arg4[%parallel_loop3A_360, %parallel_loop3A_361, %parallel_loop3A_362] {strides = array<i32>} : memref<8x32x128xf32, #tpu.memory_space<vmem>>, vector<1x1x16xf32>,
      %parallel_loop3A_364 = vector.shape_cast %parallel_loop3A_363 : vector<1x1x16xf32> to vector<16xf32>
      %parallel_loop3A_365 = arith.addf %parallel_loop3A_358, %parallel_loop3A_364 : vector<16xf32>
      %parallel_loop3A_366 = arith.constant 18 : i32
      %parallel_loop3A_367 = arith.index_cast %parallel_loop3A_9 : i32 to index
      %parallel_loop3A_368 = arith.index_cast %parallel_loop3A_366 : i32 to index
      %parallel_loop3A_369 = arith.constant 16 : index
      %parallel_loop3A_370 = tpu.vector_load %arg4[%parallel_loop3A_367, %parallel_loop3A_368, %parallel_loop3A_369] {strides = array<i32>} : memref<8x32x128xf32, #tpu.memory_space<vmem>>, vector<1x1x16xf32>,
      %parallel_loop3A_371 = vector.shape_cast %parallel_loop3A_370 : vector<1x1x16xf32> to vector<16xf32>
      %parallel_loop3A_372 = arith.addf %parallel_loop3A_365, %parallel_loop3A_371 : vector<16xf32>
      %parallel_loop3A_373 = arith.constant 19 : i32
      %parallel_loop3A_374 = arith.index_cast %parallel_loop3A_9 : i32 to index
      %parallel_loop3A_375 = arith.index_cast %parallel_loop3A_373 : i32 to index
      %parallel_loop3A_376 = arith.constant 16 : index
      %parallel_loop3A_377 = tpu.vector_load %arg4[%parallel_loop3A_374, %parallel_loop3A_375, %parallel_loop3A_376] {strides = array<i32>} : memref<8x32x128xf32, #tpu.memory_space<vmem>>, vector<1x1x16xf32>,
      %parallel_loop3A_378 = vector.shape_cast %parallel_loop3A_377 : vector<1x1x16xf32> to vector<16xf32>
      %parallel_loop3A_379 = arith.addf %parallel_loop3A_372, %parallel_loop3A_378 : vector<16xf32>
      %parallel_loop3A_380 = arith.constant 20 : i32
      %parallel_loop3A_381 = arith.index_cast %parallel_loop3A_9 : i32 to index
      %parallel_loop3A_382 = arith.index_cast %parallel_loop3A_380 : i32 to index
      %parallel_loop3A_383 = arith.constant 16 : index
      %parallel_loop3A_384 = tpu.vector_load %arg4[%parallel_loop3A_381, %parallel_loop3A_382, %parallel_loop3A_383] {strides = array<i32>} : memref<8x32x128xf32, #tpu.memory_space<vmem>>, vector<1x1x16xf32>,
      %parallel_loop3A_385 = vector.shape_cast %parallel_loop3A_384 : vector<1x1x16xf32> to vector<16xf32>
      %parallel_loop3A_386 = arith.addf %parallel_loop3A_379, %parallel_loop3A_385 : vector<16xf32>
      %parallel_loop3A_387 = arith.constant 21 : i32
      %parallel_loop3A_388 = arith.index_cast %parallel_loop3A_9 : i32 to index
      %parallel_loop3A_389 = arith.index_cast %parallel_loop3A_387 : i32 to index
      %parallel_loop3A_390 = arith.constant 16 : index
      %parallel_loop3A_391 = tpu.vector_load %arg4[%parallel_loop3A_388, %parallel_loop3A_389, %parallel_loop3A_390] {strides = array<i32>} : memref<8x32x128xf32, #tpu.memory_space<vmem>>, vector<1x1x16xf32>,
      %parallel_loop3A_392 = vector.shape_cast %parallel_loop3A_391 : vector<1x1x16xf32> to vector<16xf32>
      %parallel_loop3A_393 = arith.addf %parallel_loop3A_386, %parallel_loop3A_392 : vector<16xf32>
      %parallel_loop3A_394 = arith.constant 22 : i32
      %parallel_loop3A_395 = arith.index_cast %parallel_loop3A_9 : i32 to index
      %parallel_loop3A_396 = arith.index_cast %parallel_loop3A_394 : i32 to index
      %parallel_loop3A_397 = arith.constant 16 : index
      %parallel_loop3A_398 = tpu.vector_load %arg4[%parallel_loop3A_395, %parallel_loop3A_396, %parallel_loop3A_397] {strides = array<i32>} : memref<8x32x128xf32, #tpu.memory_space<vmem>>, vector<1x1x16xf32>,
      %parallel_loop3A_399 = vector.shape_cast %parallel_loop3A_398 : vector<1x1x16xf32> to vector<16xf32>
      %parallel_loop3A_400 = arith.addf %parallel_loop3A_393, %parallel_loop3A_399 : vector<16xf32>
      %parallel_loop3A_401 = arith.constant 23 : i32
      %parallel_loop3A_402 = arith.index_cast %parallel_loop3A_9 : i32 to index
      %parallel_loop3A_403 = arith.index_cast %parallel_loop3A_401 : i32 to index
      %parallel_loop3A_404 = arith.constant 16 : index
      %parallel_loop3A_405 = tpu.vector_load %arg4[%parallel_loop3A_402, %parallel_loop3A_403, %parallel_loop3A_404] {strides = array<i32>} : memref<8x32x128xf32, #tpu.memory_space<vmem>>, vector<1x1x16xf32>,
      %parallel_loop3A_406 = vector.shape_cast %parallel_loop3A_405 : vector<1x1x16xf32> to vector<16xf32>
      %parallel_loop3A_407 = arith.addf %parallel_loop3A_400, %parallel_loop3A_406 : vector<16xf32>
      %parallel_loop3A_408 = arith.constant 24 : i32
      %parallel_loop3A_409 = arith.index_cast %parallel_loop3A_9 : i32 to index
      %parallel_loop3A_410 = arith.index_cast %parallel_loop3A_408 : i32 to index
      %parallel_loop3A_411 = arith.constant 16 : index
      %parallel_loop3A_412 = tpu.vector_load %arg4[%parallel_loop3A_409, %parallel_loop3A_410, %parallel_loop3A_411] {strides = array<i32>} : memref<8x32x128xf32, #tpu.memory_space<vmem>>, vector<1x1x16xf32>,
      %parallel_loop3A_413 = vector.shape_cast %parallel_loop3A_412 : vector<1x1x16xf32> to vector<16xf32>
      %parallel_loop3A_414 = arith.addf %parallel_loop3A_407, %parallel_loop3A_413 : vector<16xf32>
      %parallel_loop3A_415 = arith.constant 25 : i32
      %parallel_loop3A_416 = arith.index_cast %parallel_loop3A_9 : i32 to index
      %parallel_loop3A_417 = arith.index_cast %parallel_loop3A_415 : i32 to index
      %parallel_loop3A_418 = arith.constant 16 : index
      %parallel_loop3A_419 = tpu.vector_load %arg4[%parallel_loop3A_416, %parallel_loop3A_417, %parallel_loop3A_418] {strides = array<i32>} : memref<8x32x128xf32, #tpu.memory_space<vmem>>, vector<1x1x16xf32>,
      %parallel_loop3A_420 = vector.shape_cast %parallel_loop3A_419 : vector<1x1x16xf32> to vector<16xf32>
      %parallel_loop3A_421 = arith.addf %parallel_loop3A_414, %parallel_loop3A_420 : vector<16xf32>
      %parallel_loop3A_422 = arith.constant 26 : i32
      %parallel_loop3A_423 = arith.index_cast %parallel_loop3A_9 : i32 to index
      %parallel_loop3A_424 = arith.index_cast %parallel_loop3A_422 : i32 to index
      %parallel_loop3A_425 = arith.constant 16 : index
      %parallel_loop3A_426 = tpu.vector_load %arg4[%parallel_loop3A_423, %parallel_loop3A_424, %parallel_loop3A_425] {strides = array<i32>} : memref<8x32x128xf32, #tpu.memory_space<vmem>>, vector<1x1x16xf32>,
      %parallel_loop3A_427 = vector.shape_cast %parallel_loop3A_426 : vector<1x1x16xf32> to vector<16xf32>
      %parallel_loop3A_428 = arith.addf %parallel_loop3A_421, %parallel_loop3A_427 : vector<16xf32>
      %parallel_loop3A_429 = arith.constant 27 : i32
      %parallel_loop3A_430 = arith.index_cast %parallel_loop3A_9 : i32 to index
      %parallel_loop3A_431 = arith.index_cast %parallel_loop3A_429 : i32 to index
      %parallel_loop3A_432 = arith.constant 16 : index
      %parallel_loop3A_433 = tpu.vector_load %arg4[%parallel_loop3A_430, %parallel_loop3A_431, %parallel_loop3A_432] {strides = array<i32>} : memref<8x32x128xf32, #tpu.memory_space<vmem>>, vector<1x1x16xf32>,
      %parallel_loop3A_434 = vector.shape_cast %parallel_loop3A_433 : vector<1x1x16xf32> to vector<16xf32>
      %parallel_loop3A_435 = arith.addf %parallel_loop3A_428, %parallel_loop3A_434 : vector<16xf32>
      %parallel_loop3A_436 = arith.constant 28 : i32
      %parallel_loop3A_437 = arith.index_cast %parallel_loop3A_9 : i32 to index
      %parallel_loop3A_438 = arith.index_cast %parallel_loop3A_436 : i32 to index
      %parallel_loop3A_439 = arith.constant 16 : index
      %parallel_loop3A_440 = tpu.vector_load %arg4[%parallel_loop3A_437, %parallel_loop3A_438, %parallel_loop3A_439] {strides = array<i32>} : memref<8x32x128xf32, #tpu.memory_space<vmem>>, vector<1x1x16xf32>,
      %parallel_loop3A_441 = vector.shape_cast %parallel_loop3A_440 : vector<1x1x16xf32> to vector<16xf32>
      %parallel_loop3A_442 = arith.addf %parallel_loop3A_435, %parallel_loop3A_441 : vector<16xf32>
      %parallel_loop3A_443 = arith.constant 29 : i32
      %parallel_loop3A_444 = arith.index_cast %parallel_loop3A_9 : i32 to index
      %parallel_loop3A_445 = arith.index_cast %parallel_loop3A_443 : i32 to index
      %parallel_loop3A_446 = arith.constant 16 : index
      %parallel_loop3A_447 = tpu.vector_load %arg4[%parallel_loop3A_444, %parallel_loop3A_445, %parallel_loop3A_446] {strides = array<i32>} : memref<8x32x128xf32, #tpu.memory_space<vmem>>, vector<1x1x16xf32>,
      %parallel_loop3A_448 = vector.shape_cast %parallel_loop3A_447 : vector<1x1x16xf32> to vector<16xf32>
      %parallel_loop3A_449 = arith.addf %parallel_loop3A_442, %parallel_loop3A_448 : vector<16xf32>
      %parallel_loop3A_450 = arith.constant 30 : i32
      %parallel_loop3A_451 = arith.index_cast %parallel_loop3A_9 : i32 to index
      %parallel_loop3A_452 = arith.index_cast %parallel_loop3A_450 : i32 to index
      %parallel_loop3A_453 = arith.constant 16 : index
      %parallel_loop3A_454 = tpu.vector_load %arg4[%parallel_loop3A_451, %parallel_loop3A_452, %parallel_loop3A_453] {strides = array<i32>} : memref<8x32x128xf32, #tpu.memory_space<vmem>>, vector<1x1x16xf32>,
      %parallel_loop3A_455 = vector.shape_cast %parallel_loop3A_454 : vector<1x1x16xf32> to vector<16xf32>
      %parallel_loop3A_456 = arith.addf %parallel_loop3A_449, %parallel_loop3A_455 : vector<16xf32>
      %parallel_loop3A_457 = arith.constant 31 : i32
      %parallel_loop3A_458 = arith.index_cast %parallel_loop3A_9 : i32 to index
      %parallel_loop3A_459 = arith.index_cast %parallel_loop3A_457 : i32 to index
      %parallel_loop3A_460 = arith.constant 16 : index
      %parallel_loop3A_461 = tpu.vector_load %arg4[%parallel_loop3A_458, %parallel_loop3A_459, %parallel_loop3A_460] {strides = array<i32>} : memref<8x32x128xf32, #tpu.memory_space<vmem>>, vector<1x1x16xf32>,
      %parallel_loop3A_462 = vector.shape_cast %parallel_loop3A_461 : vector<1x1x16xf32> to vector<16xf32>
      %parallel_loop3A_463 = arith.addf %parallel_loop3A_456, %parallel_loop3A_462 : vector<16xf32>
      %parallel_loop3A_464 = arith.constant 3.125000e-02 : f32
      %parallel_loop3A_465 = vector.broadcast %parallel_loop3A_464 : f32 to vector<16xf32>
      %parallel_loop3A_466 = arith.mulf %parallel_loop3A_463, %parallel_loop3A_465 : vector<16xf32>
      %parallel_loop3A_467 = arith.index_cast %parallel_loop3A_9 : i32 to index
      %parallel_loop3A_468 = arith.constant 16 : index
      %parallel_loop3A_469 = tpu.vector_load %arg5[%parallel_loop3A_467, %parallel_loop3A_468] {strides = array<i32>} : memref<8x128xf32, #tpu.memory_space<vmem>>, vector<1x16xf32>,
      %parallel_loop3A_470 = vector.shape_cast %parallel_loop3A_469 : vector<1x16xf32> to vector<16xf32>
      %parallel_loop3A_471 = vector.shape_cast %parallel_loop3A_466 : vector<16xf32> to vector<1x16xf32>
      tpu.vector_store %arg5[%parallel_loop3A_467, %parallel_loop3A_468], %parallel_loop3A_471 {strides = array<i32>} : memref<8x128xf32, #tpu.memory_space<vmem>>, vector<1x16xf32>,
      %parallel_loop3A_472 = arith.constant 0 : i32
      %parallel_loop3A_473 = arith.index_cast %parallel_loop3A_9 : i32 to index
      %parallel_loop3A_474 = arith.index_cast %parallel_loop3A_472 : i32 to index
      %parallel_loop3A_475 = arith.constant 32 : index
      %parallel_loop3A_476 = tpu.vector_load %arg4[%parallel_loop3A_473, %parallel_loop3A_474, %parallel_loop3A_475] {strides = array<i32>} : memref<8x32x128xf32, #tpu.memory_space<vmem>>, vector<1x1x16xf32>,
      %parallel_loop3A_477 = vector.shape_cast %parallel_loop3A_476 : vector<1x1x16xf32> to vector<16xf32>
      %parallel_loop3A_478 = arith.constant 1 : i32
      %parallel_loop3A_479 = arith.index_cast %parallel_loop3A_9 : i32 to index
      %parallel_loop3A_480 = arith.index_cast %parallel_loop3A_478 : i32 to index
      %parallel_loop3A_481 = arith.constant 32 : index
      %parallel_loop3A_482 = tpu.vector_load %arg4[%parallel_loop3A_479, %parallel_loop3A_480, %parallel_loop3A_481] {strides = array<i32>} : memref<8x32x128xf32, #tpu.memory_space<vmem>>, vector<1x1x16xf32>,
      %parallel_loop3A_483 = vector.shape_cast %parallel_loop3A_482 : vector<1x1x16xf32> to vector<16xf32>
      %parallel_loop3A_484 = arith.addf %parallel_loop3A_477, %parallel_loop3A_483 : vector<16xf32>
      %parallel_loop3A_485 = arith.constant 2 : i32
      %parallel_loop3A_486 = arith.index_cast %parallel_loop3A_9 : i32 to index
      %parallel_loop3A_487 = arith.index_cast %parallel_loop3A_485 : i32 to index
      %parallel_loop3A_488 = arith.constant 32 : index
      %parallel_loop3A_489 = tpu.vector_load %arg4[%parallel_loop3A_486, %parallel_loop3A_487, %parallel_loop3A_488] {strides = array<i32>} : memref<8x32x128xf32, #tpu.memory_space<vmem>>, vector<1x1x16xf32>,
      %parallel_loop3A_490 = vector.shape_cast %parallel_loop3A_489 : vector<1x1x16xf32> to vector<16xf32>
      %parallel_loop3A_491 = arith.addf %parallel_loop3A_484, %parallel_loop3A_490 : vector<16xf32>
      %parallel_loop3A_492 = arith.constant 3 : i32
      %parallel_loop3A_493 = arith.index_cast %parallel_loop3A_9 : i32 to index
      %parallel_loop3A_494 = arith.index_cast %parallel_loop3A_492 : i32 to index
      %parallel_loop3A_495 = arith.constant 32 : index
      %parallel_loop3A_496 = tpu.vector_load %arg4[%parallel_loop3A_493, %parallel_loop3A_494, %parallel_loop3A_495] {strides = array<i32>} : memref<8x32x128xf32, #tpu.memory_space<vmem>>, vector<1x1x16xf32>,
      %parallel_loop3A_497 = vector.shape_cast %parallel_loop3A_496 : vector<1x1x16xf32> to vector<16xf32>
      %parallel_loop3A_498 = arith.addf %parallel_loop3A_491, %parallel_loop3A_497 : vector<16xf32>
      %parallel_loop3A_499 = arith.constant 4 : i32
      %parallel_loop3A_500 = arith.index_cast %parallel_loop3A_9 : i32 to index
      %parallel_loop3A_501 = arith.index_cast %parallel_loop3A_499 : i32 to index
      %parallel_loop3A_502 = arith.constant 32 : index
      %parallel_loop3A_503 = tpu.vector_load %arg4[%parallel_loop3A_500, %parallel_loop3A_501, %parallel_loop3A_502] {strides = array<i32>} : memref<8x32x128xf32, #tpu.memory_space<vmem>>, vector<1x1x16xf32>,
      %parallel_loop3A_504 = vector.shape_cast %parallel_loop3A_503 : vector<1x1x16xf32> to vector<16xf32>
      %parallel_loop3A_505 = arith.addf %parallel_loop3A_498, %parallel_loop3A_504 : vector<16xf32>
      %parallel_loop3A_506 = arith.constant 5 : i32
      %parallel_loop3A_507 = arith.index_cast %parallel_loop3A_9 : i32 to index
      %parallel_loop3A_508 = arith.index_cast %parallel_loop3A_506 : i32 to index
      %parallel_loop3A_509 = arith.constant 32 : index
      %parallel_loop3A_510 = tpu.vector_load %arg4[%parallel_loop3A_507, %parallel_loop3A_508, %parallel_loop3A_509] {strides = array<i32>} : memref<8x32x128xf32, #tpu.memory_space<vmem>>, vector<1x1x16xf32>,
      %parallel_loop3A_511 = vector.shape_cast %parallel_loop3A_510 : vector<1x1x16xf32> to vector<16xf32>
      %parallel_loop3A_512 = arith.addf %parallel_loop3A_505, %parallel_loop3A_511 : vector<16xf32>
      %parallel_loop3A_513 = arith.constant 6 : i32
      %parallel_loop3A_514 = arith.index_cast %parallel_loop3A_9 : i32 to index
      %parallel_loop3A_515 = arith.index_cast %parallel_loop3A_513 : i32 to index
      %parallel_loop3A_516 = arith.constant 32 : index
      %parallel_loop3A_517 = tpu.vector_load %arg4[%parallel_loop3A_514, %parallel_loop3A_515, %parallel_loop3A_516] {strides = array<i32>} : memref<8x32x128xf32, #tpu.memory_space<vmem>>, vector<1x1x16xf32>,
      %parallel_loop3A_518 = vector.shape_cast %parallel_loop3A_517 : vector<1x1x16xf32> to vector<16xf32>
      %parallel_loop3A_519 = arith.addf %parallel_loop3A_512, %parallel_loop3A_518 : vector<16xf32>
      %parallel_loop3A_520 = arith.constant 7 : i32
      %parallel_loop3A_521 = arith.index_cast %parallel_loop3A_9 : i32 to index
      %parallel_loop3A_522 = arith.index_cast %parallel_loop3A_520 : i32 to index
      %parallel_loop3A_523 = arith.constant 32 : index
      %parallel_loop3A_524 = tpu.vector_load %arg4[%parallel_loop3A_521, %parallel_loop3A_522, %parallel_loop3A_523] {strides = array<i32>} : memref<8x32x128xf32, #tpu.memory_space<vmem>>, vector<1x1x16xf32>,
      %parallel_loop3A_525 = vector.shape_cast %parallel_loop3A_524 : vector<1x1x16xf32> to vector<16xf32>
      %parallel_loop3A_526 = arith.addf %parallel_loop3A_519, %parallel_loop3A_525 : vector<16xf32>
      %parallel_loop3A_527 = arith.constant 8 : i32
      %parallel_loop3A_528 = arith.index_cast %parallel_loop3A_9 : i32 to index
      %parallel_loop3A_529 = arith.index_cast %parallel_loop3A_527 : i32 to index
      %parallel_loop3A_530 = arith.constant 32 : index
      %parallel_loop3A_531 = tpu.vector_load %arg4[%parallel_loop3A_528, %parallel_loop3A_529, %parallel_loop3A_530] {strides = array<i32>} : memref<8x32x128xf32, #tpu.memory_space<vmem>>, vector<1x1x16xf32>,
      %parallel_loop3A_532 = vector.shape_cast %parallel_loop3A_531 : vector<1x1x16xf32> to vector<16xf32>
      %parallel_loop3A_533 = arith.addf %parallel_loop3A_526, %parallel_loop3A_532 : vector<16xf32>
      %parallel_loop3A_534 = arith.constant 9 : i32
      %parallel_loop3A_535 = arith.index_cast %parallel_loop3A_9 : i32 to index
      %parallel_loop3A_536 = arith.index_cast %parallel_loop3A_534 : i32 to index
      %parallel_loop3A_537 = arith.constant 32 : index
      %parallel_loop3A_538 = tpu.vector_load %arg4[%parallel_loop3A_535, %parallel_loop3A_536, %parallel_loop3A_537] {strides = array<i32>} : memref<8x32x128xf32, #tpu.memory_space<vmem>>, vector<1x1x16xf32>,
      %parallel_loop3A_539 = vector.shape_cast %parallel_loop3A_538 : vector<1x1x16xf32> to vector<16xf32>
      %parallel_loop3A_540 = arith.addf %parallel_loop3A_533, %parallel_loop3A_539 : vector<16xf32>
      %parallel_loop3A_541 = arith.constant 10 : i32
      %parallel_loop3A_542 = arith.index_cast %parallel_loop3A_9 : i32 to index
      %parallel_loop3A_543 = arith.index_cast %parallel_loop3A_541 : i32 to index
      %parallel_loop3A_544 = arith.constant 32 : index
      %parallel_loop3A_545 = tpu.vector_load %arg4[%parallel_loop3A_542, %parallel_loop3A_543, %parallel_loop3A_544] {strides = array<i32>} : memref<8x32x128xf32, #tpu.memory_space<vmem>>, vector<1x1x16xf32>,
      %parallel_loop3A_546 = vector.shape_cast %parallel_loop3A_545 : vector<1x1x16xf32> to vector<16xf32>
      %parallel_loop3A_547 = arith.addf %parallel_loop3A_540, %parallel_loop3A_546 : vector<16xf32>
      %parallel_loop3A_548 = arith.constant 11 : i32
      %parallel_loop3A_549 = arith.index_cast %parallel_loop3A_9 : i32 to index
      %parallel_loop3A_550 = arith.index_cast %parallel_loop3A_548 : i32 to index
      %parallel_loop3A_551 = arith.constant 32 : index
      %parallel_loop3A_552 = tpu.vector_load %arg4[%parallel_loop3A_549, %parallel_loop3A_550, %parallel_loop3A_551] {strides = array<i32>} : memref<8x32x128xf32, #tpu.memory_space<vmem>>, vector<1x1x16xf32>,
      %parallel_loop3A_553 = vector.shape_cast %parallel_loop3A_552 : vector<1x1x16xf32> to vector<16xf32>
      %parallel_loop3A_554 = arith.addf %parallel_loop3A_547, %parallel_loop3A_553 : vector<16xf32>
      %parallel_loop3A_555 = arith.constant 12 : i32
      %parallel_loop3A_556 = arith.index_cast %parallel_loop3A_9 : i32 to index
      %parallel_loop3A_557 = arith.index_cast %parallel_loop3A_555 : i32 to index
      %parallel_loop3A_558 = arith.constant 32 : index
      %parallel_loop3A_559 = tpu.vector_load %arg4[%parallel_loop3A_556, %parallel_loop3A_557, %parallel_loop3A_558] {strides = array<i32>} : memref<8x32x128xf32, #tpu.memory_space<vmem>>, vector<1x1x16xf32>,
      %parallel_loop3A_560 = vector.shape_cast %parallel_loop3A_559 : vector<1x1x16xf32> to vector<16xf32>
      %parallel_loop3A_561 = arith.addf %parallel_loop3A_554, %parallel_loop3A_560 : vector<16xf32>
      %parallel_loop3A_562 = arith.constant 13 : i32
      %parallel_loop3A_563 = arith.index_cast %parallel_loop3A_9 : i32 to index
      %parallel_loop3A_564 = arith.index_cast %parallel_loop3A_562 : i32 to index
      %parallel_loop3A_565 = arith.constant 32 : index
      %parallel_loop3A_566 = tpu.vector_load %arg4[%parallel_loop3A_563, %parallel_loop3A_564, %parallel_loop3A_565] {strides = array<i32>} : memref<8x32x128xf32, #tpu.memory_space<vmem>>, vector<1x1x16xf32>,
      %parallel_loop3A_567 = vector.shape_cast %parallel_loop3A_566 : vector<1x1x16xf32> to vector<16xf32>
      %parallel_loop3A_568 = arith.addf %parallel_loop3A_561, %parallel_loop3A_567 : vector<16xf32>
      %parallel_loop3A_569 = arith.constant 14 : i32
      %parallel_loop3A_570 = arith.index_cast %parallel_loop3A_9 : i32 to index
      %parallel_loop3A_571 = arith.index_cast %parallel_loop3A_569 : i32 to index
      %parallel_loop3A_572 = arith.constant 32 : index
      %parallel_loop3A_573 = tpu.vector_load %arg4[%parallel_loop3A_570, %parallel_loop3A_571, %parallel_loop3A_572] {strides = array<i32>} : memref<8x32x128xf32, #tpu.memory_space<vmem>>, vector<1x1x16xf32>,
      %parallel_loop3A_574 = vector.shape_cast %parallel_loop3A_573 : vector<1x1x16xf32> to vector<16xf32>
      %parallel_loop3A_575 = arith.addf %parallel_loop3A_568, %parallel_loop3A_574 : vector<16xf32>
      %parallel_loop3A_576 = arith.constant 15 : i32
      %parallel_loop3A_577 = arith.index_cast %parallel_loop3A_9 : i32 to index
      %parallel_loop3A_578 = arith.index_cast %parallel_loop3A_576 : i32 to index
      %parallel_loop3A_579 = arith.constant 32 : index
      %parallel_loop3A_580 = tpu.vector_load %arg4[%parallel_loop3A_577, %parallel_loop3A_578, %parallel_loop3A_579] {strides = array<i32>} : memref<8x32x128xf32, #tpu.memory_space<vmem>>, vector<1x1x16xf32>,
      %parallel_loop3A_581 = vector.shape_cast %parallel_loop3A_580 : vector<1x1x16xf32> to vector<16xf32>
      %parallel_loop3A_582 = arith.addf %parallel_loop3A_575, %parallel_loop3A_581 : vector<16xf32>
      %parallel_loop3A_583 = arith.constant 16 : i32
      %parallel_loop3A_584 = arith.index_cast %parallel_loop3A_9 : i32 to index
      %parallel_loop3A_585 = arith.index_cast %parallel_loop3A_583 : i32 to index
      %parallel_loop3A_586 = arith.constant 32 : index
      %parallel_loop3A_587 = tpu.vector_load %arg4[%parallel_loop3A_584, %parallel_loop3A_585, %parallel_loop3A_586] {strides = array<i32>} : memref<8x32x128xf32, #tpu.memory_space<vmem>>, vector<1x1x16xf32>,
      %parallel_loop3A_588 = vector.shape_cast %parallel_loop3A_587 : vector<1x1x16xf32> to vector<16xf32>
      %parallel_loop3A_589 = arith.addf %parallel_loop3A_582, %parallel_loop3A_588 : vector<16xf32>
      %parallel_loop3A_590 = arith.constant 17 : i32
      %parallel_loop3A_591 = arith.index_cast %parallel_loop3A_9 : i32 to index
      %parallel_loop3A_592 = arith.index_cast %parallel_loop3A_590 : i32 to index
      %parallel_loop3A_593 = arith.constant 32 : index
      %parallel_loop3A_594 = tpu.vector_load %arg4[%parallel_loop3A_591, %parallel_loop3A_592, %parallel_loop3A_593] {strides = array<i32>} : memref<8x32x128xf32, #tpu.memory_space<vmem>>, vector<1x1x16xf32>,
      %parallel_loop3A_595 = vector.shape_cast %parallel_loop3A_594 : vector<1x1x16xf32> to vector<16xf32>
      %parallel_loop3A_596 = arith.addf %parallel_loop3A_589, %parallel_loop3A_595 : vector<16xf32>
      %parallel_loop3A_597 = arith.constant 18 : i32
      %parallel_loop3A_598 = arith.index_cast %parallel_loop3A_9 : i32 to index
      %parallel_loop3A_599 = arith.index_cast %parallel_loop3A_597 : i32 to index
      %parallel_loop3A_600 = arith.constant 32 : index
      %parallel_loop3A_601 = tpu.vector_load %arg4[%parallel_loop3A_598, %parallel_loop3A_599, %parallel_loop3A_600] {strides = array<i32>} : memref<8x32x128xf32, #tpu.memory_space<vmem>>, vector<1x1x16xf32>,
      %parallel_loop3A_602 = vector.shape_cast %parallel_loop3A_601 : vector<1x1x16xf32> to vector<16xf32>
      %parallel_loop3A_603 = arith.addf %parallel_loop3A_596, %parallel_loop3A_602 : vector<16xf32>
      %parallel_loop3A_604 = arith.constant 19 : i32
      %parallel_loop3A_605 = arith.index_cast %parallel_loop3A_9 : i32 to index
      %parallel_loop3A_606 = arith.index_cast %parallel_loop3A_604 : i32 to index
      %parallel_loop3A_607 = arith.constant 32 : index
      %parallel_loop3A_608 = tpu.vector_load %arg4[%parallel_loop3A_605, %parallel_loop3A_606, %parallel_loop3A_607] {strides = array<i32>} : memref<8x32x128xf32, #tpu.memory_space<vmem>>, vector<1x1x16xf32>,
      %parallel_loop3A_609 = vector.shape_cast %parallel_loop3A_608 : vector<1x1x16xf32> to vector<16xf32>
      %parallel_loop3A_610 = arith.addf %parallel_loop3A_603, %parallel_loop3A_609 : vector<16xf32>
      %parallel_loop3A_611 = arith.constant 20 : i32
      %parallel_loop3A_612 = arith.index_cast %parallel_loop3A_9 : i32 to index
      %parallel_loop3A_613 = arith.index_cast %parallel_loop3A_611 : i32 to index
      %parallel_loop3A_614 = arith.constant 32 : index
      %parallel_loop3A_615 = tpu.vector_load %arg4[%parallel_loop3A_612, %parallel_loop3A_613, %parallel_loop3A_614] {strides = array<i32>} : memref<8x32x128xf32, #tpu.memory_space<vmem>>, vector<1x1x16xf32>,
      %parallel_loop3A_616 = vector.shape_cast %parallel_loop3A_615 : vector<1x1x16xf32> to vector<16xf32>
      %parallel_loop3A_617 = arith.addf %parallel_loop3A_610, %parallel_loop3A_616 : vector<16xf32>
      %parallel_loop3A_618 = arith.constant 21 : i32
      %parallel_loop3A_619 = arith.index_cast %parallel_loop3A_9 : i32 to index
      %parallel_loop3A_620 = arith.index_cast %parallel_loop3A_618 : i32 to index
      %parallel_loop3A_621 = arith.constant 32 : index
      %parallel_loop3A_622 = tpu.vector_load %arg4[%parallel_loop3A_619, %parallel_loop3A_620, %parallel_loop3A_621] {strides = array<i32>} : memref<8x32x128xf32, #tpu.memory_space<vmem>>, vector<1x1x16xf32>,
      %parallel_loop3A_623 = vector.shape_cast %parallel_loop3A_622 : vector<1x1x16xf32> to vector<16xf32>
      %parallel_loop3A_624 = arith.addf %parallel_loop3A_617, %parallel_loop3A_623 : vector<16xf32>
      %parallel_loop3A_625 = arith.constant 22 : i32
      %parallel_loop3A_626 = arith.index_cast %parallel_loop3A_9 : i32 to index
      %parallel_loop3A_627 = arith.index_cast %parallel_loop3A_625 : i32 to index
      %parallel_loop3A_628 = arith.constant 32 : index
      %parallel_loop3A_629 = tpu.vector_load %arg4[%parallel_loop3A_626, %parallel_loop3A_627, %parallel_loop3A_628] {strides = array<i32>} : memref<8x32x128xf32, #tpu.memory_space<vmem>>, vector<1x1x16xf32>,
      %parallel_loop3A_630 = vector.shape_cast %parallel_loop3A_629 : vector<1x1x16xf32> to vector<16xf32>
      %parallel_loop3A_631 = arith.addf %parallel_loop3A_624, %parallel_loop3A_630 : vector<16xf32>
      %parallel_loop3A_632 = arith.constant 23 : i32
      %parallel_loop3A_633 = arith.index_cast %parallel_loop3A_9 : i32 to index
      %parallel_loop3A_634 = arith.index_cast %parallel_loop3A_632 : i32 to index
      %parallel_loop3A_635 = arith.constant 32 : index
      %parallel_loop3A_636 = tpu.vector_load %arg4[%parallel_loop3A_633, %parallel_loop3A_634, %parallel_loop3A_635] {strides = array<i32>} : memref<8x32x128xf32, #tpu.memory_space<vmem>>, vector<1x1x16xf32>,
      %parallel_loop3A_637 = vector.shape_cast %parallel_loop3A_636 : vector<1x1x16xf32> to vector<16xf32>
      %parallel_loop3A_638 = arith.addf %parallel_loop3A_631, %parallel_loop3A_637 : vector<16xf32>
      %parallel_loop3A_639 = arith.constant 24 : i32
      %parallel_loop3A_640 = arith.index_cast %parallel_loop3A_9 : i32 to index
      %parallel_loop3A_641 = arith.index_cast %parallel_loop3A_639 : i32 to index
      %parallel_loop3A_642 = arith.constant 32 : index
      %parallel_loop3A_643 = tpu.vector_load %arg4[%parallel_loop3A_640, %parallel_loop3A_641, %parallel_loop3A_642] {strides = array<i32>} : memref<8x32x128xf32, #tpu.memory_space<vmem>>, vector<1x1x16xf32>,
      %parallel_loop3A_644 = vector.shape_cast %parallel_loop3A_643 : vector<1x1x16xf32> to vector<16xf32>
      %parallel_loop3A_645 = arith.addf %parallel_loop3A_638, %parallel_loop3A_644 : vector<16xf32>
      %parallel_loop3A_646 = arith.constant 25 : i32
      %parallel_loop3A_647 = arith.index_cast %parallel_loop3A_9 : i32 to index
      %parallel_loop3A_648 = arith.index_cast %parallel_loop3A_646 : i32 to index
      %parallel_loop3A_649 = arith.constant 32 : index
      %parallel_loop3A_650 = tpu.vector_load %arg4[%parallel_loop3A_647, %parallel_loop3A_648, %parallel_loop3A_649] {strides = array<i32>} : memref<8x32x128xf32, #tpu.memory_space<vmem>>, vector<1x1x16xf32>,
      %parallel_loop3A_651 = vector.shape_cast %parallel_loop3A_650 : vector<1x1x16xf32> to vector<16xf32>
      %parallel_loop3A_652 = arith.addf %parallel_loop3A_645, %parallel_loop3A_651 : vector<16xf32>
      %parallel_loop3A_653 = arith.constant 26 : i32
      %parallel_loop3A_654 = arith.index_cast %parallel_loop3A_9 : i32 to index
      %parallel_loop3A_655 = arith.index_cast %parallel_loop3A_653 : i32 to index
      %parallel_loop3A_656 = arith.constant 32 : index
      %parallel_loop3A_657 = tpu.vector_load %arg4[%parallel_loop3A_654, %parallel_loop3A_655, %parallel_loop3A_656] {strides = array<i32>} : memref<8x32x128xf32, #tpu.memory_space<vmem>>, vector<1x1x16xf32>,
      %parallel_loop3A_658 = vector.shape_cast %parallel_loop3A_657 : vector<1x1x16xf32> to vector<16xf32>
      %parallel_loop3A_659 = arith.addf %parallel_loop3A_652, %parallel_loop3A_658 : vector<16xf32>
      %parallel_loop3A_660 = arith.constant 27 : i32
      %parallel_loop3A_661 = arith.index_cast %parallel_loop3A_9 : i32 to index
      %parallel_loop3A_662 = arith.index_cast %parallel_loop3A_660 : i32 to index
      %parallel_loop3A_663 = arith.constant 32 : index
      %parallel_loop3A_664 = tpu.vector_load %arg4[%parallel_loop3A_661, %parallel_loop3A_662, %parallel_loop3A_663] {strides = array<i32>} : memref<8x32x128xf32, #tpu.memory_space<vmem>>, vector<1x1x16xf32>,
      %parallel_loop3A_665 = vector.shape_cast %parallel_loop3A_664 : vector<1x1x16xf32> to vector<16xf32>
      %parallel_loop3A_666 = arith.addf %parallel_loop3A_659, %parallel_loop3A_665 : vector<16xf32>
      %parallel_loop3A_667 = arith.constant 28 : i32
      %parallel_loop3A_668 = arith.index_cast %parallel_loop3A_9 : i32 to index
      %parallel_loop3A_669 = arith.index_cast %parallel_loop3A_667 : i32 to index
      %parallel_loop3A_670 = arith.constant 32 : index
      %parallel_loop3A_671 = tpu.vector_load %arg4[%parallel_loop3A_668, %parallel_loop3A_669, %parallel_loop3A_670] {strides = array<i32>} : memref<8x32x128xf32, #tpu.memory_space<vmem>>, vector<1x1x16xf32>,
      %parallel_loop3A_672 = vector.shape_cast %parallel_loop3A_671 : vector<1x1x16xf32> to vector<16xf32>
      %parallel_loop3A_673 = arith.addf %parallel_loop3A_666, %parallel_loop3A_672 : vector<16xf32>
      %parallel_loop3A_674 = arith.constant 29 : i32
      %parallel_loop3A_675 = arith.index_cast %parallel_loop3A_9 : i32 to index
      %parallel_loop3A_676 = arith.index_cast %parallel_loop3A_674 : i32 to index
      %parallel_loop3A_677 = arith.constant 32 : index
      %parallel_loop3A_678 = tpu.vector_load %arg4[%parallel_loop3A_675, %parallel_loop3A_676, %parallel_loop3A_677] {strides = array<i32>} : memref<8x32x128xf32, #tpu.memory_space<vmem>>, vector<1x1x16xf32>,
      %parallel_loop3A_679 = vector.shape_cast %parallel_loop3A_678 : vector<1x1x16xf32> to vector<16xf32>
      %parallel_loop3A_680 = arith.addf %parallel_loop3A_673, %parallel_loop3A_679 : vector<16xf32>
      %parallel_loop3A_681 = arith.constant 30 : i32
      %parallel_loop3A_682 = arith.index_cast %parallel_loop3A_9 : i32 to index
      %parallel_loop3A_683 = arith.index_cast %parallel_loop3A_681 : i32 to index
      %parallel_loop3A_684 = arith.constant 32 : index
      %parallel_loop3A_685 = tpu.vector_load %arg4[%parallel_loop3A_682, %parallel_loop3A_683, %parallel_loop3A_684] {strides = array<i32>} : memref<8x32x128xf32, #tpu.memory_space<vmem>>, vector<1x1x16xf32>,
      %parallel_loop3A_686 = vector.shape_cast %parallel_loop3A_685 : vector<1x1x16xf32> to vector<16xf32>
      %parallel_loop3A_687 = arith.addf %parallel_loop3A_680, %parallel_loop3A_686 : vector<16xf32>
      %parallel_loop3A_688 = arith.constant 31 : i32
      %parallel_loop3A_689 = arith.index_cast %parallel_loop3A_9 : i32 to index
      %parallel_loop3A_690 = arith.index_cast %parallel_loop3A_688 : i32 to index
      %parallel_loop3A_691 = arith.constant 32 : index
      %parallel_loop3A_692 = tpu.vector_load %arg4[%parallel_loop3A_689, %parallel_loop3A_690, %parallel_loop3A_691] {strides = array<i32>} : memref<8x32x128xf32, #tpu.memory_space<vmem>>, vector<1x1x16xf32>,
      %parallel_loop3A_693 = vector.shape_cast %parallel_loop3A_692 : vector<1x1x16xf32> to vector<16xf32>
      %parallel_loop3A_694 = arith.addf %parallel_loop3A_687, %parallel_loop3A_693 : vector<16xf32>
      %parallel_loop3A_695 = arith.constant 3.125000e-02 : f32
      %parallel_loop3A_696 = vector.broadcast %parallel_loop3A_695 : f32 to vector<16xf32>
      %parallel_loop3A_697 = arith.mulf %parallel_loop3A_694, %parallel_loop3A_696 : vector<16xf32>
      %parallel_loop3A_698 = arith.index_cast %parallel_loop3A_9 : i32 to index
      %parallel_loop3A_699 = arith.constant 32 : index
      %parallel_loop3A_700 = tpu.vector_load %arg5[%parallel_loop3A_698, %parallel_loop3A_699] {strides = array<i32>} : memref<8x128xf32, #tpu.memory_space<vmem>>, vector<1x16xf32>,
      %parallel_loop3A_701 = vector.shape_cast %parallel_loop3A_700 : vector<1x16xf32> to vector<16xf32>
      %parallel_loop3A_702 = vector.shape_cast %parallel_loop3A_697 : vector<16xf32> to vector<1x16xf32>
      tpu.vector_store %arg5[%parallel_loop3A_698, %parallel_loop3A_699], %parallel_loop3A_702 {strides = array<i32>} : memref<8x128xf32, #tpu.memory_space<vmem>>, vector<1x16xf32>,
      %parallel_loop3A_703 = arith.constant 0 : i32
      %parallel_loop3A_704 = arith.index_cast %parallel_loop3A_9 : i32 to index
      %parallel_loop3A_705 = arith.index_cast %parallel_loop3A_703 : i32 to index
      %parallel_loop3A_706 = arith.constant 48 : index
      %parallel_loop3A_707 = tpu.vector_load %arg4[%parallel_loop3A_704, %parallel_loop3A_705, %parallel_loop3A_706] {strides = array<i32>} : memref<8x32x128xf32, #tpu.memory_space<vmem>>, vector<1x1x16xf32>,
      %parallel_loop3A_708 = vector.shape_cast %parallel_loop3A_707 : vector<1x1x16xf32> to vector<16xf32>
      %parallel_loop3A_709 = arith.constant 1 : i32
      %parallel_loop3A_710 = arith.index_cast %parallel_loop3A_9 : i32 to index
      %parallel_loop3A_711 = arith.index_cast %parallel_loop3A_709 : i32 to index
      %parallel_loop3A_712 = arith.constant 48 : index
      %parallel_loop3A_713 = tpu.vector_load %arg4[%parallel_loop3A_710, %parallel_loop3A_711, %parallel_loop3A_712] {strides = array<i32>} : memref<8x32x128xf32, #tpu.memory_space<vmem>>, vector<1x1x16xf32>,
      %parallel_loop3A_714 = vector.shape_cast %parallel_loop3A_713 : vector<1x1x16xf32> to vector<16xf32>
      %parallel_loop3A_715 = arith.addf %parallel_loop3A_708, %parallel_loop3A_714 : vector<16xf32>
      %parallel_loop3A_716 = arith.constant 2 : i32
      %parallel_loop3A_717 = arith.index_cast %parallel_loop3A_9 : i32 to index
      %parallel_loop3A_718 = arith.index_cast %parallel_loop3A_716 : i32 to index
      %parallel_loop3A_719 = arith.constant 48 : index
      %parallel_loop3A_720 = tpu.vector_load %arg4[%parallel_loop3A_717, %parallel_loop3A_718, %parallel_loop3A_719] {strides = array<i32>} : memref<8x32x128xf32, #tpu.memory_space<vmem>>, vector<1x1x16xf32>,
      %parallel_loop3A_721 = vector.shape_cast %parallel_loop3A_720 : vector<1x1x16xf32> to vector<16xf32>
      %parallel_loop3A_722 = arith.addf %parallel_loop3A_715, %parallel_loop3A_721 : vector<16xf32>
      %parallel_loop3A_723 = arith.constant 3 : i32
      %parallel_loop3A_724 = arith.index_cast %parallel_loop3A_9 : i32 to index
      %parallel_loop3A_725 = arith.index_cast %parallel_loop3A_723 : i32 to index
      %parallel_loop3A_726 = arith.constant 48 : index
      %parallel_loop3A_727 = tpu.vector_load %arg4[%parallel_loop3A_724, %parallel_loop3A_725, %parallel_loop3A_726] {strides = array<i32>} : memref<8x32x128xf32, #tpu.memory_space<vmem>>, vector<1x1x16xf32>,
      %parallel_loop3A_728 = vector.shape_cast %parallel_loop3A_727 : vector<1x1x16xf32> to vector<16xf32>
      %parallel_loop3A_729 = arith.addf %parallel_loop3A_722, %parallel_loop3A_728 : vector<16xf32>
      %parallel_loop3A_730 = arith.constant 4 : i32
      %parallel_loop3A_731 = arith.index_cast %parallel_loop3A_9 : i32 to index
      %parallel_loop3A_732 = arith.index_cast %parallel_loop3A_730 : i32 to index
      %parallel_loop3A_733 = arith.constant 48 : index
      %parallel_loop3A_734 = tpu.vector_load %arg4[%parallel_loop3A_731, %parallel_loop3A_732, %parallel_loop3A_733] {strides = array<i32>} : memref<8x32x128xf32, #tpu.memory_space<vmem>>, vector<1x1x16xf32>,
      %parallel_loop3A_735 = vector.shape_cast %parallel_loop3A_734 : vector<1x1x16xf32> to vector<16xf32>
      %parallel_loop3A_736 = arith.addf %parallel_loop3A_729, %parallel_loop3A_735 : vector<16xf32>
      %parallel_loop3A_737 = arith.constant 5 : i32
      %parallel_loop3A_738 = arith.index_cast %parallel_loop3A_9 : i32 to index
      %parallel_loop3A_739 = arith.index_cast %parallel_loop3A_737 : i32 to index
      %parallel_loop3A_740 = arith.constant 48 : index
      %parallel_loop3A_741 = tpu.vector_load %arg4[%parallel_loop3A_738, %parallel_loop3A_739, %parallel_loop3A_740] {strides = array<i32>} : memref<8x32x128xf32, #tpu.memory_space<vmem>>, vector<1x1x16xf32>,
      %parallel_loop3A_742 = vector.shape_cast %parallel_loop3A_741 : vector<1x1x16xf32> to vector<16xf32>
      %parallel_loop3A_743 = arith.addf %parallel_loop3A_736, %parallel_loop3A_742 : vector<16xf32>
      %parallel_loop3A_744 = arith.constant 6 : i32
      %parallel_loop3A_745 = arith.index_cast %parallel_loop3A_9 : i32 to index
      %parallel_loop3A_746 = arith.index_cast %parallel_loop3A_744 : i32 to index
      %parallel_loop3A_747 = arith.constant 48 : index
      %parallel_loop3A_748 = tpu.vector_load %arg4[%parallel_loop3A_745, %parallel_loop3A_746, %parallel_loop3A_747] {strides = array<i32>} : memref<8x32x128xf32, #tpu.memory_space<vmem>>, vector<1x1x16xf32>,
      %parallel_loop3A_749 = vector.shape_cast %parallel_loop3A_748 : vector<1x1x16xf32> to vector<16xf32>
      %parallel_loop3A_750 = arith.addf %parallel_loop3A_743, %parallel_loop3A_749 : vector<16xf32>
      %parallel_loop3A_751 = arith.constant 7 : i32
      %parallel_loop3A_752 = arith.index_cast %parallel_loop3A_9 : i32 to index
      %parallel_loop3A_753 = arith.index_cast %parallel_loop3A_751 : i32 to index
      %parallel_loop3A_754 = arith.constant 48 : index
      %parallel_loop3A_755 = tpu.vector_load %arg4[%parallel_loop3A_752, %parallel_loop3A_753, %parallel_loop3A_754] {strides = array<i32>} : memref<8x32x128xf32, #tpu.memory_space<vmem>>, vector<1x1x16xf32>,
      %parallel_loop3A_756 = vector.shape_cast %parallel_loop3A_755 : vector<1x1x16xf32> to vector<16xf32>
      %parallel_loop3A_757 = arith.addf %parallel_loop3A_750, %parallel_loop3A_756 : vector<16xf32>
      %parallel_loop3A_758 = arith.constant 8 : i32
      %parallel_loop3A_759 = arith.index_cast %parallel_loop3A_9 : i32 to index
      %parallel_loop3A_760 = arith.index_cast %parallel_loop3A_758 : i32 to index
      %parallel_loop3A_761 = arith.constant 48 : index
      %parallel_loop3A_762 = tpu.vector_load %arg4[%parallel_loop3A_759, %parallel_loop3A_760, %parallel_loop3A_761] {strides = array<i32>} : memref<8x32x128xf32, #tpu.memory_space<vmem>>, vector<1x1x16xf32>,
      %parallel_loop3A_763 = vector.shape_cast %parallel_loop3A_762 : vector<1x1x16xf32> to vector<16xf32>
      %parallel_loop3A_764 = arith.addf %parallel_loop3A_757, %parallel_loop3A_763 : vector<16xf32>
      %parallel_loop3A_765 = arith.constant 9 : i32
      %parallel_loop3A_766 = arith.index_cast %parallel_loop3A_9 : i32 to index
      %parallel_loop3A_767 = arith.index_cast %parallel_loop3A_765 : i32 to index
      %parallel_loop3A_768 = arith.constant 48 : index
      %parallel_loop3A_769 = tpu.vector_load %arg4[%parallel_loop3A_766, %parallel_loop3A_767, %parallel_loop3A_768] {strides = array<i32>} : memref<8x32x128xf32, #tpu.memory_space<vmem>>, vector<1x1x16xf32>,
      %parallel_loop3A_770 = vector.shape_cast %parallel_loop3A_769 : vector<1x1x16xf32> to vector<16xf32>
      %parallel_loop3A_771 = arith.addf %parallel_loop3A_764, %parallel_loop3A_770 : vector<16xf32>
      %parallel_loop3A_772 = arith.constant 10 : i32
      %parallel_loop3A_773 = arith.index_cast %parallel_loop3A_9 : i32 to index
      %parallel_loop3A_774 = arith.index_cast %parallel_loop3A_772 : i32 to index
      %parallel_loop3A_775 = arith.constant 48 : index
      %parallel_loop3A_776 = tpu.vector_load %arg4[%parallel_loop3A_773, %parallel_loop3A_774, %parallel_loop3A_775] {strides = array<i32>} : memref<8x32x128xf32, #tpu.memory_space<vmem>>, vector<1x1x16xf32>,
      %parallel_loop3A_777 = vector.shape_cast %parallel_loop3A_776 : vector<1x1x16xf32> to vector<16xf32>
      %parallel_loop3A_778 = arith.addf %parallel_loop3A_771, %parallel_loop3A_777 : vector<16xf32>
      %parallel_loop3A_779 = arith.constant 11 : i32
      %parallel_loop3A_780 = arith.index_cast %parallel_loop3A_9 : i32 to index
      %parallel_loop3A_781 = arith.index_cast %parallel_loop3A_779 : i32 to index
      %parallel_loop3A_782 = arith.constant 48 : index
      %parallel_loop3A_783 = tpu.vector_load %arg4[%parallel_loop3A_780, %parallel_loop3A_781, %parallel_loop3A_782] {strides = array<i32>} : memref<8x32x128xf32, #tpu.memory_space<vmem>>, vector<1x1x16xf32>,
      %parallel_loop3A_784 = vector.shape_cast %parallel_loop3A_783 : vector<1x1x16xf32> to vector<16xf32>
      %parallel_loop3A_785 = arith.addf %parallel_loop3A_778, %parallel_loop3A_784 : vector<16xf32>
      %parallel_loop3A_786 = arith.constant 12 : i32
      %parallel_loop3A_787 = arith.index_cast %parallel_loop3A_9 : i32 to index
      %parallel_loop3A_788 = arith.index_cast %parallel_loop3A_786 : i32 to index
      %parallel_loop3A_789 = arith.constant 48 : index
      %parallel_loop3A_790 = tpu.vector_load %arg4[%parallel_loop3A_787, %parallel_loop3A_788, %parallel_loop3A_789] {strides = array<i32>} : memref<8x32x128xf32, #tpu.memory_space<vmem>>, vector<1x1x16xf32>,
      %parallel_loop3A_791 = vector.shape_cast %parallel_loop3A_790 : vector<1x1x16xf32> to vector<16xf32>
      %parallel_loop3A_792 = arith.addf %parallel_loop3A_785, %parallel_loop3A_791 : vector<16xf32>
      %parallel_loop3A_793 = arith.constant 13 : i32
      %parallel_loop3A_794 = arith.index_cast %parallel_loop3A_9 : i32 to index
      %parallel_loop3A_795 = arith.index_cast %parallel_loop3A_793 : i32 to index
      %parallel_loop3A_796 = arith.constant 48 : index
      %parallel_loop3A_797 = tpu.vector_load %arg4[%parallel_loop3A_794, %parallel_loop3A_795, %parallel_loop3A_796] {strides = array<i32>} : memref<8x32x128xf32, #tpu.memory_space<vmem>>, vector<1x1x16xf32>,
      %parallel_loop3A_798 = vector.shape_cast %parallel_loop3A_797 : vector<1x1x16xf32> to vector<16xf32>
      %parallel_loop3A_799 = arith.addf %parallel_loop3A_792, %parallel_loop3A_798 : vector<16xf32>
      %parallel_loop3A_800 = arith.constant 14 : i32
      %parallel_loop3A_801 = arith.index_cast %parallel_loop3A_9 : i32 to index
      %parallel_loop3A_802 = arith.index_cast %parallel_loop3A_800 : i32 to index
      %parallel_loop3A_803 = arith.constant 48 : index
      %parallel_loop3A_804 = tpu.vector_load %arg4[%parallel_loop3A_801, %parallel_loop3A_802, %parallel_loop3A_803] {strides = array<i32>} : memref<8x32x128xf32, #tpu.memory_space<vmem>>, vector<1x1x16xf32>,
      %parallel_loop3A_805 = vector.shape_cast %parallel_loop3A_804 : vector<1x1x16xf32> to vector<16xf32>
      %parallel_loop3A_806 = arith.addf %parallel_loop3A_799, %parallel_loop3A_805 : vector<16xf32>
      %parallel_loop3A_807 = arith.constant 15 : i32
      %parallel_loop3A_808 = arith.index_cast %parallel_loop3A_9 : i32 to index
      %parallel_loop3A_809 = arith.index_cast %parallel_loop3A_807 : i32 to index
      %parallel_loop3A_810 = arith.constant 48 : index
      %parallel_loop3A_811 = tpu.vector_load %arg4[%parallel_loop3A_808, %parallel_loop3A_809, %parallel_loop3A_810] {strides = array<i32>} : memref<8x32x128xf32, #tpu.memory_space<vmem>>, vector<1x1x16xf32>,
      %parallel_loop3A_812 = vector.shape_cast %parallel_loop3A_811 : vector<1x1x16xf32> to vector<16xf32>
      %parallel_loop3A_813 = arith.addf %parallel_loop3A_806, %parallel_loop3A_812 : vector<16xf32>
      %parallel_loop3A_814 = arith.constant 16 : i32
      %parallel_loop3A_815 = arith.index_cast %parallel_loop3A_9 : i32 to index
      %parallel_loop3A_816 = arith.index_cast %parallel_loop3A_814 : i32 to index
      %parallel_loop3A_817 = arith.constant 48 : index
      %parallel_loop3A_818 = tpu.vector_load %arg4[%parallel_loop3A_815, %parallel_loop3A_816, %parallel_loop3A_817] {strides = array<i32>} : memref<8x32x128xf32, #tpu.memory_space<vmem>>, vector<1x1x16xf32>,
      %parallel_loop3A_819 = vector.shape_cast %parallel_loop3A_818 : vector<1x1x16xf32> to vector<16xf32>
      %parallel_loop3A_820 = arith.addf %parallel_loop3A_813, %parallel_loop3A_819 : vector<16xf32>
      %parallel_loop3A_821 = arith.constant 17 : i32
      %parallel_loop3A_822 = arith.index_cast %parallel_loop3A_9 : i32 to index
      %parallel_loop3A_823 = arith.index_cast %parallel_loop3A_821 : i32 to index
      %parallel_loop3A_824 = arith.constant 48 : index
      %parallel_loop3A_825 = tpu.vector_load %arg4[%parallel_loop3A_822, %parallel_loop3A_823, %parallel_loop3A_824] {strides = array<i32>} : memref<8x32x128xf32, #tpu.memory_space<vmem>>, vector<1x1x16xf32>,
      %parallel_loop3A_826 = vector.shape_cast %parallel_loop3A_825 : vector<1x1x16xf32> to vector<16xf32>
      %parallel_loop3A_827 = arith.addf %parallel_loop3A_820, %parallel_loop3A_826 : vector<16xf32>
      %parallel_loop3A_828 = arith.constant 18 : i32
      %parallel_loop3A_829 = arith.index_cast %parallel_loop3A_9 : i32 to index
      %parallel_loop3A_830 = arith.index_cast %parallel_loop3A_828 : i32 to index
      %parallel_loop3A_831 = arith.constant 48 : index
      %parallel_loop3A_832 = tpu.vector_load %arg4[%parallel_loop3A_829, %parallel_loop3A_830, %parallel_loop3A_831] {strides = array<i32>} : memref<8x32x128xf32, #tpu.memory_space<vmem>>, vector<1x1x16xf32>,
      %parallel_loop3A_833 = vector.shape_cast %parallel_loop3A_832 : vector<1x1x16xf32> to vector<16xf32>
      %parallel_loop3A_834 = arith.addf %parallel_loop3A_827, %parallel_loop3A_833 : vector<16xf32>
      %parallel_loop3A_835 = arith.constant 19 : i32
      %parallel_loop3A_836 = arith.index_cast %parallel_loop3A_9 : i32 to index
      %parallel_loop3A_837 = arith.index_cast %parallel_loop3A_835 : i32 to index
      %parallel_loop3A_838 = arith.constant 48 : index
      %parallel_loop3A_839 = tpu.vector_load %arg4[%parallel_loop3A_836, %parallel_loop3A_837, %parallel_loop3A_838] {strides = array<i32>} : memref<8x32x128xf32, #tpu.memory_space<vmem>>, vector<1x1x16xf32>,
      %parallel_loop3A_840 = vector.shape_cast %parallel_loop3A_839 : vector<1x1x16xf32> to vector<16xf32>
      %parallel_loop3A_841 = arith.addf %parallel_loop3A_834, %parallel_loop3A_840 : vector<16xf32>
      %parallel_loop3A_842 = arith.constant 20 : i32
      %parallel_loop3A_843 = arith.index_cast %parallel_loop3A_9 : i32 to index
      %parallel_loop3A_844 = arith.index_cast %parallel_loop3A_842 : i32 to index
      %parallel_loop3A_845 = arith.constant 48 : index
      %parallel_loop3A_846 = tpu.vector_load %arg4[%parallel_loop3A_843, %parallel_loop3A_844, %parallel_loop3A_845] {strides = array<i32>} : memref<8x32x128xf32, #tpu.memory_space<vmem>>, vector<1x1x16xf32>,
      %parallel_loop3A_847 = vector.shape_cast %parallel_loop3A_846 : vector<1x1x16xf32> to vector<16xf32>
      %parallel_loop3A_848 = arith.addf %parallel_loop3A_841, %parallel_loop3A_847 : vector<16xf32>
      %parallel_loop3A_849 = arith.constant 21 : i32
      %parallel_loop3A_850 = arith.index_cast %parallel_loop3A_9 : i32 to index
      %parallel_loop3A_851 = arith.index_cast %parallel_loop3A_849 : i32 to index
      %parallel_loop3A_852 = arith.constant 48 : index
      %parallel_loop3A_853 = tpu.vector_load %arg4[%parallel_loop3A_850, %parallel_loop3A_851, %parallel_loop3A_852] {strides = array<i32>} : memref<8x32x128xf32, #tpu.memory_space<vmem>>, vector<1x1x16xf32>,
      %parallel_loop3A_854 = vector.shape_cast %parallel_loop3A_853 : vector<1x1x16xf32> to vector<16xf32>
      %parallel_loop3A_855 = arith.addf %parallel_loop3A_848, %parallel_loop3A_854 : vector<16xf32>
      %parallel_loop3A_856 = arith.constant 22 : i32
      %parallel_loop3A_857 = arith.index_cast %parallel_loop3A_9 : i32 to index
      %parallel_loop3A_858 = arith.index_cast %parallel_loop3A_856 : i32 to index
      %parallel_loop3A_859 = arith.constant 48 : index
      %parallel_loop3A_860 = tpu.vector_load %arg4[%parallel_loop3A_857, %parallel_loop3A_858, %parallel_loop3A_859] {strides = array<i32>} : memref<8x32x128xf32, #tpu.memory_space<vmem>>, vector<1x1x16xf32>,
      %parallel_loop3A_861 = vector.shape_cast %parallel_loop3A_860 : vector<1x1x16xf32> to vector<16xf32>
      %parallel_loop3A_862 = arith.addf %parallel_loop3A_855, %parallel_loop3A_861 : vector<16xf32>
      %parallel_loop3A_863 = arith.constant 23 : i32
      %parallel_loop3A_864 = arith.index_cast %parallel_loop3A_9 : i32 to index
      %parallel_loop3A_865 = arith.index_cast %parallel_loop3A_863 : i32 to index
      %parallel_loop3A_866 = arith.constant 48 : index
      %parallel_loop3A_867 = tpu.vector_load %arg4[%parallel_loop3A_864, %parallel_loop3A_865, %parallel_loop3A_866] {strides = array<i32>} : memref<8x32x128xf32, #tpu.memory_space<vmem>>, vector<1x1x16xf32>,
      %parallel_loop3A_868 = vector.shape_cast %parallel_loop3A_867 : vector<1x1x16xf32> to vector<16xf32>
      %parallel_loop3A_869 = arith.addf %parallel_loop3A_862, %parallel_loop3A_868 : vector<16xf32>
      %parallel_loop3A_870 = arith.constant 24 : i32
      %parallel_loop3A_871 = arith.index_cast %parallel_loop3A_9 : i32 to index
      %parallel_loop3A_872 = arith.index_cast %parallel_loop3A_870 : i32 to index
      %parallel_loop3A_873 = arith.constant 48 : index
      %parallel_loop3A_874 = tpu.vector_load %arg4[%parallel_loop3A_871, %parallel_loop3A_872, %parallel_loop3A_873] {strides = array<i32>} : memref<8x32x128xf32, #tpu.memory_space<vmem>>, vector<1x1x16xf32>,
      %parallel_loop3A_875 = vector.shape_cast %parallel_loop3A_874 : vector<1x1x16xf32> to vector<16xf32>
      %parallel_loop3A_876 = arith.addf %parallel_loop3A_869, %parallel_loop3A_875 : vector<16xf32>
      %parallel_loop3A_877 = arith.constant 25 : i32
      %parallel_loop3A_878 = arith.index_cast %parallel_loop3A_9 : i32 to index
      %parallel_loop3A_879 = arith.index_cast %parallel_loop3A_877 : i32 to index
      %parallel_loop3A_880 = arith.constant 48 : index
      %parallel_loop3A_881 = tpu.vector_load %arg4[%parallel_loop3A_878, %parallel_loop3A_879, %parallel_loop3A_880] {strides = array<i32>} : memref<8x32x128xf32, #tpu.memory_space<vmem>>, vector<1x1x16xf32>,
      %parallel_loop3A_882 = vector.shape_cast %parallel_loop3A_881 : vector<1x1x16xf32> to vector<16xf32>
      %parallel_loop3A_883 = arith.addf %parallel_loop3A_876, %parallel_loop3A_882 : vector<16xf32>
      %parallel_loop3A_884 = arith.constant 26 : i32
      %parallel_loop3A_885 = arith.index_cast %parallel_loop3A_9 : i32 to index
      %parallel_loop3A_886 = arith.index_cast %parallel_loop3A_884 : i32 to index
      %parallel_loop3A_887 = arith.constant 48 : index
      %parallel_loop3A_888 = tpu.vector_load %arg4[%parallel_loop3A_885, %parallel_loop3A_886, %parallel_loop3A_887] {strides = array<i32>} : memref<8x32x128xf32, #tpu.memory_space<vmem>>, vector<1x1x16xf32>,
      %parallel_loop3A_889 = vector.shape_cast %parallel_loop3A_888 : vector<1x1x16xf32> to vector<16xf32>
      %parallel_loop3A_890 = arith.addf %parallel_loop3A_883, %parallel_loop3A_889 : vector<16xf32>
      %parallel_loop3A_891 = arith.constant 27 : i32
      %parallel_loop3A_892 = arith.index_cast %parallel_loop3A_9 : i32 to index
      %parallel_loop3A_893 = arith.index_cast %parallel_loop3A_891 : i32 to index
      %parallel_loop3A_894 = arith.constant 48 : index
      %parallel_loop3A_895 = tpu.vector_load %arg4[%parallel_loop3A_892, %parallel_loop3A_893, %parallel_loop3A_894] {strides = array<i32>} : memref<8x32x128xf32, #tpu.memory_space<vmem>>, vector<1x1x16xf32>,
      %parallel_loop3A_896 = vector.shape_cast %parallel_loop3A_895 : vector<1x1x16xf32> to vector<16xf32>
      %parallel_loop3A_897 = arith.addf %parallel_loop3A_890, %parallel_loop3A_896 : vector<16xf32>
      %parallel_loop3A_898 = arith.constant 28 : i32
      %parallel_loop3A_899 = arith.index_cast %parallel_loop3A_9 : i32 to index
      %parallel_loop3A_900 = arith.index_cast %parallel_loop3A_898 : i32 to index
      %parallel_loop3A_901 = arith.constant 48 : index
      %parallel_loop3A_902 = tpu.vector_load %arg4[%parallel_loop3A_899, %parallel_loop3A_900, %parallel_loop3A_901] {strides = array<i32>} : memref<8x32x128xf32, #tpu.memory_space<vmem>>, vector<1x1x16xf32>,
      %parallel_loop3A_903 = vector.shape_cast %parallel_loop3A_902 : vector<1x1x16xf32> to vector<16xf32>
      %parallel_loop3A_904 = arith.addf %parallel_loop3A_897, %parallel_loop3A_903 : vector<16xf32>
      %parallel_loop3A_905 = arith.constant 29 : i32
      %parallel_loop3A_906 = arith.index_cast %parallel_loop3A_9 : i32 to index
      %parallel_loop3A_907 = arith.index_cast %parallel_loop3A_905 : i32 to index
      %parallel_loop3A_908 = arith.constant 48 : index
      %parallel_loop3A_909 = tpu.vector_load %arg4[%parallel_loop3A_906, %parallel_loop3A_907, %parallel_loop3A_908] {strides = array<i32>} : memref<8x32x128xf32, #tpu.memory_space<vmem>>, vector<1x1x16xf32>,
      %parallel_loop3A_910 = vector.shape_cast %parallel_loop3A_909 : vector<1x1x16xf32> to vector<16xf32>
      %parallel_loop3A_911 = arith.addf %parallel_loop3A_904, %parallel_loop3A_910 : vector<16xf32>
      %parallel_loop3A_912 = arith.constant 30 : i32
      %parallel_loop3A_913 = arith.index_cast %parallel_loop3A_9 : i32 to index
      %parallel_loop3A_914 = arith.index_cast %parallel_loop3A_912 : i32 to index
      %parallel_loop3A_915 = arith.constant 48 : index
      %parallel_loop3A_916 = tpu.vector_load %arg4[%parallel_loop3A_913, %parallel_loop3A_914, %parallel_loop3A_915] {strides = array<i32>} : memref<8x32x128xf32, #tpu.memory_space<vmem>>, vector<1x1x16xf32>,
      %parallel_loop3A_917 = vector.shape_cast %parallel_loop3A_916 : vector<1x1x16xf32> to vector<16xf32>
      %parallel_loop3A_918 = arith.addf %parallel_loop3A_911, %parallel_loop3A_917 : vector<16xf32>
      %parallel_loop3A_919 = arith.constant 31 : i32
      %parallel_loop3A_920 = arith.index_cast %parallel_loop3A_9 : i32 to index
      %parallel_loop3A_921 = arith.index_cast %parallel_loop3A_919 : i32 to index
      %parallel_loop3A_922 = arith.constant 48 : index
      %parallel_loop3A_923 = tpu.vector_load %arg4[%parallel_loop3A_920, %parallel_loop3A_921, %parallel_loop3A_922] {strides = array<i32>} : memref<8x32x128xf32, #tpu.memory_space<vmem>>, vector<1x1x16xf32>,
      %parallel_loop3A_924 = vector.shape_cast %parallel_loop3A_923 : vector<1x1x16xf32> to vector<16xf32>
      %parallel_loop3A_925 = arith.addf %parallel_loop3A_918, %parallel_loop3A_924 : vector<16xf32>
      %parallel_loop3A_926 = arith.constant 3.125000e-02 : f32
      %parallel_loop3A_927 = vector.broadcast %parallel_loop3A_926 : f32 to vector<16xf32>
      %parallel_loop3A_928 = arith.mulf %parallel_loop3A_925, %parallel_loop3A_927 : vector<16xf32>
      %parallel_loop3A_929 = arith.index_cast %parallel_loop3A_9 : i32 to index
      %parallel_loop3A_930 = arith.constant 48 : index
      %parallel_loop3A_931 = tpu.vector_load %arg5[%parallel_loop3A_929, %parallel_loop3A_930] {strides = array<i32>} : memref<8x128xf32, #tpu.memory_space<vmem>>, vector<1x16xf32>,
      %parallel_loop3A_932 = vector.shape_cast %parallel_loop3A_931 : vector<1x16xf32> to vector<16xf32>
      %parallel_loop3A_933 = vector.shape_cast %parallel_loop3A_928 : vector<16xf32> to vector<1x16xf32>
      tpu.vector_store %arg5[%parallel_loop3A_929, %parallel_loop3A_930], %parallel_loop3A_933 {strides = array<i32>} : memref<8x128xf32, #tpu.memory_space<vmem>>, vector<1x16xf32>,
      %parallel_loop3A_934 = arith.constant 0 : i32
      %parallel_loop3A_935 = arith.index_cast %parallel_loop3A_9 : i32 to index
      %parallel_loop3A_936 = arith.index_cast %parallel_loop3A_934 : i32 to index
      %parallel_loop3A_937 = arith.constant 64 : index
      %parallel_loop3A_938 = tpu.vector_load %arg4[%parallel_loop3A_935, %parallel_loop3A_936, %parallel_loop3A_937] {strides = array<i32>} : memref<8x32x128xf32, #tpu.memory_space<vmem>>, vector<1x1x16xf32>,
      %parallel_loop3A_939 = vector.shape_cast %parallel_loop3A_938 : vector<1x1x16xf32> to vector<16xf32>
      %parallel_loop3A_940 = arith.constant 1 : i32
      %parallel_loop3A_941 = arith.index_cast %parallel_loop3A_9 : i32 to index
      %parallel_loop3A_942 = arith.index_cast %parallel_loop3A_940 : i32 to index
      %parallel_loop3A_943 = arith.constant 64 : index
      %parallel_loop3A_944 = tpu.vector_load %arg4[%parallel_loop3A_941, %parallel_loop3A_942, %parallel_loop3A_943] {strides = array<i32>} : memref<8x32x128xf32, #tpu.memory_space<vmem>>, vector<1x1x16xf32>,
      %parallel_loop3A_945 = vector.shape_cast %parallel_loop3A_944 : vector<1x1x16xf32> to vector<16xf32>
      %parallel_loop3A_946 = arith.addf %parallel_loop3A_939, %parallel_loop3A_945 : vector<16xf32>
      %parallel_loop3A_947 = arith.constant 2 : i32
      %parallel_loop3A_948 = arith.index_cast %parallel_loop3A_9 : i32 to index
      %parallel_loop3A_949 = arith.index_cast %parallel_loop3A_947 : i32 to index
      %parallel_loop3A_950 = arith.constant 64 : index
      %parallel_loop3A_951 = tpu.vector_load %arg4[%parallel_loop3A_948, %parallel_loop3A_949, %parallel_loop3A_950] {strides = array<i32>} : memref<8x32x128xf32, #tpu.memory_space<vmem>>, vector<1x1x16xf32>,
      %parallel_loop3A_952 = vector.shape_cast %parallel_loop3A_951 : vector<1x1x16xf32> to vector<16xf32>
      %parallel_loop3A_953 = arith.addf %parallel_loop3A_946, %parallel_loop3A_952 : vector<16xf32>
      %parallel_loop3A_954 = arith.constant 3 : i32
      %parallel_loop3A_955 = arith.index_cast %parallel_loop3A_9 : i32 to index
      %parallel_loop3A_956 = arith.index_cast %parallel_loop3A_954 : i32 to index
      %parallel_loop3A_957 = arith.constant 64 : index
      %parallel_loop3A_958 = tpu.vector_load %arg4[%parallel_loop3A_955, %parallel_loop3A_956, %parallel_loop3A_957] {strides = array<i32>} : memref<8x32x128xf32, #tpu.memory_space<vmem>>, vector<1x1x16xf32>,
      %parallel_loop3A_959 = vector.shape_cast %parallel_loop3A_958 : vector<1x1x16xf32> to vector<16xf32>
      %parallel_loop3A_960 = arith.addf %parallel_loop3A_953, %parallel_loop3A_959 : vector<16xf32>
      %parallel_loop3A_961 = arith.constant 4 : i32
      %parallel_loop3A_962 = arith.index_cast %parallel_loop3A_9 : i32 to index
      %parallel_loop3A_963 = arith.index_cast %parallel_loop3A_961 : i32 to index
      %parallel_loop3A_964 = arith.constant 64 : index
      %parallel_loop3A_965 = tpu.vector_load %arg4[%parallel_loop3A_962, %parallel_loop3A_963, %parallel_loop3A_964] {strides = array<i32>} : memref<8x32x128xf32, #tpu.memory_space<vmem>>, vector<1x1x16xf32>,
      %parallel_loop3A_966 = vector.shape_cast %parallel_loop3A_965 : vector<1x1x16xf32> to vector<16xf32>
      %parallel_loop3A_967 = arith.addf %parallel_loop3A_960, %parallel_loop3A_966 : vector<16xf32>
      %parallel_loop3A_968 = arith.constant 5 : i32
      %parallel_loop3A_969 = arith.index_cast %parallel_loop3A_9 : i32 to index
      %parallel_loop3A_970 = arith.index_cast %parallel_loop3A_968 : i32 to index
      %parallel_loop3A_971 = arith.constant 64 : index
      %parallel_loop3A_972 = tpu.vector_load %arg4[%parallel_loop3A_969, %parallel_loop3A_970, %parallel_loop3A_971] {strides = array<i32>} : memref<8x32x128xf32, #tpu.memory_space<vmem>>, vector<1x1x16xf32>,
      %parallel_loop3A_973 = vector.shape_cast %parallel_loop3A_972 : vector<1x1x16xf32> to vector<16xf32>
      %parallel_loop3A_974 = arith.addf %parallel_loop3A_967, %parallel_loop3A_973 : vector<16xf32>
      %parallel_loop3A_975 = arith.constant 6 : i32
      %parallel_loop3A_976 = arith.index_cast %parallel_loop3A_9 : i32 to index
      %parallel_loop3A_977 = arith.index_cast %parallel_loop3A_975 : i32 to index
      %parallel_loop3A_978 = arith.constant 64 : index
      %parallel_loop3A_979 = tpu.vector_load %arg4[%parallel_loop3A_976, %parallel_loop3A_977, %parallel_loop3A_978] {strides = array<i32>} : memref<8x32x128xf32, #tpu.memory_space<vmem>>, vector<1x1x16xf32>,
      %parallel_loop3A_980 = vector.shape_cast %parallel_loop3A_979 : vector<1x1x16xf32> to vector<16xf32>
      %parallel_loop3A_981 = arith.addf %parallel_loop3A_974, %parallel_loop3A_980 : vector<16xf32>
      %parallel_loop3A_982 = arith.constant 7 : i32
      %parallel_loop3A_983 = arith.index_cast %parallel_loop3A_9 : i32 to index
      %parallel_loop3A_984 = arith.index_cast %parallel_loop3A_982 : i32 to index
      %parallel_loop3A_985 = arith.constant 64 : index
      %parallel_loop3A_986 = tpu.vector_load %arg4[%parallel_loop3A_983, %parallel_loop3A_984, %parallel_loop3A_985] {strides = array<i32>} : memref<8x32x128xf32, #tpu.memory_space<vmem>>, vector<1x1x16xf32>,
      %parallel_loop3A_987 = vector.shape_cast %parallel_loop3A_986 : vector<1x1x16xf32> to vector<16xf32>
      %parallel_loop3A_988 = arith.addf %parallel_loop3A_981, %parallel_loop3A_987 : vector<16xf32>
      %parallel_loop3A_989 = arith.constant 8 : i32
      %parallel_loop3A_990 = arith.index_cast %parallel_loop3A_9 : i32 to index
      %parallel_loop3A_991 = arith.index_cast %parallel_loop3A_989 : i32 to index
      %parallel_loop3A_992 = arith.constant 64 : index
      %parallel_loop3A_993 = tpu.vector_load %arg4[%parallel_loop3A_990, %parallel_loop3A_991, %parallel_loop3A_992] {strides = array<i32>} : memref<8x32x128xf32, #tpu.memory_space<vmem>>, vector<1x1x16xf32>,
      %parallel_loop3A_994 = vector.shape_cast %parallel_loop3A_993 : vector<1x1x16xf32> to vector<16xf32>
      %parallel_loop3A_995 = arith.addf %parallel_loop3A_988, %parallel_loop3A_994 : vector<16xf32>
      %parallel_loop3A_996 = arith.constant 9 : i32
      %parallel_loop3A_997 = arith.index_cast %parallel_loop3A_9 : i32 to index
      %parallel_loop3A_998 = arith.index_cast %parallel_loop3A_996 : i32 to index
      %parallel_loop3A_999 = arith.constant 64 : index
      %parallel_loop3A_1000 = tpu.vector_load %arg4[%parallel_loop3A_997, %parallel_loop3A_998, %parallel_loop3A_999] {strides = array<i32>} : memref<8x32x128xf32, #tpu.memory_space<vmem>>, vector<1x1x16xf32>,
      %parallel_loop3A_1001 = vector.shape_cast %parallel_loop3A_1000 : vector<1x1x16xf32> to vector<16xf32>
      %parallel_loop3A_1002 = arith.addf %parallel_loop3A_995, %parallel_loop3A_1001 : vector<16xf32>
      %parallel_loop3A_1003 = arith.constant 10 : i32
      %parallel_loop3A_1004 = arith.index_cast %parallel_loop3A_9 : i32 to index
      %parallel_loop3A_1005 = arith.index_cast %parallel_loop3A_1003 : i32 to index
      %parallel_loop3A_1006 = arith.constant 64 : index
      %parallel_loop3A_1007 = tpu.vector_load %arg4[%parallel_loop3A_1004, %parallel_loop3A_1005, %parallel_loop3A_1006] {strides = array<i32>} : memref<8x32x128xf32, #tpu.memory_space<vmem>>, vector<1x1x16xf32>,
      %parallel_loop3A_1008 = vector.shape_cast %parallel_loop3A_1007 : vector<1x1x16xf32> to vector<16xf32>
      %parallel_loop3A_1009 = arith.addf %parallel_loop3A_1002, %parallel_loop3A_1008 : vector<16xf32>
      %parallel_loop3A_1010 = arith.constant 11 : i32
      %parallel_loop3A_1011 = arith.index_cast %parallel_loop3A_9 : i32 to index
      %parallel_loop3A_1012 = arith.index_cast %parallel_loop3A_1010 : i32 to index
      %parallel_loop3A_1013 = arith.constant 64 : index
      %parallel_loop3A_1014 = tpu.vector_load %arg4[%parallel_loop3A_1011, %parallel_loop3A_1012, %parallel_loop3A_1013] {strides = array<i32>} : memref<8x32x128xf32, #tpu.memory_space<vmem>>, vector<1x1x16xf32>,
      %parallel_loop3A_1015 = vector.shape_cast %parallel_loop3A_1014 : vector<1x1x16xf32> to vector<16xf32>
      %parallel_loop3A_1016 = arith.addf %parallel_loop3A_1009, %parallel_loop3A_1015 : vector<16xf32>
      %parallel_loop3A_1017 = arith.constant 12 : i32
      %parallel_loop3A_1018 = arith.index_cast %parallel_loop3A_9 : i32 to index
      %parallel_loop3A_1019 = arith.index_cast %parallel_loop3A_1017 : i32 to index
      %parallel_loop3A_1020 = arith.constant 64 : index
      %parallel_loop3A_1021 = tpu.vector_load %arg4[%parallel_loop3A_1018, %parallel_loop3A_1019, %parallel_loop3A_1020] {strides = array<i32>} : memref<8x32x128xf32, #tpu.memory_space<vmem>>, vector<1x1x16xf32>,
      %parallel_loop3A_1022 = vector.shape_cast %parallel_loop3A_1021 : vector<1x1x16xf32> to vector<16xf32>
      %parallel_loop3A_1023 = arith.addf %parallel_loop3A_1016, %parallel_loop3A_1022 : vector<16xf32>
      %parallel_loop3A_1024 = arith.constant 13 : i32
      %parallel_loop3A_1025 = arith.index_cast %parallel_loop3A_9 : i32 to index
      %parallel_loop3A_1026 = arith.index_cast %parallel_loop3A_1024 : i32 to index
      %parallel_loop3A_1027 = arith.constant 64 : index
      %parallel_loop3A_1028 = tpu.vector_load %arg4[%parallel_loop3A_1025, %parallel_loop3A_1026, %parallel_loop3A_1027] {strides = array<i32>} : memref<8x32x128xf32, #tpu.memory_space<vmem>>, vector<1x1x16xf32>,
      %parallel_loop3A_1029 = vector.shape_cast %parallel_loop3A_1028 : vector<1x1x16xf32> to vector<16xf32>
      %parallel_loop3A_1030 = arith.addf %parallel_loop3A_1023, %parallel_loop3A_1029 : vector<16xf32>
      %parallel_loop3A_1031 = arith.constant 14 : i32
      %parallel_loop3A_1032 = arith.index_cast %parallel_loop3A_9 : i32 to index
      %parallel_loop3A_1033 = arith.index_cast %parallel_loop3A_1031 : i32 to index
      %parallel_loop3A_1034 = arith.constant 64 : index
      %parallel_loop3A_1035 = tpu.vector_load %arg4[%parallel_loop3A_1032, %parallel_loop3A_1033, %parallel_loop3A_1034] {strides = array<i32>} : memref<8x32x128xf32, #tpu.memory_space<vmem>>, vector<1x1x16xf32>,
      %parallel_loop3A_1036 = vector.shape_cast %parallel_loop3A_1035 : vector<1x1x16xf32> to vector<16xf32>
      %parallel_loop3A_1037 = arith.addf %parallel_loop3A_1030, %parallel_loop3A_1036 : vector<16xf32>
      %parallel_loop3A_1038 = arith.constant 15 : i32
      %parallel_loop3A_1039 = arith.index_cast %parallel_loop3A_9 : i32 to index
      %parallel_loop3A_1040 = arith.index_cast %parallel_loop3A_1038 : i32 to index
      %parallel_loop3A_1041 = arith.constant 64 : index
      %parallel_loop3A_1042 = tpu.vector_load %arg4[%parallel_loop3A_1039, %parallel_loop3A_1040, %parallel_loop3A_1041] {strides = array<i32>} : memref<8x32x128xf32, #tpu.memory_space<vmem>>, vector<1x1x16xf32>,
      %parallel_loop3A_1043 = vector.shape_cast %parallel_loop3A_1042 : vector<1x1x16xf32> to vector<16xf32>
      %parallel_loop3A_1044 = arith.addf %parallel_loop3A_1037, %parallel_loop3A_1043 : vector<16xf32>
      %parallel_loop3A_1045 = arith.constant 16 : i32
      %parallel_loop3A_1046 = arith.index_cast %parallel_loop3A_9 : i32 to index
      %parallel_loop3A_1047 = arith.index_cast %parallel_loop3A_1045 : i32 to index
      %parallel_loop3A_1048 = arith.constant 64 : index
      %parallel_loop3A_1049 = tpu.vector_load %arg4[%parallel_loop3A_1046, %parallel_loop3A_1047, %parallel_loop3A_1048] {strides = array<i32>} : memref<8x32x128xf32, #tpu.memory_space<vmem>>, vector<1x1x16xf32>,
      %parallel_loop3A_1050 = vector.shape_cast %parallel_loop3A_1049 : vector<1x1x16xf32> to vector<16xf32>
      %parallel_loop3A_1051 = arith.addf %parallel_loop3A_1044, %parallel_loop3A_1050 : vector<16xf32>
      %parallel_loop3A_1052 = arith.constant 17 : i32
      %parallel_loop3A_1053 = arith.index_cast %parallel_loop3A_9 : i32 to index
      %parallel_loop3A_1054 = arith.index_cast %parallel_loop3A_1052 : i32 to index
      %parallel_loop3A_1055 = arith.constant 64 : index
      %parallel_loop3A_1056 = tpu.vector_load %arg4[%parallel_loop3A_1053, %parallel_loop3A_1054, %parallel_loop3A_1055] {strides = array<i32>} : memref<8x32x128xf32, #tpu.memory_space<vmem>>, vector<1x1x16xf32>,
      %parallel_loop3A_1057 = vector.shape_cast %parallel_loop3A_1056 : vector<1x1x16xf32> to vector<16xf32>
      %parallel_loop3A_1058 = arith.addf %parallel_loop3A_1051, %parallel_loop3A_1057 : vector<16xf32>
      %parallel_loop3A_1059 = arith.constant 18 : i32
      %parallel_loop3A_1060 = arith.index_cast %parallel_loop3A_9 : i32 to index
      %parallel_loop3A_1061 = arith.index_cast %parallel_loop3A_1059 : i32 to index
      %parallel_loop3A_1062 = arith.constant 64 : index
      %parallel_loop3A_1063 = tpu.vector_load %arg4[%parallel_loop3A_1060, %parallel_loop3A_1061, %parallel_loop3A_1062] {strides = array<i32>} : memref<8x32x128xf32, #tpu.memory_space<vmem>>, vector<1x1x16xf32>,
      %parallel_loop3A_1064 = vector.shape_cast %parallel_loop3A_1063 : vector<1x1x16xf32> to vector<16xf32>
      %parallel_loop3A_1065 = arith.addf %parallel_loop3A_1058, %parallel_loop3A_1064 : vector<16xf32>
      %parallel_loop3A_1066 = arith.constant 19 : i32
      %parallel_loop3A_1067 = arith.index_cast %parallel_loop3A_9 : i32 to index
      %parallel_loop3A_1068 = arith.index_cast %parallel_loop3A_1066 : i32 to index
      %parallel_loop3A_1069 = arith.constant 64 : index
      %parallel_loop3A_1070 = tpu.vector_load %arg4[%parallel_loop3A_1067, %parallel_loop3A_1068, %parallel_loop3A_1069] {strides = array<i32>} : memref<8x32x128xf32, #tpu.memory_space<vmem>>, vector<1x1x16xf32>,
      %parallel_loop3A_1071 = vector.shape_cast %parallel_loop3A_1070 : vector<1x1x16xf32> to vector<16xf32>
      %parallel_loop3A_1072 = arith.addf %parallel_loop3A_1065, %parallel_loop3A_1071 : vector<16xf32>
      %parallel_loop3A_1073 = arith.constant 20 : i32
      %parallel_loop3A_1074 = arith.index_cast %parallel_loop3A_9 : i32 to index
      %parallel_loop3A_1075 = arith.index_cast %parallel_loop3A_1073 : i32 to index
      %parallel_loop3A_1076 = arith.constant 64 : index
      %parallel_loop3A_1077 = tpu.vector_load %arg4[%parallel_loop3A_1074, %parallel_loop3A_1075, %parallel_loop3A_1076] {strides = array<i32>} : memref<8x32x128xf32, #tpu.memory_space<vmem>>, vector<1x1x16xf32>,
      %parallel_loop3A_1078 = vector.shape_cast %parallel_loop3A_1077 : vector<1x1x16xf32> to vector<16xf32>
      %parallel_loop3A_1079 = arith.addf %parallel_loop3A_1072, %parallel_loop3A_1078 : vector<16xf32>
      %parallel_loop3A_1080 = arith.constant 21 : i32
      %parallel_loop3A_1081 = arith.index_cast %parallel_loop3A_9 : i32 to index
      %parallel_loop3A_1082 = arith.index_cast %parallel_loop3A_1080 : i32 to index
      %parallel_loop3A_1083 = arith.constant 64 : index
      %parallel_loop3A_1084 = tpu.vector_load %arg4[%parallel_loop3A_1081, %parallel_loop3A_1082, %parallel_loop3A_1083] {strides = array<i32>} : memref<8x32x128xf32, #tpu.memory_space<vmem>>, vector<1x1x16xf32>,
      %parallel_loop3A_1085 = vector.shape_cast %parallel_loop3A_1084 : vector<1x1x16xf32> to vector<16xf32>
      %parallel_loop3A_1086 = arith.addf %parallel_loop3A_1079, %parallel_loop3A_1085 : vector<16xf32>
      %parallel_loop3A_1087 = arith.constant 22 : i32
      %parallel_loop3A_1088 = arith.index_cast %parallel_loop3A_9 : i32 to index
      %parallel_loop3A_1089 = arith.index_cast %parallel_loop3A_1087 : i32 to index
      %parallel_loop3A_1090 = arith.constant 64 : index
      %parallel_loop3A_1091 = tpu.vector_load %arg4[%parallel_loop3A_1088, %parallel_loop3A_1089, %parallel_loop3A_1090] {strides = array<i32>} : memref<8x32x128xf32, #tpu.memory_space<vmem>>, vector<1x1x16xf32>,
      %parallel_loop3A_1092 = vector.shape_cast %parallel_loop3A_1091 : vector<1x1x16xf32> to vector<16xf32>
      %parallel_loop3A_1093 = arith.addf %parallel_loop3A_1086, %parallel_loop3A_1092 : vector<16xf32>
      %parallel_loop3A_1094 = arith.constant 23 : i32
      %parallel_loop3A_1095 = arith.index_cast %parallel_loop3A_9 : i32 to index
      %parallel_loop3A_1096 = arith.index_cast %parallel_loop3A_1094 : i32 to index
      %parallel_loop3A_1097 = arith.constant 64 : index
      %parallel_loop3A_1098 = tpu.vector_load %arg4[%parallel_loop3A_1095, %parallel_loop3A_1096, %parallel_loop3A_1097] {strides = array<i32>} : memref<8x32x128xf32, #tpu.memory_space<vmem>>, vector<1x1x16xf32>,
      %parallel_loop3A_1099 = vector.shape_cast %parallel_loop3A_1098 : vector<1x1x16xf32> to vector<16xf32>
      %parallel_loop3A_1100 = arith.addf %parallel_loop3A_1093, %parallel_loop3A_1099 : vector<16xf32>
      %parallel_loop3A_1101 = arith.constant 24 : i32
      %parallel_loop3A_1102 = arith.index_cast %parallel_loop3A_9 : i32 to index
      %parallel_loop3A_1103 = arith.index_cast %parallel_loop3A_1101 : i32 to index
      %parallel_loop3A_1104 = arith.constant 64 : index
      %parallel_loop3A_1105 = tpu.vector_load %arg4[%parallel_loop3A_1102, %parallel_loop3A_1103, %parallel_loop3A_1104] {strides = array<i32>} : memref<8x32x128xf32, #tpu.memory_space<vmem>>, vector<1x1x16xf32>,
      %parallel_loop3A_1106 = vector.shape_cast %parallel_loop3A_1105 : vector<1x1x16xf32> to vector<16xf32>
      %parallel_loop3A_1107 = arith.addf %parallel_loop3A_1100, %parallel_loop3A_1106 : vector<16xf32>
      %parallel_loop3A_1108 = arith.constant 25 : i32
      %parallel_loop3A_1109 = arith.index_cast %parallel_loop3A_9 : i32 to index
      %parallel_loop3A_1110 = arith.index_cast %parallel_loop3A_1108 : i32 to index
      %parallel_loop3A_1111 = arith.constant 64 : index
      %parallel_loop3A_1112 = tpu.vector_load %arg4[%parallel_loop3A_1109, %parallel_loop3A_1110, %parallel_loop3A_1111] {strides = array<i32>} : memref<8x32x128xf32, #tpu.memory_space<vmem>>, vector<1x1x16xf32>,
      %parallel_loop3A_1113 = vector.shape_cast %parallel_loop3A_1112 : vector<1x1x16xf32> to vector<16xf32>
      %parallel_loop3A_1114 = arith.addf %parallel_loop3A_1107, %parallel_loop3A_1113 : vector<16xf32>
      %parallel_loop3A_1115 = arith.constant 26 : i32
      %parallel_loop3A_1116 = arith.index_cast %parallel_loop3A_9 : i32 to index
      %parallel_loop3A_1117 = arith.index_cast %parallel_loop3A_1115 : i32 to index
      %parallel_loop3A_1118 = arith.constant 64 : index
      %parallel_loop3A_1119 = tpu.vector_load %arg4[%parallel_loop3A_1116, %parallel_loop3A_1117, %parallel_loop3A_1118] {strides = array<i32>} : memref<8x32x128xf32, #tpu.memory_space<vmem>>, vector<1x1x16xf32>,
      %parallel_loop3A_1120 = vector.shape_cast %parallel_loop3A_1119 : vector<1x1x16xf32> to vector<16xf32>
      %parallel_loop3A_1121 = arith.addf %parallel_loop3A_1114, %parallel_loop3A_1120 : vector<16xf32>
      %parallel_loop3A_1122 = arith.constant 27 : i32
      %parallel_loop3A_1123 = arith.index_cast %parallel_loop3A_9 : i32 to index
      %parallel_loop3A_1124 = arith.index_cast %parallel_loop3A_1122 : i32 to index
      %parallel_loop3A_1125 = arith.constant 64 : index
      %parallel_loop3A_1126 = tpu.vector_load %arg4[%parallel_loop3A_1123, %parallel_loop3A_1124, %parallel_loop3A_1125] {strides = array<i32>} : memref<8x32x128xf32, #tpu.memory_space<vmem>>, vector<1x1x16xf32>,
      %parallel_loop3A_1127 = vector.shape_cast %parallel_loop3A_1126 : vector<1x1x16xf32> to vector<16xf32>
      %parallel_loop3A_1128 = arith.addf %parallel_loop3A_1121, %parallel_loop3A_1127 : vector<16xf32>
      %parallel_loop3A_1129 = arith.constant 28 : i32
      %parallel_loop3A_1130 = arith.index_cast %parallel_loop3A_9 : i32 to index
      %parallel_loop3A_1131 = arith.index_cast %parallel_loop3A_1129 : i32 to index
      %parallel_loop3A_1132 = arith.constant 64 : index
      %parallel_loop3A_1133 = tpu.vector_load %arg4[%parallel_loop3A_1130, %parallel_loop3A_1131, %parallel_loop3A_1132] {strides = array<i32>} : memref<8x32x128xf32, #tpu.memory_space<vmem>>, vector<1x1x16xf32>,
      %parallel_loop3A_1134 = vector.shape_cast %parallel_loop3A_1133 : vector<1x1x16xf32> to vector<16xf32>
      %parallel_loop3A_1135 = arith.addf %parallel_loop3A_1128, %parallel_loop3A_1134 : vector<16xf32>
      %parallel_loop3A_1136 = arith.constant 29 : i32
      %parallel_loop3A_1137 = arith.index_cast %parallel_loop3A_9 : i32 to index
      %parallel_loop3A_1138 = arith.index_cast %parallel_loop3A_1136 : i32 to index
      %parallel_loop3A_1139 = arith.constant 64 : index
      %parallel_loop3A_1140 = tpu.vector_load %arg4[%parallel_loop3A_1137, %parallel_loop3A_1138, %parallel_loop3A_1139] {strides = array<i32>} : memref<8x32x128xf32, #tpu.memory_space<vmem>>, vector<1x1x16xf32>,
      %parallel_loop3A_1141 = vector.shape_cast %parallel_loop3A_1140 : vector<1x1x16xf32> to vector<16xf32>
      %parallel_loop3A_1142 = arith.addf %parallel_loop3A_1135, %parallel_loop3A_1141 : vector<16xf32>
      %parallel_loop3A_1143 = arith.constant 30 : i32
      %parallel_loop3A_1144 = arith.index_cast %parallel_loop3A_9 : i32 to index
      %parallel_loop3A_1145 = arith.index_cast %parallel_loop3A_1143 : i32 to index
      %parallel_loop3A_1146 = arith.constant 64 : index
      %parallel_loop3A_1147 = tpu.vector_load %arg4[%parallel_loop3A_1144, %parallel_loop3A_1145, %parallel_loop3A_1146] {strides = array<i32>} : memref<8x32x128xf32, #tpu.memory_space<vmem>>, vector<1x1x16xf32>,
      %parallel_loop3A_1148 = vector.shape_cast %parallel_loop3A_1147 : vector<1x1x16xf32> to vector<16xf32>
      %parallel_loop3A_1149 = arith.addf %parallel_loop3A_1142, %parallel_loop3A_1148 : vector<16xf32>
      %parallel_loop3A_1150 = arith.constant 31 : i32
      %parallel_loop3A_1151 = arith.index_cast %parallel_loop3A_9 : i32 to index
      %parallel_loop3A_1152 = arith.index_cast %parallel_loop3A_1150 : i32 to index
      %parallel_loop3A_1153 = arith.constant 64 : index
      %parallel_loop3A_1154 = tpu.vector_load %arg4[%parallel_loop3A_1151, %parallel_loop3A_1152, %parallel_loop3A_1153] {strides = array<i32>} : memref<8x32x128xf32, #tpu.memory_space<vmem>>, vector<1x1x16xf32>,
      %parallel_loop3A_1155 = vector.shape_cast %parallel_loop3A_1154 : vector<1x1x16xf32> to vector<16xf32>
      %parallel_loop3A_1156 = arith.addf %parallel_loop3A_1149, %parallel_loop3A_1155 : vector<16xf32>
      %parallel_loop3A_1157 = arith.constant 3.125000e-02 : f32
      %parallel_loop3A_1158 = vector.broadcast %parallel_loop3A_1157 : f32 to vector<16xf32>
      %parallel_loop3A_1159 = arith.mulf %parallel_loop3A_1156, %parallel_loop3A_1158 : vector<16xf32>
      %parallel_loop3A_1160 = arith.index_cast %parallel_loop3A_9 : i32 to index
      %parallel_loop3A_1161 = arith.constant 64 : index
      %parallel_loop3A_1162 = tpu.vector_load %arg5[%parallel_loop3A_1160, %parallel_loop3A_1161] {strides = array<i32>} : memref<8x128xf32, #tpu.memory_space<vmem>>, vector<1x16xf32>,
      %parallel_loop3A_1163 = vector.shape_cast %parallel_loop3A_1162 : vector<1x16xf32> to vector<16xf32>
      %parallel_loop3A_1164 = vector.shape_cast %parallel_loop3A_1159 : vector<16xf32> to vector<1x16xf32>
      tpu.vector_store %arg5[%parallel_loop3A_1160, %parallel_loop3A_1161], %parallel_loop3A_1164 {strides = array<i32>} : memref<8x128xf32, #tpu.memory_space<vmem>>, vector<1x16xf32>,
      %parallel_loop3A_1165 = arith.constant 0 : i32
      %parallel_loop3A_1166 = arith.index_cast %parallel_loop3A_9 : i32 to index
      %parallel_loop3A_1167 = arith.index_cast %parallel_loop3A_1165 : i32 to index
      %parallel_loop3A_1168 = arith.constant 80 : index
      %parallel_loop3A_1169 = tpu.vector_load %arg4[%parallel_loop3A_1166, %parallel_loop3A_1167, %parallel_loop3A_1168] {strides = array<i32>} : memref<8x32x128xf32, #tpu.memory_space<vmem>>, vector<1x1x16xf32>,
      %parallel_loop3A_1170 = vector.shape_cast %parallel_loop3A_1169 : vector<1x1x16xf32> to vector<16xf32>
      %parallel_loop3A_1171 = arith.constant 1 : i32
      %parallel_loop3A_1172 = arith.index_cast %parallel_loop3A_9 : i32 to index
      %parallel_loop3A_1173 = arith.index_cast %parallel_loop3A_1171 : i32 to index
      %parallel_loop3A_1174 = arith.constant 80 : index
      %parallel_loop3A_1175 = tpu.vector_load %arg4[%parallel_loop3A_1172, %parallel_loop3A_1173, %parallel_loop3A_1174] {strides = array<i32>} : memref<8x32x128xf32, #tpu.memory_space<vmem>>, vector<1x1x16xf32>,
      %parallel_loop3A_1176 = vector.shape_cast %parallel_loop3A_1175 : vector<1x1x16xf32> to vector<16xf32>
      %parallel_loop3A_1177 = arith.addf %parallel_loop3A_1170, %parallel_loop3A_1176 : vector<16xf32>
      %parallel_loop3A_1178 = arith.constant 2 : i32
      %parallel_loop3A_1179 = arith.index_cast %parallel_loop3A_9 : i32 to index
      %parallel_loop3A_1180 = arith.index_cast %parallel_loop3A_1178 : i32 to index
      %parallel_loop3A_1181 = arith.constant 80 : index
      %parallel_loop3A_1182 = tpu.vector_load %arg4[%parallel_loop3A_1179, %parallel_loop3A_1180, %parallel_loop3A_1181] {strides = array<i32>} : memref<8x32x128xf32, #tpu.memory_space<vmem>>, vector<1x1x16xf32>,
      %parallel_loop3A_1183 = vector.shape_cast %parallel_loop3A_1182 : vector<1x1x16xf32> to vector<16xf32>
      %parallel_loop3A_1184 = arith.addf %parallel_loop3A_1177, %parallel_loop3A_1183 : vector<16xf32>
      %parallel_loop3A_1185 = arith.constant 3 : i32
      %parallel_loop3A_1186 = arith.index_cast %parallel_loop3A_9 : i32 to index
      %parallel_loop3A_1187 = arith.index_cast %parallel_loop3A_1185 : i32 to index
      %parallel_loop3A_1188 = arith.constant 80 : index
      %parallel_loop3A_1189 = tpu.vector_load %arg4[%parallel_loop3A_1186, %parallel_loop3A_1187, %parallel_loop3A_1188] {strides = array<i32>} : memref<8x32x128xf32, #tpu.memory_space<vmem>>, vector<1x1x16xf32>,
      %parallel_loop3A_1190 = vector.shape_cast %parallel_loop3A_1189 : vector<1x1x16xf32> to vector<16xf32>
      %parallel_loop3A_1191 = arith.addf %parallel_loop3A_1184, %parallel_loop3A_1190 : vector<16xf32>
      %parallel_loop3A_1192 = arith.constant 4 : i32
      %parallel_loop3A_1193 = arith.index_cast %parallel_loop3A_9 : i32 to index
      %parallel_loop3A_1194 = arith.index_cast %parallel_loop3A_1192 : i32 to index
      %parallel_loop3A_1195 = arith.constant 80 : index
      %parallel_loop3A_1196 = tpu.vector_load %arg4[%parallel_loop3A_1193, %parallel_loop3A_1194, %parallel_loop3A_1195] {strides = array<i32>} : memref<8x32x128xf32, #tpu.memory_space<vmem>>, vector<1x1x16xf32>,
      %parallel_loop3A_1197 = vector.shape_cast %parallel_loop3A_1196 : vector<1x1x16xf32> to vector<16xf32>
      %parallel_loop3A_1198 = arith.addf %parallel_loop3A_1191, %parallel_loop3A_1197 : vector<16xf32>
      %parallel_loop3A_1199 = arith.constant 5 : i32
      %parallel_loop3A_1200 = arith.index_cast %parallel_loop3A_9 : i32 to index
      %parallel_loop3A_1201 = arith.index_cast %parallel_loop3A_1199 : i32 to index
      %parallel_loop3A_1202 = arith.constant 80 : index
      %parallel_loop3A_1203 = tpu.vector_load %arg4[%parallel_loop3A_1200, %parallel_loop3A_1201, %parallel_loop3A_1202] {strides = array<i32>} : memref<8x32x128xf32, #tpu.memory_space<vmem>>, vector<1x1x16xf32>,
      %parallel_loop3A_1204 = vector.shape_cast %parallel_loop3A_1203 : vector<1x1x16xf32> to vector<16xf32>
      %parallel_loop3A_1205 = arith.addf %parallel_loop3A_1198, %parallel_loop3A_1204 : vector<16xf32>
      %parallel_loop3A_1206 = arith.constant 6 : i32
      %parallel_loop3A_1207 = arith.index_cast %parallel_loop3A_9 : i32 to index
      %parallel_loop3A_1208 = arith.index_cast %parallel_loop3A_1206 : i32 to index
      %parallel_loop3A_1209 = arith.constant 80 : index
      %parallel_loop3A_1210 = tpu.vector_load %arg4[%parallel_loop3A_1207, %parallel_loop3A_1208, %parallel_loop3A_1209] {strides = array<i32>} : memref<8x32x128xf32, #tpu.memory_space<vmem>>, vector<1x1x16xf32>,
      %parallel_loop3A_1211 = vector.shape_cast %parallel_loop3A_1210 : vector<1x1x16xf32> to vector<16xf32>
      %parallel_loop3A_1212 = arith.addf %parallel_loop3A_1205, %parallel_loop3A_1211 : vector<16xf32>
      %parallel_loop3A_1213 = arith.constant 7 : i32
      %parallel_loop3A_1214 = arith.index_cast %parallel_loop3A_9 : i32 to index
      %parallel_loop3A_1215 = arith.index_cast %parallel_loop3A_1213 : i32 to index
      %parallel_loop3A_1216 = arith.constant 80 : index
      %parallel_loop3A_1217 = tpu.vector_load %arg4[%parallel_loop3A_1214, %parallel_loop3A_1215, %parallel_loop3A_1216] {strides = array<i32>} : memref<8x32x128xf32, #tpu.memory_space<vmem>>, vector<1x1x16xf32>,
      %parallel_loop3A_1218 = vector.shape_cast %parallel_loop3A_1217 : vector<1x1x16xf32> to vector<16xf32>
      %parallel_loop3A_1219 = arith.addf %parallel_loop3A_1212, %parallel_loop3A_1218 : vector<16xf32>
      %parallel_loop3A_1220 = arith.constant 8 : i32
      %parallel_loop3A_1221 = arith.index_cast %parallel_loop3A_9 : i32 to index
      %parallel_loop3A_1222 = arith.index_cast %parallel_loop3A_1220 : i32 to index
      %parallel_loop3A_1223 = arith.constant 80 : index
      %parallel_loop3A_1224 = tpu.vector_load %arg4[%parallel_loop3A_1221, %parallel_loop3A_1222, %parallel_loop3A_1223] {strides = array<i32>} : memref<8x32x128xf32, #tpu.memory_space<vmem>>, vector<1x1x16xf32>,
      %parallel_loop3A_1225 = vector.shape_cast %parallel_loop3A_1224 : vector<1x1x16xf32> to vector<16xf32>
      %parallel_loop3A_1226 = arith.addf %parallel_loop3A_1219, %parallel_loop3A_1225 : vector<16xf32>
      %parallel_loop3A_1227 = arith.constant 9 : i32
      %parallel_loop3A_1228 = arith.index_cast %parallel_loop3A_9 : i32 to index
      %parallel_loop3A_1229 = arith.index_cast %parallel_loop3A_1227 : i32 to index
      %parallel_loop3A_1230 = arith.constant 80 : index
      %parallel_loop3A_1231 = tpu.vector_load %arg4[%parallel_loop3A_1228, %parallel_loop3A_1229, %parallel_loop3A_1230] {strides = array<i32>} : memref<8x32x128xf32, #tpu.memory_space<vmem>>, vector<1x1x16xf32>,
      %parallel_loop3A_1232 = vector.shape_cast %parallel_loop3A_1231 : vector<1x1x16xf32> to vector<16xf32>
      %parallel_loop3A_1233 = arith.addf %parallel_loop3A_1226, %parallel_loop3A_1232 : vector<16xf32>
      %parallel_loop3A_1234 = arith.constant 10 : i32
      %parallel_loop3A_1235 = arith.index_cast %parallel_loop3A_9 : i32 to index
      %parallel_loop3A_1236 = arith.index_cast %parallel_loop3A_1234 : i32 to index
      %parallel_loop3A_1237 = arith.constant 80 : index
      %parallel_loop3A_1238 = tpu.vector_load %arg4[%parallel_loop3A_1235, %parallel_loop3A_1236, %parallel_loop3A_1237] {strides = array<i32>} : memref<8x32x128xf32, #tpu.memory_space<vmem>>, vector<1x1x16xf32>,
      %parallel_loop3A_1239 = vector.shape_cast %parallel_loop3A_1238 : vector<1x1x16xf32> to vector<16xf32>
      %parallel_loop3A_1240 = arith.addf %parallel_loop3A_1233, %parallel_loop3A_1239 : vector<16xf32>
      %parallel_loop3A_1241 = arith.constant 11 : i32
      %parallel_loop3A_1242 = arith.index_cast %parallel_loop3A_9 : i32 to index
      %parallel_loop3A_1243 = arith.index_cast %parallel_loop3A_1241 : i32 to index
      %parallel_loop3A_1244 = arith.constant 80 : index
      %parallel_loop3A_1245 = tpu.vector_load %arg4[%parallel_loop3A_1242, %parallel_loop3A_1243, %parallel_loop3A_1244] {strides = array<i32>} : memref<8x32x128xf32, #tpu.memory_space<vmem>>, vector<1x1x16xf32>,
      %parallel_loop3A_1246 = vector.shape_cast %parallel_loop3A_1245 : vector<1x1x16xf32> to vector<16xf32>
      %parallel_loop3A_1247 = arith.addf %parallel_loop3A_1240, %parallel_loop3A_1246 : vector<16xf32>
      %parallel_loop3A_1248 = arith.constant 12 : i32
      %parallel_loop3A_1249 = arith.index_cast %parallel_loop3A_9 : i32 to index
      %parallel_loop3A_1250 = arith.index_cast %parallel_loop3A_1248 : i32 to index
      %parallel_loop3A_1251 = arith.constant 80 : index
      %parallel_loop3A_1252 = tpu.vector_load %arg4[%parallel_loop3A_1249, %parallel_loop3A_1250, %parallel_loop3A_1251] {strides = array<i32>} : memref<8x32x128xf32, #tpu.memory_space<vmem>>, vector<1x1x16xf32>,
      %parallel_loop3A_1253 = vector.shape_cast %parallel_loop3A_1252 : vector<1x1x16xf32> to vector<16xf32>
      %parallel_loop3A_1254 = arith.addf %parallel_loop3A_1247, %parallel_loop3A_1253 : vector<16xf32>
      %parallel_loop3A_1255 = arith.constant 13 : i32
      %parallel_loop3A_1256 = arith.index_cast %parallel_loop3A_9 : i32 to index
      %parallel_loop3A_1257 = arith.index_cast %parallel_loop3A_1255 : i32 to index
      %parallel_loop3A_1258 = arith.constant 80 : index
      %parallel_loop3A_1259 = tpu.vector_load %arg4[%parallel_loop3A_1256, %parallel_loop3A_1257, %parallel_loop3A_1258] {strides = array<i32>} : memref<8x32x128xf32, #tpu.memory_space<vmem>>, vector<1x1x16xf32>,
      %parallel_loop3A_1260 = vector.shape_cast %parallel_loop3A_1259 : vector<1x1x16xf32> to vector<16xf32>
      %parallel_loop3A_1261 = arith.addf %parallel_loop3A_1254, %parallel_loop3A_1260 : vector<16xf32>
      %parallel_loop3A_1262 = arith.constant 14 : i32
      %parallel_loop3A_1263 = arith.index_cast %parallel_loop3A_9 : i32 to index
      %parallel_loop3A_1264 = arith.index_cast %parallel_loop3A_1262 : i32 to index
      %parallel_loop3A_1265 = arith.constant 80 : index
      %parallel_loop3A_1266 = tpu.vector_load %arg4[%parallel_loop3A_1263, %parallel_loop3A_1264, %parallel_loop3A_1265] {strides = array<i32>} : memref<8x32x128xf32, #tpu.memory_space<vmem>>, vector<1x1x16xf32>,
      %parallel_loop3A_1267 = vector.shape_cast %parallel_loop3A_1266 : vector<1x1x16xf32> to vector<16xf32>
      %parallel_loop3A_1268 = arith.addf %parallel_loop3A_1261, %parallel_loop3A_1267 : vector<16xf32>
      %parallel_loop3A_1269 = arith.constant 15 : i32
      %parallel_loop3A_1270 = arith.index_cast %parallel_loop3A_9 : i32 to index
      %parallel_loop3A_1271 = arith.index_cast %parallel_loop3A_1269 : i32 to index
      %parallel_loop3A_1272 = arith.constant 80 : index
      %parallel_loop3A_1273 = tpu.vector_load %arg4[%parallel_loop3A_1270, %parallel_loop3A_1271, %parallel_loop3A_1272] {strides = array<i32>} : memref<8x32x128xf32, #tpu.memory_space<vmem>>, vector<1x1x16xf32>,
      %parallel_loop3A_1274 = vector.shape_cast %parallel_loop3A_1273 : vector<1x1x16xf32> to vector<16xf32>
      %parallel_loop3A_1275 = arith.addf %parallel_loop3A_1268, %parallel_loop3A_1274 : vector<16xf32>
      %parallel_loop3A_1276 = arith.constant 16 : i32
      %parallel_loop3A_1277 = arith.index_cast %parallel_loop3A_9 : i32 to index
      %parallel_loop3A_1278 = arith.index_cast %parallel_loop3A_1276 : i32 to index
      %parallel_loop3A_1279 = arith.constant 80 : index
      %parallel_loop3A_1280 = tpu.vector_load %arg4[%parallel_loop3A_1277, %parallel_loop3A_1278, %parallel_loop3A_1279] {strides = array<i32>} : memref<8x32x128xf32, #tpu.memory_space<vmem>>, vector<1x1x16xf32>,
      %parallel_loop3A_1281 = vector.shape_cast %parallel_loop3A_1280 : vector<1x1x16xf32> to vector<16xf32>
      %parallel_loop3A_1282 = arith.addf %parallel_loop3A_1275, %parallel_loop3A_1281 : vector<16xf32>
      %parallel_loop3A_1283 = arith.constant 17 : i32
      %parallel_loop3A_1284 = arith.index_cast %parallel_loop3A_9 : i32 to index
      %parallel_loop3A_1285 = arith.index_cast %parallel_loop3A_1283 : i32 to index
      %parallel_loop3A_1286 = arith.constant 80 : index
      %parallel_loop3A_1287 = tpu.vector_load %arg4[%parallel_loop3A_1284, %parallel_loop3A_1285, %parallel_loop3A_1286] {strides = array<i32>} : memref<8x32x128xf32, #tpu.memory_space<vmem>>, vector<1x1x16xf32>,
      %parallel_loop3A_1288 = vector.shape_cast %parallel_loop3A_1287 : vector<1x1x16xf32> to vector<16xf32>
      %parallel_loop3A_1289 = arith.addf %parallel_loop3A_1282, %parallel_loop3A_1288 : vector<16xf32>
      %parallel_loop3A_1290 = arith.constant 18 : i32
      %parallel_loop3A_1291 = arith.index_cast %parallel_loop3A_9 : i32 to index
      %parallel_loop3A_1292 = arith.index_cast %parallel_loop3A_1290 : i32 to index
      %parallel_loop3A_1293 = arith.constant 80 : index
      %parallel_loop3A_1294 = tpu.vector_load %arg4[%parallel_loop3A_1291, %parallel_loop3A_1292, %parallel_loop3A_1293] {strides = array<i32>} : memref<8x32x128xf32, #tpu.memory_space<vmem>>, vector<1x1x16xf32>,
      %parallel_loop3A_1295 = vector.shape_cast %parallel_loop3A_1294 : vector<1x1x16xf32> to vector<16xf32>
      %parallel_loop3A_1296 = arith.addf %parallel_loop3A_1289, %parallel_loop3A_1295 : vector<16xf32>
      %parallel_loop3A_1297 = arith.constant 19 : i32
      %parallel_loop3A_1298 = arith.index_cast %parallel_loop3A_9 : i32 to index
      %parallel_loop3A_1299 = arith.index_cast %parallel_loop3A_1297 : i32 to index
      %parallel_loop3A_1300 = arith.constant 80 : index
      %parallel_loop3A_1301 = tpu.vector_load %arg4[%parallel_loop3A_1298, %parallel_loop3A_1299, %parallel_loop3A_1300] {strides = array<i32>} : memref<8x32x128xf32, #tpu.memory_space<vmem>>, vector<1x1x16xf32>,
      %parallel_loop3A_1302 = vector.shape_cast %parallel_loop3A_1301 : vector<1x1x16xf32> to vector<16xf32>
      %parallel_loop3A_1303 = arith.addf %parallel_loop3A_1296, %parallel_loop3A_1302 : vector<16xf32>
      %parallel_loop3A_1304 = arith.constant 20 : i32
      %parallel_loop3A_1305 = arith.index_cast %parallel_loop3A_9 : i32 to index
      %parallel_loop3A_1306 = arith.index_cast %parallel_loop3A_1304 : i32 to index
      %parallel_loop3A_1307 = arith.constant 80 : index
      %parallel_loop3A_1308 = tpu.vector_load %arg4[%parallel_loop3A_1305, %parallel_loop3A_1306, %parallel_loop3A_1307] {strides = array<i32>} : memref<8x32x128xf32, #tpu.memory_space<vmem>>, vector<1x1x16xf32>,
      %parallel_loop3A_1309 = vector.shape_cast %parallel_loop3A_1308 : vector<1x1x16xf32> to vector<16xf32>
      %parallel_loop3A_1310 = arith.addf %parallel_loop3A_1303, %parallel_loop3A_1309 : vector<16xf32>
      %parallel_loop3A_1311 = arith.constant 21 : i32
      %parallel_loop3A_1312 = arith.index_cast %parallel_loop3A_9 : i32 to index
      %parallel_loop3A_1313 = arith.index_cast %parallel_loop3A_1311 : i32 to index
      %parallel_loop3A_1314 = arith.constant 80 : index
      %parallel_loop3A_1315 = tpu.vector_load %arg4[%parallel_loop3A_1312, %parallel_loop3A_1313, %parallel_loop3A_1314] {strides = array<i32>} : memref<8x32x128xf32, #tpu.memory_space<vmem>>, vector<1x1x16xf32>,
      %parallel_loop3A_1316 = vector.shape_cast %parallel_loop3A_1315 : vector<1x1x16xf32> to vector<16xf32>
      %parallel_loop3A_1317 = arith.addf %parallel_loop3A_1310, %parallel_loop3A_1316 : vector<16xf32>
      %parallel_loop3A_1318 = arith.constant 22 : i32
      %parallel_loop3A_1319 = arith.index_cast %parallel_loop3A_9 : i32 to index
      %parallel_loop3A_1320 = arith.index_cast %parallel_loop3A_1318 : i32 to index
      %parallel_loop3A_1321 = arith.constant 80 : index
      %parallel_loop3A_1322 = tpu.vector_load %arg4[%parallel_loop3A_1319, %parallel_loop3A_1320, %parallel_loop3A_1321] {strides = array<i32>} : memref<8x32x128xf32, #tpu.memory_space<vmem>>, vector<1x1x16xf32>,
      %parallel_loop3A_1323 = vector.shape_cast %parallel_loop3A_1322 : vector<1x1x16xf32> to vector<16xf32>
      %parallel_loop3A_1324 = arith.addf %parallel_loop3A_1317, %parallel_loop3A_1323 : vector<16xf32>
      %parallel_loop3A_1325 = arith.constant 23 : i32
      %parallel_loop3A_1326 = arith.index_cast %parallel_loop3A_9 : i32 to index
      %parallel_loop3A_1327 = arith.index_cast %parallel_loop3A_1325 : i32 to index
      %parallel_loop3A_1328 = arith.constant 80 : index
      %parallel_loop3A_1329 = tpu.vector_load %arg4[%parallel_loop3A_1326, %parallel_loop3A_1327, %parallel_loop3A_1328] {strides = array<i32>} : memref<8x32x128xf32, #tpu.memory_space<vmem>>, vector<1x1x16xf32>,
      %parallel_loop3A_1330 = vector.shape_cast %parallel_loop3A_1329 : vector<1x1x16xf32> to vector<16xf32>
      %parallel_loop3A_1331 = arith.addf %parallel_loop3A_1324, %parallel_loop3A_1330 : vector<16xf32>
      %parallel_loop3A_1332 = arith.constant 24 : i32
      %parallel_loop3A_1333 = arith.index_cast %parallel_loop3A_9 : i32 to index
      %parallel_loop3A_1334 = arith.index_cast %parallel_loop3A_1332 : i32 to index
      %parallel_loop3A_1335 = arith.constant 80 : index
      %parallel_loop3A_1336 = tpu.vector_load %arg4[%parallel_loop3A_1333, %parallel_loop3A_1334, %parallel_loop3A_1335] {strides = array<i32>} : memref<8x32x128xf32, #tpu.memory_space<vmem>>, vector<1x1x16xf32>,
      %parallel_loop3A_1337 = vector.shape_cast %parallel_loop3A_1336 : vector<1x1x16xf32> to vector<16xf32>
      %parallel_loop3A_1338 = arith.addf %parallel_loop3A_1331, %parallel_loop3A_1337 : vector<16xf32>
      %parallel_loop3A_1339 = arith.constant 25 : i32
      %parallel_loop3A_1340 = arith.index_cast %parallel_loop3A_9 : i32 to index
      %parallel_loop3A_1341 = arith.index_cast %parallel_loop3A_1339 : i32 to index
      %parallel_loop3A_1342 = arith.constant 80 : index
      %parallel_loop3A_1343 = tpu.vector_load %arg4[%parallel_loop3A_1340, %parallel_loop3A_1341, %parallel_loop3A_1342] {strides = array<i32>} : memref<8x32x128xf32, #tpu.memory_space<vmem>>, vector<1x1x16xf32>,
      %parallel_loop3A_1344 = vector.shape_cast %parallel_loop3A_1343 : vector<1x1x16xf32> to vector<16xf32>
      %parallel_loop3A_1345 = arith.addf %parallel_loop3A_1338, %parallel_loop3A_1344 : vector<16xf32>
      %parallel_loop3A_1346 = arith.constant 26 : i32
      %parallel_loop3A_1347 = arith.index_cast %parallel_loop3A_9 : i32 to index
      %parallel_loop3A_1348 = arith.index_cast %parallel_loop3A_1346 : i32 to index
      %parallel_loop3A_1349 = arith.constant 80 : index
      %parallel_loop3A_1350 = tpu.vector_load %arg4[%parallel_loop3A_1347, %parallel_loop3A_1348, %parallel_loop3A_1349] {strides = array<i32>} : memref<8x32x128xf32, #tpu.memory_space<vmem>>, vector<1x1x16xf32>,
      %parallel_loop3A_1351 = vector.shape_cast %parallel_loop3A_1350 : vector<1x1x16xf32> to vector<16xf32>
      %parallel_loop3A_1352 = arith.addf %parallel_loop3A_1345, %parallel_loop3A_1351 : vector<16xf32>
      %parallel_loop3A_1353 = arith.constant 27 : i32
      %parallel_loop3A_1354 = arith.index_cast %parallel_loop3A_9 : i32 to index
      %parallel_loop3A_1355 = arith.index_cast %parallel_loop3A_1353 : i32 to index
      %parallel_loop3A_1356 = arith.constant 80 : index
      %parallel_loop3A_1357 = tpu.vector_load %arg4[%parallel_loop3A_1354, %parallel_loop3A_1355, %parallel_loop3A_1356] {strides = array<i32>} : memref<8x32x128xf32, #tpu.memory_space<vmem>>, vector<1x1x16xf32>,
      %parallel_loop3A_1358 = vector.shape_cast %parallel_loop3A_1357 : vector<1x1x16xf32> to vector<16xf32>
      %parallel_loop3A_1359 = arith.addf %parallel_loop3A_1352, %parallel_loop3A_1358 : vector<16xf32>
      %parallel_loop3A_1360 = arith.constant 28 : i32
      %parallel_loop3A_1361 = arith.index_cast %parallel_loop3A_9 : i32 to index
      %parallel_loop3A_1362 = arith.index_cast %parallel_loop3A_1360 : i32 to index
      %parallel_loop3A_1363 = arith.constant 80 : index
      %parallel_loop3A_1364 = tpu.vector_load %arg4[%parallel_loop3A_1361, %parallel_loop3A_1362, %parallel_loop3A_1363] {strides = array<i32>} : memref<8x32x128xf32, #tpu.memory_space<vmem>>, vector<1x1x16xf32>,
      %parallel_loop3A_1365 = vector.shape_cast %parallel_loop3A_1364 : vector<1x1x16xf32> to vector<16xf32>
      %parallel_loop3A_1366 = arith.addf %parallel_loop3A_1359, %parallel_loop3A_1365 : vector<16xf32>
      %parallel_loop3A_1367 = arith.constant 29 : i32
      %parallel_loop3A_1368 = arith.index_cast %parallel_loop3A_9 : i32 to index
      %parallel_loop3A_1369 = arith.index_cast %parallel_loop3A_1367 : i32 to index
      %parallel_loop3A_1370 = arith.constant 80 : index
      %parallel_loop3A_1371 = tpu.vector_load %arg4[%parallel_loop3A_1368, %parallel_loop3A_1369, %parallel_loop3A_1370] {strides = array<i32>} : memref<8x32x128xf32, #tpu.memory_space<vmem>>, vector<1x1x16xf32>,
      %parallel_loop3A_1372 = vector.shape_cast %parallel_loop3A_1371 : vector<1x1x16xf32> to vector<16xf32>
      %parallel_loop3A_1373 = arith.addf %parallel_loop3A_1366, %parallel_loop3A_1372 : vector<16xf32>
      %parallel_loop3A_1374 = arith.constant 30 : i32
      %parallel_loop3A_1375 = arith.index_cast %parallel_loop3A_9 : i32 to index
      %parallel_loop3A_1376 = arith.index_cast %parallel_loop3A_1374 : i32 to index
      %parallel_loop3A_1377 = arith.constant 80 : index
      %parallel_loop3A_1378 = tpu.vector_load %arg4[%parallel_loop3A_1375, %parallel_loop3A_1376, %parallel_loop3A_1377] {strides = array<i32>} : memref<8x32x128xf32, #tpu.memory_space<vmem>>, vector<1x1x16xf32>,
      %parallel_loop3A_1379 = vector.shape_cast %parallel_loop3A_1378 : vector<1x1x16xf32> to vector<16xf32>
      %parallel_loop3A_1380 = arith.addf %parallel_loop3A_1373, %parallel_loop3A_1379 : vector<16xf32>
      %parallel_loop3A_1381 = arith.constant 31 : i32
      %parallel_loop3A_1382 = arith.index_cast %parallel_loop3A_9 : i32 to index
      %parallel_loop3A_1383 = arith.index_cast %parallel_loop3A_1381 : i32 to index
      %parallel_loop3A_1384 = arith.constant 80 : index
      %parallel_loop3A_1385 = tpu.vector_load %arg4[%parallel_loop3A_1382, %parallel_loop3A_1383, %parallel_loop3A_1384] {strides = array<i32>} : memref<8x32x128xf32, #tpu.memory_space<vmem>>, vector<1x1x16xf32>,
      %parallel_loop3A_1386 = vector.shape_cast %parallel_loop3A_1385 : vector<1x1x16xf32> to vector<16xf32>
      %parallel_loop3A_1387 = arith.addf %parallel_loop3A_1380, %parallel_loop3A_1386 : vector<16xf32>
      %parallel_loop3A_1388 = arith.constant 3.125000e-02 : f32
      %parallel_loop3A_1389 = vector.broadcast %parallel_loop3A_1388 : f32 to vector<16xf32>
      %parallel_loop3A_1390 = arith.mulf %parallel_loop3A_1387, %parallel_loop3A_1389 : vector<16xf32>
      %parallel_loop3A_1391 = arith.index_cast %parallel_loop3A_9 : i32 to index
      %parallel_loop3A_1392 = arith.constant 80 : index
      %parallel_loop3A_1393 = tpu.vector_load %arg5[%parallel_loop3A_1391, %parallel_loop3A_1392] {strides = array<i32>} : memref<8x128xf32, #tpu.memory_space<vmem>>, vector<1x16xf32>,
      %parallel_loop3A_1394 = vector.shape_cast %parallel_loop3A_1393 : vector<1x16xf32> to vector<16xf32>
      %parallel_loop3A_1395 = vector.shape_cast %parallel_loop3A_1390 : vector<16xf32> to vector<1x16xf32>
      tpu.vector_store %arg5[%parallel_loop3A_1391, %parallel_loop3A_1392], %parallel_loop3A_1395 {strides = array<i32>} : memref<8x128xf32, #tpu.memory_space<vmem>>, vector<1x16xf32>,
      %parallel_loop3A_1396 = arith.constant 0 : i32
      %parallel_loop3A_1397 = arith.index_cast %parallel_loop3A_9 : i32 to index
      %parallel_loop3A_1398 = arith.index_cast %parallel_loop3A_1396 : i32 to index
      %parallel_loop3A_1399 = arith.constant 96 : index
      %parallel_loop3A_1400 = tpu.vector_load %arg4[%parallel_loop3A_1397, %parallel_loop3A_1398, %parallel_loop3A_1399] {strides = array<i32>} : memref<8x32x128xf32, #tpu.memory_space<vmem>>, vector<1x1x16xf32>,
      %parallel_loop3A_1401 = vector.shape_cast %parallel_loop3A_1400 : vector<1x1x16xf32> to vector<16xf32>
      %parallel_loop3A_1402 = arith.constant 1 : i32
      %parallel_loop3A_1403 = arith.index_cast %parallel_loop3A_9 : i32 to index
      %parallel_loop3A_1404 = arith.index_cast %parallel_loop3A_1402 : i32 to index
      %parallel_loop3A_1405 = arith.constant 96 : index
      %parallel_loop3A_1406 = tpu.vector_load %arg4[%parallel_loop3A_1403, %parallel_loop3A_1404, %parallel_loop3A_1405] {strides = array<i32>} : memref<8x32x128xf32, #tpu.memory_space<vmem>>, vector<1x1x16xf32>,
      %parallel_loop3A_1407 = vector.shape_cast %parallel_loop3A_1406 : vector<1x1x16xf32> to vector<16xf32>
      %parallel_loop3A_1408 = arith.addf %parallel_loop3A_1401, %parallel_loop3A_1407 : vector<16xf32>
      %parallel_loop3A_1409 = arith.constant 2 : i32
      %parallel_loop3A_1410 = arith.index_cast %parallel_loop3A_9 : i32 to index
      %parallel_loop3A_1411 = arith.index_cast %parallel_loop3A_1409 : i32 to index
      %parallel_loop3A_1412 = arith.constant 96 : index
      %parallel_loop3A_1413 = tpu.vector_load %arg4[%parallel_loop3A_1410, %parallel_loop3A_1411, %parallel_loop3A_1412] {strides = array<i32>} : memref<8x32x128xf32, #tpu.memory_space<vmem>>, vector<1x1x16xf32>,
      %parallel_loop3A_1414 = vector.shape_cast %parallel_loop3A_1413 : vector<1x1x16xf32> to vector<16xf32>
      %parallel_loop3A_1415 = arith.addf %parallel_loop3A_1408, %parallel_loop3A_1414 : vector<16xf32>
      %parallel_loop3A_1416 = arith.constant 3 : i32
      %parallel_loop3A_1417 = arith.index_cast %parallel_loop3A_9 : i32 to index
      %parallel_loop3A_1418 = arith.index_cast %parallel_loop3A_1416 : i32 to index
      %parallel_loop3A_1419 = arith.constant 96 : index
      %parallel_loop3A_1420 = tpu.vector_load %arg4[%parallel_loop3A_1417, %parallel_loop3A_1418, %parallel_loop3A_1419] {strides = array<i32>} : memref<8x32x128xf32, #tpu.memory_space<vmem>>, vector<1x1x16xf32>,
      %parallel_loop3A_1421 = vector.shape_cast %parallel_loop3A_1420 : vector<1x1x16xf32> to vector<16xf32>
      %parallel_loop3A_1422 = arith.addf %parallel_loop3A_1415, %parallel_loop3A_1421 : vector<16xf32>
      %parallel_loop3A_1423 = arith.constant 4 : i32
      %parallel_loop3A_1424 = arith.index_cast %parallel_loop3A_9 : i32 to index
      %parallel_loop3A_1425 = arith.index_cast %parallel_loop3A_1423 : i32 to index
      %parallel_loop3A_1426 = arith.constant 96 : index
      %parallel_loop3A_1427 = tpu.vector_load %arg4[%parallel_loop3A_1424, %parallel_loop3A_1425, %parallel_loop3A_1426] {strides = array<i32>} : memref<8x32x128xf32, #tpu.memory_space<vmem>>, vector<1x1x16xf32>,
      %parallel_loop3A_1428 = vector.shape_cast %parallel_loop3A_1427 : vector<1x1x16xf32> to vector<16xf32>
      %parallel_loop3A_1429 = arith.addf %parallel_loop3A_1422, %parallel_loop3A_1428 : vector<16xf32>
      %parallel_loop3A_1430 = arith.constant 5 : i32
      %parallel_loop3A_1431 = arith.index_cast %parallel_loop3A_9 : i32 to index
      %parallel_loop3A_1432 = arith.index_cast %parallel_loop3A_1430 : i32 to index
      %parallel_loop3A_1433 = arith.constant 96 : index
      %parallel_loop3A_1434 = tpu.vector_load %arg4[%parallel_loop3A_1431, %parallel_loop3A_1432, %parallel_loop3A_1433] {strides = array<i32>} : memref<8x32x128xf32, #tpu.memory_space<vmem>>, vector<1x1x16xf32>,
      %parallel_loop3A_1435 = vector.shape_cast %parallel_loop3A_1434 : vector<1x1x16xf32> to vector<16xf32>
      %parallel_loop3A_1436 = arith.addf %parallel_loop3A_1429, %parallel_loop3A_1435 : vector<16xf32>
      %parallel_loop3A_1437 = arith.constant 6 : i32
      %parallel_loop3A_1438 = arith.index_cast %parallel_loop3A_9 : i32 to index
      %parallel_loop3A_1439 = arith.index_cast %parallel_loop3A_1437 : i32 to index
      %parallel_loop3A_1440 = arith.constant 96 : index
      %parallel_loop3A_1441 = tpu.vector_load %arg4[%parallel_loop3A_1438, %parallel_loop3A_1439, %parallel_loop3A_1440] {strides = array<i32>} : memref<8x32x128xf32, #tpu.memory_space<vmem>>, vector<1x1x16xf32>,
      %parallel_loop3A_1442 = vector.shape_cast %parallel_loop3A_1441 : vector<1x1x16xf32> to vector<16xf32>
      %parallel_loop3A_1443 = arith.addf %parallel_loop3A_1436, %parallel_loop3A_1442 : vector<16xf32>
      %parallel_loop3A_1444 = arith.constant 7 : i32
      %parallel_loop3A_1445 = arith.index_cast %parallel_loop3A_9 : i32 to index
      %parallel_loop3A_1446 = arith.index_cast %parallel_loop3A_1444 : i32 to index
      %parallel_loop3A_1447 = arith.constant 96 : index
      %parallel_loop3A_1448 = tpu.vector_load %arg4[%parallel_loop3A_1445, %parallel_loop3A_1446, %parallel_loop3A_1447] {strides = array<i32>} : memref<8x32x128xf32, #tpu.memory_space<vmem>>, vector<1x1x16xf32>,
      %parallel_loop3A_1449 = vector.shape_cast %parallel_loop3A_1448 : vector<1x1x16xf32> to vector<16xf32>
      %parallel_loop3A_1450 = arith.addf %parallel_loop3A_1443, %parallel_loop3A_1449 : vector<16xf32>
      %parallel_loop3A_1451 = arith.constant 8 : i32
      %parallel_loop3A_1452 = arith.index_cast %parallel_loop3A_9 : i32 to index
      %parallel_loop3A_1453 = arith.index_cast %parallel_loop3A_1451 : i32 to index
      %parallel_loop3A_1454 = arith.constant 96 : index
      %parallel_loop3A_1455 = tpu.vector_load %arg4[%parallel_loop3A_1452, %parallel_loop3A_1453, %parallel_loop3A_1454] {strides = array<i32>} : memref<8x32x128xf32, #tpu.memory_space<vmem>>, vector<1x1x16xf32>,
      %parallel_loop3A_1456 = vector.shape_cast %parallel_loop3A_1455 : vector<1x1x16xf32> to vector<16xf32>
      %parallel_loop3A_1457 = arith.addf %parallel_loop3A_1450, %parallel_loop3A_1456 : vector<16xf32>
      %parallel_loop3A_1458 = arith.constant 9 : i32
      %parallel_loop3A_1459 = arith.index_cast %parallel_loop3A_9 : i32 to index
      %parallel_loop3A_1460 = arith.index_cast %parallel_loop3A_1458 : i32 to index
      %parallel_loop3A_1461 = arith.constant 96 : index
      %parallel_loop3A_1462 = tpu.vector_load %arg4[%parallel_loop3A_1459, %parallel_loop3A_1460, %parallel_loop3A_1461] {strides = array<i32>} : memref<8x32x128xf32, #tpu.memory_space<vmem>>, vector<1x1x16xf32>,
      %parallel_loop3A_1463 = vector.shape_cast %parallel_loop3A_1462 : vector<1x1x16xf32> to vector<16xf32>
      %parallel_loop3A_1464 = arith.addf %parallel_loop3A_1457, %parallel_loop3A_1463 : vector<16xf32>
      %parallel_loop3A_1465 = arith.constant 10 : i32
      %parallel_loop3A_1466 = arith.index_cast %parallel_loop3A_9 : i32 to index
      %parallel_loop3A_1467 = arith.index_cast %parallel_loop3A_1465 : i32 to index
      %parallel_loop3A_1468 = arith.constant 96 : index
      %parallel_loop3A_1469 = tpu.vector_load %arg4[%parallel_loop3A_1466, %parallel_loop3A_1467, %parallel_loop3A_1468] {strides = array<i32>} : memref<8x32x128xf32, #tpu.memory_space<vmem>>, vector<1x1x16xf32>,
      %parallel_loop3A_1470 = vector.shape_cast %parallel_loop3A_1469 : vector<1x1x16xf32> to vector<16xf32>
      %parallel_loop3A_1471 = arith.addf %parallel_loop3A_1464, %parallel_loop3A_1470 : vector<16xf32>
      %parallel_loop3A_1472 = arith.constant 11 : i32
      %parallel_loop3A_1473 = arith.index_cast %parallel_loop3A_9 : i32 to index
      %parallel_loop3A_1474 = arith.index_cast %parallel_loop3A_1472 : i32 to index
      %parallel_loop3A_1475 = arith.constant 96 : index
      %parallel_loop3A_1476 = tpu.vector_load %arg4[%parallel_loop3A_1473, %parallel_loop3A_1474, %parallel_loop3A_1475] {strides = array<i32>} : memref<8x32x128xf32, #tpu.memory_space<vmem>>, vector<1x1x16xf32>,
      %parallel_loop3A_1477 = vector.shape_cast %parallel_loop3A_1476 : vector<1x1x16xf32> to vector<16xf32>
      %parallel_loop3A_1478 = arith.addf %parallel_loop3A_1471, %parallel_loop3A_1477 : vector<16xf32>
      %parallel_loop3A_1479 = arith.constant 12 : i32
      %parallel_loop3A_1480 = arith.index_cast %parallel_loop3A_9 : i32 to index
      %parallel_loop3A_1481 = arith.index_cast %parallel_loop3A_1479 : i32 to index
      %parallel_loop3A_1482 = arith.constant 96 : index
      %parallel_loop3A_1483 = tpu.vector_load %arg4[%parallel_loop3A_1480, %parallel_loop3A_1481, %parallel_loop3A_1482] {strides = array<i32>} : memref<8x32x128xf32, #tpu.memory_space<vmem>>, vector<1x1x16xf32>,
      %parallel_loop3A_1484 = vector.shape_cast %parallel_loop3A_1483 : vector<1x1x16xf32> to vector<16xf32>
      %parallel_loop3A_1485 = arith.addf %parallel_loop3A_1478, %parallel_loop3A_1484 : vector<16xf32>
      %parallel_loop3A_1486 = arith.constant 13 : i32
      %parallel_loop3A_1487 = arith.index_cast %parallel_loop3A_9 : i32 to index
      %parallel_loop3A_1488 = arith.index_cast %parallel_loop3A_1486 : i32 to index
      %parallel_loop3A_1489 = arith.constant 96 : index
      %parallel_loop3A_1490 = tpu.vector_load %arg4[%parallel_loop3A_1487, %parallel_loop3A_1488, %parallel_loop3A_1489] {strides = array<i32>} : memref<8x32x128xf32, #tpu.memory_space<vmem>>, vector<1x1x16xf32>,
      %parallel_loop3A_1491 = vector.shape_cast %parallel_loop3A_1490 : vector<1x1x16xf32> to vector<16xf32>
      %parallel_loop3A_1492 = arith.addf %parallel_loop3A_1485, %parallel_loop3A_1491 : vector<16xf32>
      %parallel_loop3A_1493 = arith.constant 14 : i32
      %parallel_loop3A_1494 = arith.index_cast %parallel_loop3A_9 : i32 to index
      %parallel_loop3A_1495 = arith.index_cast %parallel_loop3A_1493 : i32 to index
      %parallel_loop3A_1496 = arith.constant 96 : index
      %parallel_loop3A_1497 = tpu.vector_load %arg4[%parallel_loop3A_1494, %parallel_loop3A_1495, %parallel_loop3A_1496] {strides = array<i32>} : memref<8x32x128xf32, #tpu.memory_space<vmem>>, vector<1x1x16xf32>,
      %parallel_loop3A_1498 = vector.shape_cast %parallel_loop3A_1497 : vector<1x1x16xf32> to vector<16xf32>
      %parallel_loop3A_1499 = arith.addf %parallel_loop3A_1492, %parallel_loop3A_1498 : vector<16xf32>
      %parallel_loop3A_1500 = arith.constant 15 : i32
      %parallel_loop3A_1501 = arith.index_cast %parallel_loop3A_9 : i32 to index
      %parallel_loop3A_1502 = arith.index_cast %parallel_loop3A_1500 : i32 to index
      %parallel_loop3A_1503 = arith.constant 96 : index
      %parallel_loop3A_1504 = tpu.vector_load %arg4[%parallel_loop3A_1501, %parallel_loop3A_1502, %parallel_loop3A_1503] {strides = array<i32>} : memref<8x32x128xf32, #tpu.memory_space<vmem>>, vector<1x1x16xf32>,
      %parallel_loop3A_1505 = vector.shape_cast %parallel_loop3A_1504 : vector<1x1x16xf32> to vector<16xf32>
      %parallel_loop3A_1506 = arith.addf %parallel_loop3A_1499, %parallel_loop3A_1505 : vector<16xf32>
      %parallel_loop3A_1507 = arith.constant 16 : i32
      %parallel_loop3A_1508 = arith.index_cast %parallel_loop3A_9 : i32 to index
      %parallel_loop3A_1509 = arith.index_cast %parallel_loop3A_1507 : i32 to index
      %parallel_loop3A_1510 = arith.constant 96 : index
      %parallel_loop3A_1511 = tpu.vector_load %arg4[%parallel_loop3A_1508, %parallel_loop3A_1509, %parallel_loop3A_1510] {strides = array<i32>} : memref<8x32x128xf32, #tpu.memory_space<vmem>>, vector<1x1x16xf32>,
      %parallel_loop3A_1512 = vector.shape_cast %parallel_loop3A_1511 : vector<1x1x16xf32> to vector<16xf32>
      %parallel_loop3A_1513 = arith.addf %parallel_loop3A_1506, %parallel_loop3A_1512 : vector<16xf32>
      %parallel_loop3A_1514 = arith.constant 17 : i32
      %parallel_loop3A_1515 = arith.index_cast %parallel_loop3A_9 : i32 to index
      %parallel_loop3A_1516 = arith.index_cast %parallel_loop3A_1514 : i32 to index
      %parallel_loop3A_1517 = arith.constant 96 : index
      %parallel_loop3A_1518 = tpu.vector_load %arg4[%parallel_loop3A_1515, %parallel_loop3A_1516, %parallel_loop3A_1517] {strides = array<i32>} : memref<8x32x128xf32, #tpu.memory_space<vmem>>, vector<1x1x16xf32>,
      %parallel_loop3A_1519 = vector.shape_cast %parallel_loop3A_1518 : vector<1x1x16xf32> to vector<16xf32>
      %parallel_loop3A_1520 = arith.addf %parallel_loop3A_1513, %parallel_loop3A_1519 : vector<16xf32>
      %parallel_loop3A_1521 = arith.constant 18 : i32
      %parallel_loop3A_1522 = arith.index_cast %parallel_loop3A_9 : i32 to index
      %parallel_loop3A_1523 = arith.index_cast %parallel_loop3A_1521 : i32 to index
      %parallel_loop3A_1524 = arith.constant 96 : index
      %parallel_loop3A_1525 = tpu.vector_load %arg4[%parallel_loop3A_1522, %parallel_loop3A_1523, %parallel_loop3A_1524] {strides = array<i32>} : memref<8x32x128xf32, #tpu.memory_space<vmem>>, vector<1x1x16xf32>,
      %parallel_loop3A_1526 = vector.shape_cast %parallel_loop3A_1525 : vector<1x1x16xf32> to vector<16xf32>
      %parallel_loop3A_1527 = arith.addf %parallel_loop3A_1520, %parallel_loop3A_1526 : vector<16xf32>
      %parallel_loop3A_1528 = arith.constant 19 : i32
      %parallel_loop3A_1529 = arith.index_cast %parallel_loop3A_9 : i32 to index
      %parallel_loop3A_1530 = arith.index_cast %parallel_loop3A_1528 : i32 to index
      %parallel_loop3A_1531 = arith.constant 96 : index
      %parallel_loop3A_1532 = tpu.vector_load %arg4[%parallel_loop3A_1529, %parallel_loop3A_1530, %parallel_loop3A_1531] {strides = array<i32>} : memref<8x32x128xf32, #tpu.memory_space<vmem>>, vector<1x1x16xf32>,
      %parallel_loop3A_1533 = vector.shape_cast %parallel_loop3A_1532 : vector<1x1x16xf32> to vector<16xf32>
      %parallel_loop3A_1534 = arith.addf %parallel_loop3A_1527, %parallel_loop3A_1533 : vector<16xf32>
      %parallel_loop3A_1535 = arith.constant 20 : i32
      %parallel_loop3A_1536 = arith.index_cast %parallel_loop3A_9 : i32 to index
      %parallel_loop3A_1537 = arith.index_cast %parallel_loop3A_1535 : i32 to index
      %parallel_loop3A_1538 = arith.constant 96 : index
      %parallel_loop3A_1539 = tpu.vector_load %arg4[%parallel_loop3A_1536, %parallel_loop3A_1537, %parallel_loop3A_1538] {strides = array<i32>} : memref<8x32x128xf32, #tpu.memory_space<vmem>>, vector<1x1x16xf32>,
      %parallel_loop3A_1540 = vector.shape_cast %parallel_loop3A_1539 : vector<1x1x16xf32> to vector<16xf32>
      %parallel_loop3A_1541 = arith.addf %parallel_loop3A_1534, %parallel_loop3A_1540 : vector<16xf32>
      %parallel_loop3A_1542 = arith.constant 21 : i32
      %parallel_loop3A_1543 = arith.index_cast %parallel_loop3A_9 : i32 to index
      %parallel_loop3A_1544 = arith.index_cast %parallel_loop3A_1542 : i32 to index
      %parallel_loop3A_1545 = arith.constant 96 : index
      %parallel_loop3A_1546 = tpu.vector_load %arg4[%parallel_loop3A_1543, %parallel_loop3A_1544, %parallel_loop3A_1545] {strides = array<i32>} : memref<8x32x128xf32, #tpu.memory_space<vmem>>, vector<1x1x16xf32>,
      %parallel_loop3A_1547 = vector.shape_cast %parallel_loop3A_1546 : vector<1x1x16xf32> to vector<16xf32>
      %parallel_loop3A_1548 = arith.addf %parallel_loop3A_1541, %parallel_loop3A_1547 : vector<16xf32>
      %parallel_loop3A_1549 = arith.constant 22 : i32
      %parallel_loop3A_1550 = arith.index_cast %parallel_loop3A_9 : i32 to index
      %parallel_loop3A_1551 = arith.index_cast %parallel_loop3A_1549 : i32 to index
      %parallel_loop3A_1552 = arith.constant 96 : index
      %parallel_loop3A_1553 = tpu.vector_load %arg4[%parallel_loop3A_1550, %parallel_loop3A_1551, %parallel_loop3A_1552] {strides = array<i32>} : memref<8x32x128xf32, #tpu.memory_space<vmem>>, vector<1x1x16xf32>,
      %parallel_loop3A_1554 = vector.shape_cast %parallel_loop3A_1553 : vector<1x1x16xf32> to vector<16xf32>
      %parallel_loop3A_1555 = arith.addf %parallel_loop3A_1548, %parallel_loop3A_1554 : vector<16xf32>
      %parallel_loop3A_1556 = arith.constant 23 : i32
      %parallel_loop3A_1557 = arith.index_cast %parallel_loop3A_9 : i32 to index
      %parallel_loop3A_1558 = arith.index_cast %parallel_loop3A_1556 : i32 to index
      %parallel_loop3A_1559 = arith.constant 96 : index
      %parallel_loop3A_1560 = tpu.vector_load %arg4[%parallel_loop3A_1557, %parallel_loop3A_1558, %parallel_loop3A_1559] {strides = array<i32>} : memref<8x32x128xf32, #tpu.memory_space<vmem>>, vector<1x1x16xf32>,
      %parallel_loop3A_1561 = vector.shape_cast %parallel_loop3A_1560 : vector<1x1x16xf32> to vector<16xf32>
      %parallel_loop3A_1562 = arith.addf %parallel_loop3A_1555, %parallel_loop3A_1561 : vector<16xf32>
      %parallel_loop3A_1563 = arith.constant 24 : i32
      %parallel_loop3A_1564 = arith.index_cast %parallel_loop3A_9 : i32 to index
      %parallel_loop3A_1565 = arith.index_cast %parallel_loop3A_1563 : i32 to index
      %parallel_loop3A_1566 = arith.constant 96 : index
      %parallel_loop3A_1567 = tpu.vector_load %arg4[%parallel_loop3A_1564, %parallel_loop3A_1565, %parallel_loop3A_1566] {strides = array<i32>} : memref<8x32x128xf32, #tpu.memory_space<vmem>>, vector<1x1x16xf32>,
      %parallel_loop3A_1568 = vector.shape_cast %parallel_loop3A_1567 : vector<1x1x16xf32> to vector<16xf32>
      %parallel_loop3A_1569 = arith.addf %parallel_loop3A_1562, %parallel_loop3A_1568 : vector<16xf32>
      %parallel_loop3A_1570 = arith.constant 25 : i32
      %parallel_loop3A_1571 = arith.index_cast %parallel_loop3A_9 : i32 to index
      %parallel_loop3A_1572 = arith.index_cast %parallel_loop3A_1570 : i32 to index
      %parallel_loop3A_1573 = arith.constant 96 : index
      %parallel_loop3A_1574 = tpu.vector_load %arg4[%parallel_loop3A_1571, %parallel_loop3A_1572, %parallel_loop3A_1573] {strides = array<i32>} : memref<8x32x128xf32, #tpu.memory_space<vmem>>, vector<1x1x16xf32>,
      %parallel_loop3A_1575 = vector.shape_cast %parallel_loop3A_1574 : vector<1x1x16xf32> to vector<16xf32>
      %parallel_loop3A_1576 = arith.addf %parallel_loop3A_1569, %parallel_loop3A_1575 : vector<16xf32>
      %parallel_loop3A_1577 = arith.constant 26 : i32
      %parallel_loop3A_1578 = arith.index_cast %parallel_loop3A_9 : i32 to index
      %parallel_loop3A_1579 = arith.index_cast %parallel_loop3A_1577 : i32 to index
      %parallel_loop3A_1580 = arith.constant 96 : index
      %parallel_loop3A_1581 = tpu.vector_load %arg4[%parallel_loop3A_1578, %parallel_loop3A_1579, %parallel_loop3A_1580] {strides = array<i32>} : memref<8x32x128xf32, #tpu.memory_space<vmem>>, vector<1x1x16xf32>,
      %parallel_loop3A_1582 = vector.shape_cast %parallel_loop3A_1581 : vector<1x1x16xf32> to vector<16xf32>
      %parallel_loop3A_1583 = arith.addf %parallel_loop3A_1576, %parallel_loop3A_1582 : vector<16xf32>
      %parallel_loop3A_1584 = arith.constant 27 : i32
      %parallel_loop3A_1585 = arith.index_cast %parallel_loop3A_9 : i32 to index
      %parallel_loop3A_1586 = arith.index_cast %parallel_loop3A_1584 : i32 to index
      %parallel_loop3A_1587 = arith.constant 96 : index
      %parallel_loop3A_1588 = tpu.vector_load %arg4[%parallel_loop3A_1585, %parallel_loop3A_1586, %parallel_loop3A_1587] {strides = array<i32>} : memref<8x32x128xf32, #tpu.memory_space<vmem>>, vector<1x1x16xf32>,
      %parallel_loop3A_1589 = vector.shape_cast %parallel_loop3A_1588 : vector<1x1x16xf32> to vector<16xf32>
      %parallel_loop3A_1590 = arith.addf %parallel_loop3A_1583, %parallel_loop3A_1589 : vector<16xf32>
      %parallel_loop3A_1591 = arith.constant 28 : i32
      %parallel_loop3A_1592 = arith.index_cast %parallel_loop3A_9 : i32 to index
      %parallel_loop3A_1593 = arith.index_cast %parallel_loop3A_1591 : i32 to index
      %parallel_loop3A_1594 = arith.constant 96 : index
      %parallel_loop3A_1595 = tpu.vector_load %arg4[%parallel_loop3A_1592, %parallel_loop3A_1593, %parallel_loop3A_1594] {strides = array<i32>} : memref<8x32x128xf32, #tpu.memory_space<vmem>>, vector<1x1x16xf32>,
      %parallel_loop3A_1596 = vector.shape_cast %parallel_loop3A_1595 : vector<1x1x16xf32> to vector<16xf32>
      %parallel_loop3A_1597 = arith.addf %parallel_loop3A_1590, %parallel_loop3A_1596 : vector<16xf32>
      %parallel_loop3A_1598 = arith.constant 29 : i32
      %parallel_loop3A_1599 = arith.index_cast %parallel_loop3A_9 : i32 to index
      %parallel_loop3A_1600 = arith.index_cast %parallel_loop3A_1598 : i32 to index
      %parallel_loop3A_1601 = arith.constant 96 : index
      %parallel_loop3A_1602 = tpu.vector_load %arg4[%parallel_loop3A_1599, %parallel_loop3A_1600, %parallel_loop3A_1601] {strides = array<i32>} : memref<8x32x128xf32, #tpu.memory_space<vmem>>, vector<1x1x16xf32>,
      %parallel_loop3A_1603 = vector.shape_cast %parallel_loop3A_1602 : vector<1x1x16xf32> to vector<16xf32>
      %parallel_loop3A_1604 = arith.addf %parallel_loop3A_1597, %parallel_loop3A_1603 : vector<16xf32>
      %parallel_loop3A_1605 = arith.constant 30 : i32
      %parallel_loop3A_1606 = arith.index_cast %parallel_loop3A_9 : i32 to index
      %parallel_loop3A_1607 = arith.index_cast %parallel_loop3A_1605 : i32 to index
      %parallel_loop3A_1608 = arith.constant 96 : index
      %parallel_loop3A_1609 = tpu.vector_load %arg4[%parallel_loop3A_1606, %parallel_loop3A_1607, %parallel_loop3A_1608] {strides = array<i32>} : memref<8x32x128xf32, #tpu.memory_space<vmem>>, vector<1x1x16xf32>,
      %parallel_loop3A_1610 = vector.shape_cast %parallel_loop3A_1609 : vector<1x1x16xf32> to vector<16xf32>
      %parallel_loop3A_1611 = arith.addf %parallel_loop3A_1604, %parallel_loop3A_1610 : vector<16xf32>
      %parallel_loop3A_1612 = arith.constant 31 : i32
      %parallel_loop3A_1613 = arith.index_cast %parallel_loop3A_9 : i32 to index
      %parallel_loop3A_1614 = arith.index_cast %parallel_loop3A_1612 : i32 to index
      %parallel_loop3A_1615 = arith.constant 96 : index
      %parallel_loop3A_1616 = tpu.vector_load %arg4[%parallel_loop3A_1613, %parallel_loop3A_1614, %parallel_loop3A_1615] {strides = array<i32>} : memref<8x32x128xf32, #tpu.memory_space<vmem>>, vector<1x1x16xf32>,
      %parallel_loop3A_1617 = vector.shape_cast %parallel_loop3A_1616 : vector<1x1x16xf32> to vector<16xf32>
      %parallel_loop3A_1618 = arith.addf %parallel_loop3A_1611, %parallel_loop3A_1617 : vector<16xf32>
      %parallel_loop3A_1619 = arith.constant 3.125000e-02 : f32
      %parallel_loop3A_1620 = vector.broadcast %parallel_loop3A_1619 : f32 to vector<16xf32>
      %parallel_loop3A_1621 = arith.mulf %parallel_loop3A_1618, %parallel_loop3A_1620 : vector<16xf32>
      %parallel_loop3A_1622 = arith.index_cast %parallel_loop3A_9 : i32 to index
      %parallel_loop3A_1623 = arith.constant 96 : index
      %parallel_loop3A_1624 = tpu.vector_load %arg5[%parallel_loop3A_1622, %parallel_loop3A_1623] {strides = array<i32>} : memref<8x128xf32, #tpu.memory_space<vmem>>, vector<1x16xf32>,
      %parallel_loop3A_1625 = vector.shape_cast %parallel_loop3A_1624 : vector<1x16xf32> to vector<16xf32>
      %parallel_loop3A_1626 = vector.shape_cast %parallel_loop3A_1621 : vector<16xf32> to vector<1x16xf32>
      tpu.vector_store %arg5[%parallel_loop3A_1622, %parallel_loop3A_1623], %parallel_loop3A_1626 {strides = array<i32>} : memref<8x128xf32, #tpu.memory_space<vmem>>, vector<1x16xf32>,
      %parallel_loop3A_1627 = arith.constant 0 : i32
      %parallel_loop3A_1628 = arith.index_cast %parallel_loop3A_9 : i32 to index
      %parallel_loop3A_1629 = arith.index_cast %parallel_loop3A_1627 : i32 to index
      %parallel_loop3A_1630 = arith.constant 112 : index
      %parallel_loop3A_1631 = tpu.vector_load %arg4[%parallel_loop3A_1628, %parallel_loop3A_1629, %parallel_loop3A_1630] {strides = array<i32>} : memref<8x32x128xf32, #tpu.memory_space<vmem>>, vector<1x1x16xf32>,
      %parallel_loop3A_1632 = vector.shape_cast %parallel_loop3A_1631 : vector<1x1x16xf32> to vector<16xf32>
      %parallel_loop3A_1633 = arith.constant 1 : i32
      %parallel_loop3A_1634 = arith.index_cast %parallel_loop3A_9 : i32 to index
      %parallel_loop3A_1635 = arith.index_cast %parallel_loop3A_1633 : i32 to index
      %parallel_loop3A_1636 = arith.constant 112 : index
      %parallel_loop3A_1637 = tpu.vector_load %arg4[%parallel_loop3A_1634, %parallel_loop3A_1635, %parallel_loop3A_1636] {strides = array<i32>} : memref<8x32x128xf32, #tpu.memory_space<vmem>>, vector<1x1x16xf32>,
      %parallel_loop3A_1638 = vector.shape_cast %parallel_loop3A_1637 : vector<1x1x16xf32> to vector<16xf32>
      %parallel_loop3A_1639 = arith.addf %parallel_loop3A_1632, %parallel_loop3A_1638 : vector<16xf32>
      %parallel_loop3A_1640 = arith.constant 2 : i32
      %parallel_loop3A_1641 = arith.index_cast %parallel_loop3A_9 : i32 to index
      %parallel_loop3A_1642 = arith.index_cast %parallel_loop3A_1640 : i32 to index
      %parallel_loop3A_1643 = arith.constant 112 : index
      %parallel_loop3A_1644 = tpu.vector_load %arg4[%parallel_loop3A_1641, %parallel_loop3A_1642, %parallel_loop3A_1643] {strides = array<i32>} : memref<8x32x128xf32, #tpu.memory_space<vmem>>, vector<1x1x16xf32>,
      %parallel_loop3A_1645 = vector.shape_cast %parallel_loop3A_1644 : vector<1x1x16xf32> to vector<16xf32>
      %parallel_loop3A_1646 = arith.addf %parallel_loop3A_1639, %parallel_loop3A_1645 : vector<16xf32>
      %parallel_loop3A_1647 = arith.constant 3 : i32
      %parallel_loop3A_1648 = arith.index_cast %parallel_loop3A_9 : i32 to index
      %parallel_loop3A_1649 = arith.index_cast %parallel_loop3A_1647 : i32 to index
      %parallel_loop3A_1650 = arith.constant 112 : index
      %parallel_loop3A_1651 = tpu.vector_load %arg4[%parallel_loop3A_1648, %parallel_loop3A_1649, %parallel_loop3A_1650] {strides = array<i32>} : memref<8x32x128xf32, #tpu.memory_space<vmem>>, vector<1x1x16xf32>,
      %parallel_loop3A_1652 = vector.shape_cast %parallel_loop3A_1651 : vector<1x1x16xf32> to vector<16xf32>
      %parallel_loop3A_1653 = arith.addf %parallel_loop3A_1646, %parallel_loop3A_1652 : vector<16xf32>
      %parallel_loop3A_1654 = arith.constant 4 : i32
      %parallel_loop3A_1655 = arith.index_cast %parallel_loop3A_9 : i32 to index
      %parallel_loop3A_1656 = arith.index_cast %parallel_loop3A_1654 : i32 to index
      %parallel_loop3A_1657 = arith.constant 112 : index
      %parallel_loop3A_1658 = tpu.vector_load %arg4[%parallel_loop3A_1655, %parallel_loop3A_1656, %parallel_loop3A_1657] {strides = array<i32>} : memref<8x32x128xf32, #tpu.memory_space<vmem>>, vector<1x1x16xf32>,
      %parallel_loop3A_1659 = vector.shape_cast %parallel_loop3A_1658 : vector<1x1x16xf32> to vector<16xf32>
      %parallel_loop3A_1660 = arith.addf %parallel_loop3A_1653, %parallel_loop3A_1659 : vector<16xf32>
      %parallel_loop3A_1661 = arith.constant 5 : i32
      %parallel_loop3A_1662 = arith.index_cast %parallel_loop3A_9 : i32 to index
      %parallel_loop3A_1663 = arith.index_cast %parallel_loop3A_1661 : i32 to index
      %parallel_loop3A_1664 = arith.constant 112 : index
      %parallel_loop3A_1665 = tpu.vector_load %arg4[%parallel_loop3A_1662, %parallel_loop3A_1663, %parallel_loop3A_1664] {strides = array<i32>} : memref<8x32x128xf32, #tpu.memory_space<vmem>>, vector<1x1x16xf32>,
      %parallel_loop3A_1666 = vector.shape_cast %parallel_loop3A_1665 : vector<1x1x16xf32> to vector<16xf32>
      %parallel_loop3A_1667 = arith.addf %parallel_loop3A_1660, %parallel_loop3A_1666 : vector<16xf32>
      %parallel_loop3A_1668 = arith.constant 6 : i32
      %parallel_loop3A_1669 = arith.index_cast %parallel_loop3A_9 : i32 to index
      %parallel_loop3A_1670 = arith.index_cast %parallel_loop3A_1668 : i32 to index
      %parallel_loop3A_1671 = arith.constant 112 : index
      %parallel_loop3A_1672 = tpu.vector_load %arg4[%parallel_loop3A_1669, %parallel_loop3A_1670, %parallel_loop3A_1671] {strides = array<i32>} : memref<8x32x128xf32, #tpu.memory_space<vmem>>, vector<1x1x16xf32>,
      %parallel_loop3A_1673 = vector.shape_cast %parallel_loop3A_1672 : vector<1x1x16xf32> to vector<16xf32>
      %parallel_loop3A_1674 = arith.addf %parallel_loop3A_1667, %parallel_loop3A_1673 : vector<16xf32>
      %parallel_loop3A_1675 = arith.constant 7 : i32
      %parallel_loop3A_1676 = arith.index_cast %parallel_loop3A_9 : i32 to index
      %parallel_loop3A_1677 = arith.index_cast %parallel_loop3A_1675 : i32 to index
      %parallel_loop3A_1678 = arith.constant 112 : index
      %parallel_loop3A_1679 = tpu.vector_load %arg4[%parallel_loop3A_1676, %parallel_loop3A_1677, %parallel_loop3A_1678] {strides = array<i32>} : memref<8x32x128xf32, #tpu.memory_space<vmem>>, vector<1x1x16xf32>,
      %parallel_loop3A_1680 = vector.shape_cast %parallel_loop3A_1679 : vector<1x1x16xf32> to vector<16xf32>
      %parallel_loop3A_1681 = arith.addf %parallel_loop3A_1674, %parallel_loop3A_1680 : vector<16xf32>
      %parallel_loop3A_1682 = arith.constant 8 : i32
      %parallel_loop3A_1683 = arith.index_cast %parallel_loop3A_9 : i32 to index
      %parallel_loop3A_1684 = arith.index_cast %parallel_loop3A_1682 : i32 to index
      %parallel_loop3A_1685 = arith.constant 112 : index
      %parallel_loop3A_1686 = tpu.vector_load %arg4[%parallel_loop3A_1683, %parallel_loop3A_1684, %parallel_loop3A_1685] {strides = array<i32>} : memref<8x32x128xf32, #tpu.memory_space<vmem>>, vector<1x1x16xf32>,
      %parallel_loop3A_1687 = vector.shape_cast %parallel_loop3A_1686 : vector<1x1x16xf32> to vector<16xf32>
      %parallel_loop3A_1688 = arith.addf %parallel_loop3A_1681, %parallel_loop3A_1687 : vector<16xf32>
      %parallel_loop3A_1689 = arith.constant 9 : i32
      %parallel_loop3A_1690 = arith.index_cast %parallel_loop3A_9 : i32 to index
      %parallel_loop3A_1691 = arith.index_cast %parallel_loop3A_1689 : i32 to index
      %parallel_loop3A_1692 = arith.constant 112 : index
      %parallel_loop3A_1693 = tpu.vector_load %arg4[%parallel_loop3A_1690, %parallel_loop3A_1691, %parallel_loop3A_1692] {strides = array<i32>} : memref<8x32x128xf32, #tpu.memory_space<vmem>>, vector<1x1x16xf32>,
      %parallel_loop3A_1694 = vector.shape_cast %parallel_loop3A_1693 : vector<1x1x16xf32> to vector<16xf32>
      %parallel_loop3A_1695 = arith.addf %parallel_loop3A_1688, %parallel_loop3A_1694 : vector<16xf32>
      %parallel_loop3A_1696 = arith.constant 10 : i32
      %parallel_loop3A_1697 = arith.index_cast %parallel_loop3A_9 : i32 to index
      %parallel_loop3A_1698 = arith.index_cast %parallel_loop3A_1696 : i32 to index
      %parallel_loop3A_1699 = arith.constant 112 : index
      %parallel_loop3A_1700 = tpu.vector_load %arg4[%parallel_loop3A_1697, %parallel_loop3A_1698, %parallel_loop3A_1699] {strides = array<i32>} : memref<8x32x128xf32, #tpu.memory_space<vmem>>, vector<1x1x16xf32>,
      %parallel_loop3A_1701 = vector.shape_cast %parallel_loop3A_1700 : vector<1x1x16xf32> to vector<16xf32>
      %parallel_loop3A_1702 = arith.addf %parallel_loop3A_1695, %parallel_loop3A_1701 : vector<16xf32>
      %parallel_loop3A_1703 = arith.constant 11 : i32
      %parallel_loop3A_1704 = arith.index_cast %parallel_loop3A_9 : i32 to index
      %parallel_loop3A_1705 = arith.index_cast %parallel_loop3A_1703 : i32 to index
      %parallel_loop3A_1706 = arith.constant 112 : index
      %parallel_loop3A_1707 = tpu.vector_load %arg4[%parallel_loop3A_1704, %parallel_loop3A_1705, %parallel_loop3A_1706] {strides = array<i32>} : memref<8x32x128xf32, #tpu.memory_space<vmem>>, vector<1x1x16xf32>,
      %parallel_loop3A_1708 = vector.shape_cast %parallel_loop3A_1707 : vector<1x1x16xf32> to vector<16xf32>
      %parallel_loop3A_1709 = arith.addf %parallel_loop3A_1702, %parallel_loop3A_1708 : vector<16xf32>
      %parallel_loop3A_1710 = arith.constant 12 : i32
      %parallel_loop3A_1711 = arith.index_cast %parallel_loop3A_9 : i32 to index
      %parallel_loop3A_1712 = arith.index_cast %parallel_loop3A_1710 : i32 to index
      %parallel_loop3A_1713 = arith.constant 112 : index
      %parallel_loop3A_1714 = tpu.vector_load %arg4[%parallel_loop3A_1711, %parallel_loop3A_1712, %parallel_loop3A_1713] {strides = array<i32>} : memref<8x32x128xf32, #tpu.memory_space<vmem>>, vector<1x1x16xf32>,
      %parallel_loop3A_1715 = vector.shape_cast %parallel_loop3A_1714 : vector<1x1x16xf32> to vector<16xf32>
      %parallel_loop3A_1716 = arith.addf %parallel_loop3A_1709, %parallel_loop3A_1715 : vector<16xf32>
      %parallel_loop3A_1717 = arith.constant 13 : i32
      %parallel_loop3A_1718 = arith.index_cast %parallel_loop3A_9 : i32 to index
      %parallel_loop3A_1719 = arith.index_cast %parallel_loop3A_1717 : i32 to index
      %parallel_loop3A_1720 = arith.constant 112 : index
      %parallel_loop3A_1721 = tpu.vector_load %arg4[%parallel_loop3A_1718, %parallel_loop3A_1719, %parallel_loop3A_1720] {strides = array<i32>} : memref<8x32x128xf32, #tpu.memory_space<vmem>>, vector<1x1x16xf32>,
      %parallel_loop3A_1722 = vector.shape_cast %parallel_loop3A_1721 : vector<1x1x16xf32> to vector<16xf32>
      %parallel_loop3A_1723 = arith.addf %parallel_loop3A_1716, %parallel_loop3A_1722 : vector<16xf32>
      %parallel_loop3A_1724 = arith.constant 14 : i32
      %parallel_loop3A_1725 = arith.index_cast %parallel_loop3A_9 : i32 to index
      %parallel_loop3A_1726 = arith.index_cast %parallel_loop3A_1724 : i32 to index
      %parallel_loop3A_1727 = arith.constant 112 : index
      %parallel_loop3A_1728 = tpu.vector_load %arg4[%parallel_loop3A_1725, %parallel_loop3A_1726, %parallel_loop3A_1727] {strides = array<i32>} : memref<8x32x128xf32, #tpu.memory_space<vmem>>, vector<1x1x16xf32>,
      %parallel_loop3A_1729 = vector.shape_cast %parallel_loop3A_1728 : vector<1x1x16xf32> to vector<16xf32>
      %parallel_loop3A_1730 = arith.addf %parallel_loop3A_1723, %parallel_loop3A_1729 : vector<16xf32>
      %parallel_loop3A_1731 = arith.constant 15 : i32
      %parallel_loop3A_1732 = arith.index_cast %parallel_loop3A_9 : i32 to index
      %parallel_loop3A_1733 = arith.index_cast %parallel_loop3A_1731 : i32 to index
      %parallel_loop3A_1734 = arith.constant 112 : index
      %parallel_loop3A_1735 = tpu.vector_load %arg4[%parallel_loop3A_1732, %parallel_loop3A_1733, %parallel_loop3A_1734] {strides = array<i32>} : memref<8x32x128xf32, #tpu.memory_space<vmem>>, vector<1x1x16xf32>,
      %parallel_loop3A_1736 = vector.shape_cast %parallel_loop3A_1735 : vector<1x1x16xf32> to vector<16xf32>
      %parallel_loop3A_1737 = arith.addf %parallel_loop3A_1730, %parallel_loop3A_1736 : vector<16xf32>
      %parallel_loop3A_1738 = arith.constant 16 : i32
      %parallel_loop3A_1739 = arith.index_cast %parallel_loop3A_9 : i32 to index
      %parallel_loop3A_1740 = arith.index_cast %parallel_loop3A_1738 : i32 to index
      %parallel_loop3A_1741 = arith.constant 112 : index
      %parallel_loop3A_1742 = tpu.vector_load %arg4[%parallel_loop3A_1739, %parallel_loop3A_1740, %parallel_loop3A_1741] {strides = array<i32>} : memref<8x32x128xf32, #tpu.memory_space<vmem>>, vector<1x1x16xf32>,
      %parallel_loop3A_1743 = vector.shape_cast %parallel_loop3A_1742 : vector<1x1x16xf32> to vector<16xf32>
      %parallel_loop3A_1744 = arith.addf %parallel_loop3A_1737, %parallel_loop3A_1743 : vector<16xf32>
      %parallel_loop3A_1745 = arith.constant 17 : i32
      %parallel_loop3A_1746 = arith.index_cast %parallel_loop3A_9 : i32 to index
      %parallel_loop3A_1747 = arith.index_cast %parallel_loop3A_1745 : i32 to index
      %parallel_loop3A_1748 = arith.constant 112 : index
      %parallel_loop3A_1749 = tpu.vector_load %arg4[%parallel_loop3A_1746, %parallel_loop3A_1747, %parallel_loop3A_1748] {strides = array<i32>} : memref<8x32x128xf32, #tpu.memory_space<vmem>>, vector<1x1x16xf32>,
      %parallel_loop3A_1750 = vector.shape_cast %parallel_loop3A_1749 : vector<1x1x16xf32> to vector<16xf32>
      %parallel_loop3A_1751 = arith.addf %parallel_loop3A_1744, %parallel_loop3A_1750 : vector<16xf32>
      %parallel_loop3A_1752 = arith.constant 18 : i32
      %parallel_loop3A_1753 = arith.index_cast %parallel_loop3A_9 : i32 to index
      %parallel_loop3A_1754 = arith.index_cast %parallel_loop3A_1752 : i32 to index
      %parallel_loop3A_1755 = arith.constant 112 : index
      %parallel_loop3A_1756 = tpu.vector_load %arg4[%parallel_loop3A_1753, %parallel_loop3A_1754, %parallel_loop3A_1755] {strides = array<i32>} : memref<8x32x128xf32, #tpu.memory_space<vmem>>, vector<1x1x16xf32>,
      %parallel_loop3A_1757 = vector.shape_cast %parallel_loop3A_1756 : vector<1x1x16xf32> to vector<16xf32>
      %parallel_loop3A_1758 = arith.addf %parallel_loop3A_1751, %parallel_loop3A_1757 : vector<16xf32>
      %parallel_loop3A_1759 = arith.constant 19 : i32
      %parallel_loop3A_1760 = arith.index_cast %parallel_loop3A_9 : i32 to index
      %parallel_loop3A_1761 = arith.index_cast %parallel_loop3A_1759 : i32 to index
      %parallel_loop3A_1762 = arith.constant 112 : index
      %parallel_loop3A_1763 = tpu.vector_load %arg4[%parallel_loop3A_1760, %parallel_loop3A_1761, %parallel_loop3A_1762] {strides = array<i32>} : memref<8x32x128xf32, #tpu.memory_space<vmem>>, vector<1x1x16xf32>,
      %parallel_loop3A_1764 = vector.shape_cast %parallel_loop3A_1763 : vector<1x1x16xf32> to vector<16xf32>
      %parallel_loop3A_1765 = arith.addf %parallel_loop3A_1758, %parallel_loop3A_1764 : vector<16xf32>
      %parallel_loop3A_1766 = arith.constant 20 : i32
      %parallel_loop3A_1767 = arith.index_cast %parallel_loop3A_9 : i32 to index
      %parallel_loop3A_1768 = arith.index_cast %parallel_loop3A_1766 : i32 to index
      %parallel_loop3A_1769 = arith.constant 112 : index
      %parallel_loop3A_1770 = tpu.vector_load %arg4[%parallel_loop3A_1767, %parallel_loop3A_1768, %parallel_loop3A_1769] {strides = array<i32>} : memref<8x32x128xf32, #tpu.memory_space<vmem>>, vector<1x1x16xf32>,
      %parallel_loop3A_1771 = vector.shape_cast %parallel_loop3A_1770 : vector<1x1x16xf32> to vector<16xf32>
      %parallel_loop3A_1772 = arith.addf %parallel_loop3A_1765, %parallel_loop3A_1771 : vector<16xf32>
      %parallel_loop3A_1773 = arith.constant 21 : i32
      %parallel_loop3A_1774 = arith.index_cast %parallel_loop3A_9 : i32 to index
      %parallel_loop3A_1775 = arith.index_cast %parallel_loop3A_1773 : i32 to index
      %parallel_loop3A_1776 = arith.constant 112 : index
      %parallel_loop3A_1777 = tpu.vector_load %arg4[%parallel_loop3A_1774, %parallel_loop3A_1775, %parallel_loop3A_1776] {strides = array<i32>} : memref<8x32x128xf32, #tpu.memory_space<vmem>>, vector<1x1x16xf32>,
      %parallel_loop3A_1778 = vector.shape_cast %parallel_loop3A_1777 : vector<1x1x16xf32> to vector<16xf32>
      %parallel_loop3A_1779 = arith.addf %parallel_loop3A_1772, %parallel_loop3A_1778 : vector<16xf32>
      %parallel_loop3A_1780 = arith.constant 22 : i32
      %parallel_loop3A_1781 = arith.index_cast %parallel_loop3A_9 : i32 to index
      %parallel_loop3A_1782 = arith.index_cast %parallel_loop3A_1780 : i32 to index
      %parallel_loop3A_1783 = arith.constant 112 : index
      %parallel_loop3A_1784 = tpu.vector_load %arg4[%parallel_loop3A_1781, %parallel_loop3A_1782, %parallel_loop3A_1783] {strides = array<i32>} : memref<8x32x128xf32, #tpu.memory_space<vmem>>, vector<1x1x16xf32>,
      %parallel_loop3A_1785 = vector.shape_cast %parallel_loop3A_1784 : vector<1x1x16xf32> to vector<16xf32>
      %parallel_loop3A_1786 = arith.addf %parallel_loop3A_1779, %parallel_loop3A_1785 : vector<16xf32>
      %parallel_loop3A_1787 = arith.constant 23 : i32
      %parallel_loop3A_1788 = arith.index_cast %parallel_loop3A_9 : i32 to index
      %parallel_loop3A_1789 = arith.index_cast %parallel_loop3A_1787 : i32 to index
      %parallel_loop3A_1790 = arith.constant 112 : index
      %parallel_loop3A_1791 = tpu.vector_load %arg4[%parallel_loop3A_1788, %parallel_loop3A_1789, %parallel_loop3A_1790] {strides = array<i32>} : memref<8x32x128xf32, #tpu.memory_space<vmem>>, vector<1x1x16xf32>,
      %parallel_loop3A_1792 = vector.shape_cast %parallel_loop3A_1791 : vector<1x1x16xf32> to vector<16xf32>
      %parallel_loop3A_1793 = arith.addf %parallel_loop3A_1786, %parallel_loop3A_1792 : vector<16xf32>
      %parallel_loop3A_1794 = arith.constant 24 : i32
      %parallel_loop3A_1795 = arith.index_cast %parallel_loop3A_9 : i32 to index
      %parallel_loop3A_1796 = arith.index_cast %parallel_loop3A_1794 : i32 to index
      %parallel_loop3A_1797 = arith.constant 112 : index
      %parallel_loop3A_1798 = tpu.vector_load %arg4[%parallel_loop3A_1795, %parallel_loop3A_1796, %parallel_loop3A_1797] {strides = array<i32>} : memref<8x32x128xf32, #tpu.memory_space<vmem>>, vector<1x1x16xf32>,
      %parallel_loop3A_1799 = vector.shape_cast %parallel_loop3A_1798 : vector<1x1x16xf32> to vector<16xf32>
      %parallel_loop3A_1800 = arith.addf %parallel_loop3A_1793, %parallel_loop3A_1799 : vector<16xf32>
      %parallel_loop3A_1801 = arith.constant 25 : i32
      %parallel_loop3A_1802 = arith.index_cast %parallel_loop3A_9 : i32 to index
      %parallel_loop3A_1803 = arith.index_cast %parallel_loop3A_1801 : i32 to index
      %parallel_loop3A_1804 = arith.constant 112 : index
      %parallel_loop3A_1805 = tpu.vector_load %arg4[%parallel_loop3A_1802, %parallel_loop3A_1803, %parallel_loop3A_1804] {strides = array<i32>} : memref<8x32x128xf32, #tpu.memory_space<vmem>>, vector<1x1x16xf32>,
      %parallel_loop3A_1806 = vector.shape_cast %parallel_loop3A_1805 : vector<1x1x16xf32> to vector<16xf32>
      %parallel_loop3A_1807 = arith.addf %parallel_loop3A_1800, %parallel_loop3A_1806 : vector<16xf32>
      %parallel_loop3A_1808 = arith.constant 26 : i32
      %parallel_loop3A_1809 = arith.index_cast %parallel_loop3A_9 : i32 to index
      %parallel_loop3A_1810 = arith.index_cast %parallel_loop3A_1808 : i32 to index
      %parallel_loop3A_1811 = arith.constant 112 : index
      %parallel_loop3A_1812 = tpu.vector_load %arg4[%parallel_loop3A_1809, %parallel_loop3A_1810, %parallel_loop3A_1811] {strides = array<i32>} : memref<8x32x128xf32, #tpu.memory_space<vmem>>, vector<1x1x16xf32>,
      %parallel_loop3A_1813 = vector.shape_cast %parallel_loop3A_1812 : vector<1x1x16xf32> to vector<16xf32>
      %parallel_loop3A_1814 = arith.addf %parallel_loop3A_1807, %parallel_loop3A_1813 : vector<16xf32>
      %parallel_loop3A_1815 = arith.constant 27 : i32
      %parallel_loop3A_1816 = arith.index_cast %parallel_loop3A_9 : i32 to index
      %parallel_loop3A_1817 = arith.index_cast %parallel_loop3A_1815 : i32 to index
      %parallel_loop3A_1818 = arith.constant 112 : index
      %parallel_loop3A_1819 = tpu.vector_load %arg4[%parallel_loop3A_1816, %parallel_loop3A_1817, %parallel_loop3A_1818] {strides = array<i32>} : memref<8x32x128xf32, #tpu.memory_space<vmem>>, vector<1x1x16xf32>,
      %parallel_loop3A_1820 = vector.shape_cast %parallel_loop3A_1819 : vector<1x1x16xf32> to vector<16xf32>
      %parallel_loop3A_1821 = arith.addf %parallel_loop3A_1814, %parallel_loop3A_1820 : vector<16xf32>
      %parallel_loop3A_1822 = arith.constant 28 : i32
      %parallel_loop3A_1823 = arith.index_cast %parallel_loop3A_9 : i32 to index
      %parallel_loop3A_1824 = arith.index_cast %parallel_loop3A_1822 : i32 to index
      %parallel_loop3A_1825 = arith.constant 112 : index
      %parallel_loop3A_1826 = tpu.vector_load %arg4[%parallel_loop3A_1823, %parallel_loop3A_1824, %parallel_loop3A_1825] {strides = array<i32>} : memref<8x32x128xf32, #tpu.memory_space<vmem>>, vector<1x1x16xf32>,
      %parallel_loop3A_1827 = vector.shape_cast %parallel_loop3A_1826 : vector<1x1x16xf32> to vector<16xf32>
      %parallel_loop3A_1828 = arith.addf %parallel_loop3A_1821, %parallel_loop3A_1827 : vector<16xf32>
      %parallel_loop3A_1829 = arith.constant 29 : i32
      %parallel_loop3A_1830 = arith.index_cast %parallel_loop3A_9 : i32 to index
      %parallel_loop3A_1831 = arith.index_cast %parallel_loop3A_1829 : i32 to index
      %parallel_loop3A_1832 = arith.constant 112 : index
      %parallel_loop3A_1833 = tpu.vector_load %arg4[%parallel_loop3A_1830, %parallel_loop3A_1831, %parallel_loop3A_1832] {strides = array<i32>} : memref<8x32x128xf32, #tpu.memory_space<vmem>>, vector<1x1x16xf32>,
      %parallel_loop3A_1834 = vector.shape_cast %parallel_loop3A_1833 : vector<1x1x16xf32> to vector<16xf32>
      %parallel_loop3A_1835 = arith.addf %parallel_loop3A_1828, %parallel_loop3A_1834 : vector<16xf32>
      %parallel_loop3A_1836 = arith.constant 30 : i32
      %parallel_loop3A_1837 = arith.index_cast %parallel_loop3A_9 : i32 to index
      %parallel_loop3A_1838 = arith.index_cast %parallel_loop3A_1836 : i32 to index
      %parallel_loop3A_1839 = arith.constant 112 : index
      %parallel_loop3A_1840 = tpu.vector_load %arg4[%parallel_loop3A_1837, %parallel_loop3A_1838, %parallel_loop3A_1839] {strides = array<i32>} : memref<8x32x128xf32, #tpu.memory_space<vmem>>, vector<1x1x16xf32>,
      %parallel_loop3A_1841 = vector.shape_cast %parallel_loop3A_1840 : vector<1x1x16xf32> to vector<16xf32>
      %parallel_loop3A_1842 = arith.addf %parallel_loop3A_1835, %parallel_loop3A_1841 : vector<16xf32>
      %parallel_loop3A_1843 = arith.constant 31 : i32
      %parallel_loop3A_1844 = arith.index_cast %parallel_loop3A_9 : i32 to index
      %parallel_loop3A_1845 = arith.index_cast %parallel_loop3A_1843 : i32 to index
      %parallel_loop3A_1846 = arith.constant 112 : index
      %parallel_loop3A_1847 = tpu.vector_load %arg4[%parallel_loop3A_1844, %parallel_loop3A_1845, %parallel_loop3A_1846] {strides = array<i32>} : memref<8x32x128xf32, #tpu.memory_space<vmem>>, vector<1x1x16xf32>,
      %parallel_loop3A_1848 = vector.shape_cast %parallel_loop3A_1847 : vector<1x1x16xf32> to vector<16xf32>
      %parallel_loop3A_1849 = arith.addf %parallel_loop3A_1842, %parallel_loop3A_1848 : vector<16xf32>
      %parallel_loop3A_1850 = arith.constant 3.125000e-02 : f32
      %parallel_loop3A_1851 = vector.broadcast %parallel_loop3A_1850 : f32 to vector<16xf32>
      %parallel_loop3A_1852 = arith.mulf %parallel_loop3A_1849, %parallel_loop3A_1851 : vector<16xf32>
      %parallel_loop3A_1853 = arith.index_cast %parallel_loop3A_9 : i32 to index
      %parallel_loop3A_1854 = arith.constant 112 : index
      %parallel_loop3A_1855 = tpu.vector_load %arg5[%parallel_loop3A_1853, %parallel_loop3A_1854] {strides = array<i32>} : memref<8x128xf32, #tpu.memory_space<vmem>>, vector<1x16xf32>,
      %parallel_loop3A_1856 = vector.shape_cast %parallel_loop3A_1855 : vector<1x16xf32> to vector<16xf32>
      %parallel_loop3A_1857 = vector.shape_cast %parallel_loop3A_1852 : vector<16xf32> to vector<1x16xf32>
      tpu.vector_store %arg5[%parallel_loop3A_1853, %parallel_loop3A_1854], %parallel_loop3A_1857 {strides = array<i32>} : memref<8x128xf32, #tpu.memory_space<vmem>>, vector<1x16xf32>,
    } {sc.loop_unroll_factor = 1 : i64, sc.parallel_access}
    "tpu.region"() ({
      %run_scoped3A = tpu.sem_alloc : memref<!tpu.dma_semaphore, #tpu.memory_space<semaphore_mem>>
      %dma_start3A = arith.constant 0 : i32
      %dma_start3A_9 = tpu.memref_slice %arg3[%mul3A_6, %dma_start3A] : memref<256x128xf32, #tpu.memory_space<hbm>> -> memref<8x128xf32, #tpu.memory_space<hbm>>
      %dma_start3A_10 = arith.constant 0 : i32
      %dma_start3A_11 = tpu.memref_slice %arg3[%mul3A_6, %dma_start3A_10] : memref<256x128xf32, #tpu.memory_space<hbm>> -> memref<8x128xf32, #tpu.memory_space<hbm>>
      tpu.enqueue_dma source(%arg5 : memref<8x128xf32, #tpu.memory_space<vmem>>) target(%dma_start3A_11 : memref<8x128xf32, #tpu.memory_space<hbm>>) target_semaphore(%run_scoped3A : memref<!tpu.dma_semaphore, #tpu.memory_space<semaphore_mem>>)
      %dma_wait3A = arith.constant 0 : i32
      %dma_wait3A_12 = tpu.memref_slice %arg3[%mul3A_6, %dma_wait3A] : memref<256x128xf32, #tpu.memory_space<hbm>> -> memref<8x128xf32, #tpu.memory_space<hbm>>
      %dma_wait3A_13 = arith.constant 0 : i32
      %dma_wait3A_14 = tpu.memref_slice %arg3[%mul3A_6, %dma_wait3A_13] : memref<256x128xf32, #tpu.memory_space<hbm>> -> memref<8x128xf32, #tpu.memory_space<hbm>>
      tpu.wait_dma2 semaphore(%run_scoped3A : memref<!tpu.dma_semaphore, #tpu.memory_space<semaphore_mem>>) src(%arg5 : memref<8x128xf32, #tpu.memory_space<vmem>>) dst(%dma_wait3A_14 : memref<8x128xf32, #tpu.memory_space<hbm>>)
      tpu.yield
    }) : () -> ()
    return
  }
}

module attributes {stable_mosaic.version = 14 : i64} {
  func.func @_tc_body(%arg0: i32, %arg1: memref<464x32x128xf32, #tpu.memory_space<vmem>>, %arg2: memref<464x128xf32, #tpu.memory_space<vmem>>) attributes {dimension_semantics = [#tpu.dimension_semantics<arbitrary>], iteration_bounds = array<i64: 21>, scalar_prefetch = 0 : i64, scratch_operands = 0 : i64, tpu.core_type = #tpu.core_type<tc>, window_params = [{transform_indices = @transform_0, window_bounds = array<i64: 464, 32, 128>}, {transform_indices = @transform_1, window_bounds = array<i64: 464, 128>}]} {
    %get3A = arith.constant 0 : index
    %get3A_0 = arith.constant 0 : index
    %get3A_1 = arith.constant 0 : index
    %get3A_2 = vector.load %arg1[%get3A, %get3A_0, %get3A_1] : memref<464x32x128xf32, #tpu.memory_space<vmem>>, vector<464x32x128xf32>
    %reduce_sum3A = arith.constant dense<0.000000e+00> : vector<464x128xf32>
    %reduce_sum3A_3 = vector.multi_reduction <add>, %get3A_2, %reduce_sum3A [1] : vector<464x32x128xf32> to vector<464x128xf32>
    %mul3A = arith.constant 3.125000e-02 : f32
    %mul3A_4 = vector.broadcast %mul3A : f32 to vector<464x128xf32>
    %mul3A_5 = arith.mulf %reduce_sum3A_3, %mul3A_4 : vector<464x128xf32>
    %swap3A = arith.constant 0 : index
    %swap3A_6 = arith.constant 0 : index
    %swap3A_7 = vector.load %arg2[%swap3A, %swap3A_6] : memref<464x128xf32, #tpu.memory_space<vmem>>, vector<464x128xf32>
    tpu.vector_store %arg2[%swap3A, %swap3A_6], %mul3A_5 {strides = array<i32>} : memref<464x128xf32, #tpu.memory_space<vmem>>, vector<464x128xf32>,
    return
  }
  func.func @transform_0(%arg0: i32) -> (i32, i32, i32) {
    %c0_i32 = arith.constant 0 : i32
    %c0_i32_0 = arith.constant 0 : i32
    %c0_i32_1 = arith.constant 0 : i32
    return %arg0, %c0_i32, %c0_i32_0 : i32, i32, i32
  }
  func.func @transform_1(%arg0: i32) -> (i32, i32) {
    %c0_i32 = arith.constant 0 : i32
    %c0_i32_0 = arith.constant 0 : i32
    return %arg0, %c0_i32 : i32, i32
  }
}

</mosaic_0001>

<sc_bundles>
// kernel: kernel.4.cloned.1.call-start
scs
__scs_entry_jumppad:
0x0: {  	(pc) =	sbr.rel $0x88, $3  }
0x1: {  	(tag) =	ssettag $0x0;
	lr =	simm.s32 $0x1  }
0x2: {  	[smem:$0x3FA0] =	sst lr;
	_ =	strace $0xD0000000  }
0x3: {  	_ = 	snop  }
0x4: {  	_ = 	snop  }
0x5: {  	_ = 	snop  }
0x6: {  	_ = 	snop  }
0x7: {  	_ = 	snop  }
__scs_overlays_trampoline_lowered:
0x8: {  	[smem:$0x3FAF] =	sst s0  }
0x9: {  	[smem:$0x3FB0] =	sst s1  }
0xa: {  	[smem:$0x3FB1] =	sst s2  }
0xb: {  	[smem:$0x3FB2] =	sst s3  }
0xc: {  	[smem:$0x3FB3] =	sst s4  }
0xd: {  	[smem:$0x3FB4] =	sst s5  }
0xe: {  	[smem:$0x3FB5] =	sst s6  }
0xf: {  	[smem:$0x3FB6] =	sst s7  }
0x10: {  	[smem:$0x3FB7] =	sst s8  }
0x11: {  	[smem:$0x3FB8] =	sst s9;
	s0 =	simm.s32 @!p0 $0x0  }
0x12: {  	s1 =	sld [smem:$0x3F9E];
	s0 =	simm.s32 @p0 $0x1  }
0x13: {  	[smem:$0x3FB9] =	sst s0;
	s0 =	simm.s32 @!p1 $0x0  }
0x14: {  	s2 =	sld [smem:$0x3F9D];
	s0 =	simm.s32 @p1 $0x1  }
0x15: {  	[smem:$0x3FBA] =	sst s0;
	s0 =	simm.s32 @!p2 $0x0  }
0x16: {  	s3 =	sld [smem:$0x3FDB];
	s0 =	simm.s32 @p2 $0x1  }
0x17: {  	s4 =	simm.s32 $0x1BF5;
	[smem:$0x3FBC] =	sst s0  }
0x18: {  	s0 =	sld [smem:$0x3F9F];
	_ =	swait.ge [sflag:s4], $0x0  }
0x19: {  	s7 =	sld [smem:$0x3FA0]  }
0x1a: {  	s8 =	sadd.s32 $0xFFFFE003, lr  }
0x1b: {  	s9 =	sadd.s32 $0xFFFFFEF7, lr;
	s5 =	simm.s32 $0xFFFFFFFF;
	p2 =	slt.u32 s8, $0xFFFFF086  }
0x1c: {  	p1 =	slt.u32 s9, $0xF7A;
	s5 =	simm.s32 @!p2 $0x0  }
0x1d: {  	s5 =	simm.s32 @p1 $0x1;
	p0 =	seq.s32 s7, s2  }
0x1e: {  	s7 =	smul.u32 @!p0 $0xF7A, s2;
	p2 =	seq.s32 @!p0 s5, $0x0  }
0x1f: {  	s9 =	smul.u32 $0xF7A, s1;
	s8 =	simm.s32 @!p0 $0x1BF5;
	p2 =	por !p2, p0  }
0x20: {  	[sflag:s8] =	ssyncset.s32 @!p0 $0xFFFFF086;
	s6 =	sadd.s32 @!p0 s3, s7;
	s7 =	simm.s32 @!p0 $0x108  }
0x21: {  	s3 =	sadd.s32 s3, s9;
	s6 =	sadd.s32 @!p0 $0x88, s6;
	s7 =	simm.s32 @p2 $0x1082  }
0x22: {  	[simem:s7], [sflag:s8] =	dma.local @!p0 [hbm:s6], $0xF7A  }
0x23: {  	s9 =	sor.u32 $0xD0000000, s2;
	s6 =	simm.s32 $0x108;
	_ =	swait.ge @!p0 [sflag:s8], $0x0  }
0x24: {  	s3 =	sadd.s32 $0x88, s3;
	s6 =	simm.s32 @!p1 $0x1082;
	[sflag:s4] =	ssyncset.s32 $0xFFFFF086  }
0x25: {  	[simem:s6], [sflag:s4] =	dma.local [hbm:s3], $0xF7A  }
0x26: {  	[smem:$0x3FA0] =	sst s1;
	(tag) =	ssettag s2;
	_ =	strace s9  }
0x27: {  	s1 =	sld [smem:$0x3FB0]  }
0x28: {  	s2 =	sld [smem:$0x3FB1]  }
0x29: {  	s4 =	sld [smem:$0x3FB3]  }
0x2a: {  	p0 =	seq.s32 s5, $0x0;
	s5 =	sld [smem:$0x3FB4]  }
0x2b: {  	s6 =	sld [smem:$0x3FB5]  }
0x2c: {  	s7 =	sld [smem:$0x3FB6]  }
0x2d: {  	s3 =	simm.s32 $0x108;
	s8 =	sld [smem:$0x3FB7]  }
0x2e: {  	s3 =	simm.s32 @!p0 $0x1082;
	s9 =	sld [smem:$0x3FB8]  }
0x2f: {  	lr =	sadd.s32 s0, s3;
	s0 =	sld [smem:$0x3FAF]  }
0x30: {  	s3 =	sld [smem:$0x3FB2]  }
0x31: {  	[smem:$0x3FBB] =	sst s10  }
0x32: {  	s10 =	sld [smem:$0x3FB9];
	_ =	sdelay $0x3  }
0x33: {  	p0 =	seq.s32 s10, $0x1;
	s10 =	sld [smem:$0x3FBB];
	_ =	sdelay $0x3  }
0x34: {  	[smem:$0x3FBB] =	sst s10  }
0x35: {  	s10 =	sld [smem:$0x3FBA];
	_ =	sdelay $0x3  }
0x36: {  	p1 =	seq.s32 s10, $0x1;
	s10 =	sld [smem:$0x3FBB];
	_ =	sdelay $0x3  }
0x37: {  	[smem:$0x3FBB] =	sst s10  }
0x38: {  	s10 =	sld [smem:$0x3FBC]  }
0x39: {  	_ = 	snop;
	(pc) =	sbr.ind lr, $3  }
0x3a: {  	_ = 	snop  }
0x3b: {  	_ = 	snop  }
0x3c: {  	p2 =	seq.s32 s10, $0x1;
	s10 =	sld [smem:$0x3FBB]  }
0x3d: {  	_ =	shalt  }
0x3e: {  	_ =	shalt  }
0x3f: {  	_ =	shalt  }
0x40: {  	_ =	shalt  }
0x41: {  	_ =	shalt  }
0x42: {  	_ =	shalt  }
0x43: {  	_ =	shalt  }
0x44: {  	_ =	shalt  }
0x45: {  	_ =	shalt  }
0x46: {  	_ =	shalt  }
0x47: {  	_ =	shalt  }
0x48: {  	_ =	shalt  }
0x49: {  	_ =	shalt  }
0x4a: {  	_ =	shalt  }
0x4b: {  	_ =	shalt  }
0x4c: {  	_ =	shalt  }
0x4d: {  	_ =	shalt  }
0x4e: {  	_ =	shalt  }
0x4f: {  	_ =	shalt  }
0x50: {  	_ =	shalt  }
0x51: {  	_ =	shalt  }
0x52: {  	_ =	shalt  }
0x53: {  	_ =	shalt  }
0x54: {  	_ =	shalt  }
0x55: {  	_ =	shalt  }
0x56: {  	_ =	shalt  }
0x57: {  	_ =	shalt  }
0x58: {  	_ =	shalt  }
0x59: {  	_ =	shalt  }
0x5a: {  	_ =	shalt  }
0x5b: {  	_ =	shalt  }
0x5c: {  	_ =	shalt  }
0x5d: {  	_ =	shalt  }
0x5e: {  	_ =	shalt  }
0x5f: {  	_ =	shalt  }
0x60: {  	_ =	shalt  }
0x61: {  	_ =	shalt  }
0x62: {  	_ =	shalt  }
0x63: {  	_ =	shalt  }
0x64: {  	_ =	shalt  }
0x65: {  	_ =	shalt  }
0x66: {  	_ =	shalt  }
0x67: {  	_ =	shalt  }
0x68: {  	_ =	shalt  }
0x69: {  	_ =	shalt  }
0x6a: {  	_ =	shalt  }
0x6b: {  	_ =	shalt  }
0x6c: {  	_ =	shalt  }
0x6d: {  	_ =	shalt  }
0x6e: {  	_ =	shalt  }
0x6f: {  	_ =	shalt  }
0x70: {  	_ =	shalt  }
0x71: {  	_ =	shalt  }
0x72: {  	_ =	shalt  }
0x73: {  	_ =	shalt  }
0x74: {  	_ =	shalt  }
0x75: {  	_ =	shalt  }
0x76: {  	_ =	shalt  }
0x77: {  	_ =	shalt  }
0x78: {  	_ =	shalt  }
0x79: {  	_ =	shalt  }
0x7a: {  	_ =	shalt  }
0x7b: {  	_ =	shalt  }
0x7c: {  	_ =	shalt  }
0x7d: {  	_ =	shalt  }
0x7e: {  	_ =	shalt  }
0x7f: {  	_ =	shalt  }
0x80: {  	_ =	shalt  }
0x81: {  	_ =	shalt  }
0x82: {  	_ =	shalt  }
0x83: {  	_ =	shalt  }
0x84: {  	_ =	shalt  }
0x85: {  	_ =	shalt  }
0x86: {  	_ =	shalt  }
0x87: {  	_ =	shalt  }
.Lfunc_end0:
.L_simem_size_0:
called_computation_lowered:
.L_overlay_start_0:
0x88: {  	s2 =	sld [smem:$0x3FD9]  }
0x89: {  	s3 =	sld [smem:$0x3FFE];
	_ =	sdelay $0x1  }
0x8a: {  	s1 =	srdreg.scid  }
0x8b: {  	s0 =	sand.u32 $0x1, s1  }
0x8c: {  	s17 =	sshll.u32 s0, $0xA;
	s2 =	sadd.s32 s3, s2  }
0x8d: {  	s2 =	sadd.s32 s2, s17  }
0x8e: {  	[smem:$0x3FC7] =	sst s2  }
0x8f: {  	_ = 	snop  }
0x90: {  	s2 =	sld [smem:$0x3FC9];
	(tm) =	ssettm $0x1  }
0x91: {  	s18 =	sld [smem:$0x3FFB];
	_ =	sdelay $0x3  }
0x92: {  	_ =	strace s18  }
0x93: {  	s3 =	sld [smem:$0x3FFC];
	_ =	sdelay $0x3  }
0x94: {  	_ =	strace s3  }
0x95: {  	s3 =	sld [smem:$0x3FFD];
	_ =	sdelay $0x3  }
0x96: {  	_ =	strace s3  }
0x97: {  	_ =	strace $0x8FFFFFFF  }
0x98: {  	s19 =	sld [smem:$0x3FDB];
	_ =	sdelay $0x1  }
0x99: {  	s4 =	simm.s32 $_scs_section_size  }
0x9a: {  	s5 =	simm.s32 $_size__tile_overlayer_lowered;
	s6 =	simm.s32 $_tile_overlayer_lowered  }
0x9b: {  	s22 =	simm.s32 $0x1BFF;
	s21 =	sshll.u32 s6, $0x1;
	s3 =	sadd.s32 s4, s19  }
0x9c: {  	s7 =	simm.s32 $0x0;
	s20 =	sshll.u32 s5, $0x1;
	s5 =	sadd.s32 s21, s3  }
0x9d: {  	[timem:s7], [sflag:s22] =	dma.local [hbm:s5], s20  }
0x9e: {  	_ =	swait.ge [sflag:s22], s20  }
0x9f: {  	s4 =	ssub.s32 $0x0, s20;
	[sflag:s22] =	ssyncset.done $0x0  }
0xa0: {  	[sflag:s22] =	ssyncadd.s32 s4;
	_ =	sdelay $0x1  }
0xa1: {  	s23 =	simm.s32 $0x1B8B  }
0xa2: {  	_ =	swait.ge [sflag:s23], $0x1  }
0xa3: {  	[sflag:s23] =	ssyncset.done $0x0  }
0xa4: {  	s25 =	simm.s32 $0x1B8E;
	s24 =	sld [smem:$0x3FFE];
	[sflag:s23] =	ssyncadd.s32 $0xFFFFFFFF  }
0xa5: {  	s26 =	simm.s32 $execute0_lowered;
	[smem:$0x3FD2] =	sst s25  }
0xa6: {  	s5 =	sshll.u32 s26, $0x1;
	_ =	strace $0x80000046;
	[dreg:$0x1] =	wrdreg $0xFFFFFFFF  }
0xa7: {  	s28 =	simm.s32 $_size_execute0_lowered;
	s3 =	sadd.s32 s3, s5;
	[dreg:$0x0] =	wrdreg $0x0  }
0xa8: {  	s5 =	sshll.u32 s28, $0x1;
	[dreg:$0x2] =	wrdreg s3  }
0xa9: {  	[dreg:$0x3] =	wrdreg s5  }
0xaa: {  	[dreg:$0x4] =	wrdreg $0xC0  }
0xab: {  	_ =	task [dreg:s7], $0x5FFFF  }
0xac: {  	[dreg:$0x1] =	wrdreg $0xFFFFFFFF  }
0xad: {  	[dreg:$0x0] =	wrdreg $0x60  }
0xae: {  	[dreg:$0x2] =	wrdreg s2  }
0xaf: {  	[dreg:$0x3] =	wrdreg s24  }
0xb0: {  	[dreg:$0x4] =	wrdreg $0x9  }
0xb1: {  	_ =	task.clear_ibuf [dreg:s7], $0x5FFFF;
	_ =	strace $0x90000046  }
0xb2: {  	s29 =	simm.s32 $0x9;
	_ =	strace $0x80000048  }
0xb3: {  	_ =	swait.ge [sflag:s29], $0x1  }
0xb4: {  	[sflag:s29] =	ssyncadd.s32 $0xFFFFFFFF  }
0xb5: {  	_ =	strace $0x90000048  }
0xb6: {  	_ =	sfence  }
0xb7: {  	s30 =	sld [smem:$0x0];
	_ =	sdelay $0x2  }
0xb8: {  	s31 =	sshll.u32 s1, $0xD;
	s1 =	sshrl.u32 s1, $0x2  }
0xb9: {  	s3 =	sand.u32 $0x4000, s31;
	s1 =	sadd.s32 s1, s30  }
0xba: {  	s0 =	sor.u32 s3, s0;
	s1 =	sshll.u32 s1, $0x11  }
0xbb: {  	s0 =	sor.u32 s1, s0  }
0xbc: {  	s0 =	sadd.s32 $0x8F2B, s0  }
0xbd: {  	[sflag:s0] =	ssyncadd.remote.s32 $0x1  }
0xbe: {  	_ =	sfence.sel $0xFFFF  }
0xbf: {  	[dreg:$0x0] =	wrdreg $0xFFFFFFFF;
	(pc) =	sbr.abs _section_cstart, $3  }
0xc0: {  	[dreg:$0x1] =	wrdreg $0xFFFFFFFF  }
0xc1: {  	_ =	task.clear_ibuf [dreg:s7], $0x2FFFF;
	_ =	strace $0x9FFFFFFF  }
0xc2: {  	(tm) =	ssettm $0x7FFFFFFF  }
0xc3: {  	_ =	shalt  }
tec
execute0_lowered:
.L_overlay_start_1:
0x0: {  	(tag) =	ssettag $0x1  }
0x1: {  	s3 =	rddreg [dreg:$0x0]  }
0x2: {  	s4 =	rddreg [dreg:$0x1]  }
0x3: {  	s0 =	rddreg [dreg:$0x2];
	s5 =	srdreg.scid  }
0x4: {  	s2 =	simm.s32 $0x0;
	s1 =	stileid.u32;
	s5 =	sand.u32 $0x1, s5  }
0x5: {  	[smem:$0x7FF] =	sst s2;
	s6 =	sshll.u32 s1, $0x4;
	s7 =	sshll.u32 s5, $0x3  }
0x6: {  	_ =	strace $0x80000047;
	s5 =	ssub.s32 $0x2, s5;
	s6 =	sor.u32 s7, s6  }
0x7: {  	s8 =	sshrl.u32 s5, $0x1;
	s7 =	sshll.u32 s6, $0x4;
	s6 =	sshll.u32 s6, $0x9  }
0x8: {  	s5 =	ssub.s32 s5, s8;
	s8 =	simm.s32 $0x0;
	s4 =	sadd.s32 s7, s4  }
0x9: {  	s3 =	sadd.s32 s6, s3;
	s5 =	smax.u32 s5, $0x1;
	s6 =	simm.s32 $0x1  }
0xa: {  	s7 =	simm.s32 $0x8000;
	s3 =	sadd.s32 $0x4C2000, s3;
	s4 =	sadd.s32 $0x400, s4  }
.LBB2_1:
0xb: {  	[tilespmem:s2], [sflag:$0x1] =	stream.linear.gather [hbm4b:s3+s2], $0x8000, $0x38;
	[tilespmem:$0x8400] =	vst v63  }
0xc: {  	_ =	swait.ge [sflag:s6], $0x8000  }
0xd: {  	s9 =	simm.s32 $0x0;
	[sflag:s6] =	ssyncset.done $0x0  }
0xe: {  	s10 =	sand.u32 $0x3FFFF000, s9;
	[sflag:s6] =	ssyncadd.s32 $0xFFFF8000  }
0xf: {  	v0 =	vld [tilespmem:s10+$0x0]  }
0x10: {  	v1 =	vld [tilespmem:s10+$0x80];
	_ =	sdelay $0x1  }
0x11: {  	v2 =	vld [tilespmem:s10+$0x100];
	_ =	sdelay $0x1  }
0x12: {  	v3 =	vld [tilespmem:s10+$0x180]  }
0x13: {  	v0 =	vadd.f32 v1, v0  }
0x14: {  	v1 =	vld [tilespmem:s10+$0x200]  }
0x15: {  	v0 =	vadd.f32 v2, v0  }
0x16: {  	v2 =	vld [tilespmem:s10+$0x280]  }
0x17: {  	v0 =	vadd.f32 v3, v0  }
0x18: {  	v3 =	vld [tilespmem:s10+$0x300]  }
0x19: {  	v0 =	vadd.f32 v1, v0  }
0x1a: {  	v1 =	vld [tilespmem:s10+$0x380]  }
0x1b: {  	v0 =	vadd.f32 v2, v0  }
0x1c: {  	v2 =	vld [tilespmem:s10+$0x400]  }
0x1d: {  	v0 =	vadd.f32 v3, v0  }
0x1e: {  	v3 =	vld [tilespmem:s10+$0x480]  }
0x1f: {  	v0 =	vadd.f32 v1, v0  }
0x20: {  	v1 =	vld [tilespmem:s10+$0x500]  }
0x21: {  	v0 =	vadd.f32 v2, v0  }
0x22: {  	v2 =	vld [tilespmem:s10+$0x580]  }
0x23: {  	v0 =	vadd.f32 v3, v0  }
0x24: {  	v3 =	vld [tilespmem:s10+$0x600]  }
0x25: {  	v0 =	vadd.f32 v1, v0  }
0x26: {  	v1 =	vld [tilespmem:s10+$0x680]  }
0x27: {  	v0 =	vadd.f32 v2, v0  }
0x28: {  	v2 =	vld [tilespmem:s10+$0x700]  }
0x29: {  	v0 =	vadd.f32 v3, v0  }
0x2a: {  	v3 =	vld [tilespmem:s10+$0x780]  }
0x2b: {  	v0 =	vadd.f32 v1, v0  }
0x2c: {  	v1 =	vld [tilespmem:s10+$0x800]  }
0x2d: {  	v0 =	vadd.f32 v2, v0  }
0x2e: {  	v2 =	vld [tilespmem:s10+$0x880]  }
0x2f: {  	v0 =	vadd.f32 v3, v0  }
0x30: {  	v3 =	vld [tilespmem:s10+$0x900]  }
0x31: {  	v0 =	vadd.f32 v1, v0  }
0x32: {  	v1 =	vld [tilespmem:s10+$0x980]  }
0x33: {  	v0 =	vadd.f32 v2, v0  }
0x34: {  	v2 =	vld [tilespmem:s10+$0xA00]  }
0x35: {  	v0 =	vadd.f32 v3, v0  }
0x36: {  	v3 =	vld [tilespmem:s10+$0xA80]  }
0x37: {  	v0 =	vadd.f32 v1, v0  }
0x38: {  	v1 =	vld [tilespmem:s10+$0xB00]  }
0x39: {  	v0 =	vadd.f32 v2, v0  }
0x3a: {  	v2 =	vld [tilespmem:s10+$0xB80]  }
0x3b: {  	v0 =	vadd.f32 v3, v0  }
0x3c: {  	v3 =	vld [tilespmem:s10+$0xC00]  }
0x3d: {  	v0 =	vadd.f32 v1, v0  }
0x3e: {  	v1 =	vld [tilespmem:s10+$0xC80]  }
0x3f: {  	v0 =	vadd.f32 v2, v0  }
0x40: {  	v2 =	vld [tilespmem:s10+$0xD00]  }
0x41: {  	v0 =	vadd.f32 v3, v0  }
0x42: {  	v3 =	vld [tilespmem:s10+$0xD80]  }
0x43: {  	v0 =	vadd.f32 v1, v0  }
0x44: {  	v1 =	vld [tilespmem:s10+$0xE00]  }
0x45: {  	v0 =	vadd.f32 v2, v0  }
0x46: {  	v2 =	vld [tilespmem:s10+$0xE80]  }
0x47: {  	v0 =	vadd.f32 v3, v0  }
0x48: {  	v3 =	vld [tilespmem:s10+$0xF00]  }
0x49: {  	v0 =	vadd.f32 v1, v0  }
0x4a: {  	v1 =	vld [tilespmem:s10+$0xF80]  }
0x4b: {  	v0 =	vadd.f32 v2, v0;
	_ =	sdelay $0x1  }
0x4c: {  	v0 =	vadd.f32 v3, v0;
	_ =	sdelay $0x1  }
0x4d: {  	v0 =	vadd.f32 v1, v0;
	_ =	sdelay $0x1  }
0x4e: {  	s30 =	simm.s32 $0x0;
	v0 =	vmul.f32 $3.125000000e-02, v0  }
0x4f: {  	s9 =	sand.u32 $0x3FFFFF80, s30  }
0x50: {  	[tilespmem:s9+$0x8000] =	vst v0  }
0x51: {  	v0 =	vld [tilespmem:s10+$0x10]  }
0x52: {  	v1 =	vld [tilespmem:s10+$0x90];
	_ =	sdelay $0x1  }
0x53: {  	v2 =	vld [tilespmem:s10+$0x110];
	_ =	sdelay $0x1  }
0x54: {  	v3 =	vld [tilespmem:s10+$0x190]  }
0x55: {  	v0 =	vadd.f32 v1, v0  }
0x56: {  	v1 =	vld [tilespmem:s10+$0x210]  }
0x57: {  	v0 =	vadd.f32 v2, v0  }
0x58: {  	v2 =	vld [tilespmem:s10+$0x290]  }
0x59: {  	v0 =	vadd.f32 v3, v0  }
0x5a: {  	v3 =	vld [tilespmem:s10+$0x310]  }
0x5b: {  	v0 =	vadd.f32 v1, v0  }
0x5c: {  	v1 =	vld [tilespmem:s10+$0x390]  }
0x5d: {  	v0 =	vadd.f32 v2, v0  }
0x5e: {  	v2 =	vld [tilespmem:s10+$0x410]  }
0x5f: {  	v0 =	vadd.f32 v3, v0  }
0x60: {  	v3 =	vld [tilespmem:s10+$0x490]  }
0x61: {  	v0 =	vadd.f32 v1, v0  }
0x62: {  	v1 =	vld [tilespmem:s10+$0x510]  }
0x63: {  	v0 =	vadd.f32 v2, v0  }
0x64: {  	v2 =	vld [tilespmem:s10+$0x590]  }
0x65: {  	v0 =	vadd.f32 v3, v0  }
0x66: {  	v3 =	vld [tilespmem:s10+$0x610]  }
0x67: {  	v0 =	vadd.f32 v1, v0  }
0x68: {  	v1 =	vld [tilespmem:s10+$0x690]  }
0x69: {  	v0 =	vadd.f32 v2, v0  }
0x6a: {  	v2 =	vld [tilespmem:s10+$0x710]  }
0x6b: {  	v0 =	vadd.f32 v3, v0  }
0x6c: {  	v3 =	vld [tilespmem:s10+$0x790]  }
0x6d: {  	v0 =	vadd.f32 v1, v0  }
0x6e: {  	v1 =	vld [tilespmem:s10+$0x810]  }
0x6f: {  	v0 =	vadd.f32 v2, v0  }
0x70: {  	v2 =	vld [tilespmem:s10+$0x890]  }
0x71: {  	v0 =	vadd.f32 v3, v0  }
0x72: {  	v3 =	vld [tilespmem:s10+$0x910]  }
0x73: {  	v0 =	vadd.f32 v1, v0  }
0x74: {  	v1 =	vld [tilespmem:s10+$0x990]  }
0x75: {  	v0 =	vadd.f32 v2, v0  }
0x76: {  	v2 =	vld [tilespmem:s10+$0xA10]  }
0x77: {  	v0 =	vadd.f32 v3, v0  }
0x78: {  	v3 =	vld [tilespmem:s10+$0xA90]  }
0x79: {  	v0 =	vadd.f32 v1, v0  }
0x7a: {  	v1 =	vld [tilespmem:s10+$0xB10]  }
0x7b: {  	v0 =	vadd.f32 v2, v0  }
0x7c: {  	v2 =	vld [tilespmem:s10+$0xB90]  }
0x7d: {  	v0 =	vadd.f32 v3, v0  }
0x7e: {  	v3 =	vld [tilespmem:s10+$0xC10]  }
0x7f: {  	v0 =	vadd.f32 v1, v0  }
0x80: {  	v1 =	vld [tilespmem:s10+$0xC90]  }
0x81: {  	v0 =	vadd.f32 v2, v0  }
0x82: {  	v2 =	vld [tilespmem:s10+$0xD10]  }
0x83: {  	v0 =	vadd.f32 v3, v0  }
0x84: {  	v3 =	vld [tilespmem:s10+$0xD90]  }
0x85: {  	v0 =	vadd.f32 v1, v0  }
0x86: {  	v1 =	vld [tilespmem:s10+$0xE10]  }
0x87: {  	v0 =	vadd.f32 v2, v0  }
0x88: {  	v2 =	vld [tilespmem:s10+$0xE90]  }
0x89: {  	v0 =	vadd.f32 v3, v0  }
0x8a: {  	v3 =	vld [tilespmem:s10+$0xF10]  }
0x8b: {  	v0 =	vadd.f32 v1, v0  }
0x8c: {  	v1 =	vld [tilespmem:s10+$0xF90]  }
0x8d: {  	v0 =	vadd.f32 v2, v0;
	_ =	sdelay $0x1  }
0x8e: {  	v0 =	vadd.f32 v3, v0;
	_ =	sdelay $0x1  }
0x8f: {  	v0 =	vadd.f32 v1, v0;
	_ =	sdelay $0x1  }
0x90: {  	v0 =	vmul.f32 $3.125000000e-02, v0;
	_ =	sdelay $0x1  }
0x91: {  	[tilespmem:s9+$0x8010] =	vst v0  }
0x92: {  	v0 =	vld [tilespmem:s10+$0x20]  }
0x93: {  	v1 =	vld [tilespmem:s10+$0xA0];
	_ =	sdelay $0x1  }
0x94: {  	v2 =	vld [tilespmem:s10+$0x120];
	_ =	sdelay $0x1  }
0x95: {  	v3 =	vld [tilespmem:s10+$0x1A0]  }
0x96: {  	v0 =	vadd.f32 v1, v0  }
0x97: {  	v1 =	vld [tilespmem:s10+$0x220]  }
0x98: {  	v0 =	vadd.f32 v2, v0  }
0x99: {  	v2 =	vld [tilespmem:s10+$0x2A0]  }
0x9a: {  	v0 =	vadd.f32 v3, v0  }
0x9b: {  	v3 =	vld [tilespmem:s10+$0x320]  }
0x9c: {  	v0 =	vadd.f32 v1, v0  }
0x9d: {  	v1 =	vld [tilespmem:s10+$0x3A0]  }
0x9e: {  	v0 =	vadd.f32 v2, v0  }
0x9f: {  	v2 =	vld [tilespmem:s10+$0x420]  }
0xa0: {  	v0 =	vadd.f32 v3, v0  }
0xa1: {  	v3 =	vld [tilespmem:s10+$0x4A0]  }
0xa2: {  	v0 =	vadd.f32 v1, v0  }
0xa3: {  	v1 =	vld [tilespmem:s10+$0x520]  }
0xa4: {  	v0 =	vadd.f32 v2, v0  }
0xa5: {  	v2 =	vld [tilespmem:s10+$0x5A0]  }
0xa6: {  	v0 =	vadd.f32 v3, v0  }
0xa7: {  	v3 =	vld [tilespmem:s10+$0x620]  }
0xa8: {  	v0 =	vadd.f32 v1, v0  }
0xa9: {  	v1 =	vld [tilespmem:s10+$0x6A0]  }
0xaa: {  	v0 =	vadd.f32 v2, v0  }
0xab: {  	v2 =	vld [tilespmem:s10+$0x720]  }
0xac: {  	v0 =	vadd.f32 v3, v0  }
0xad: {  	v3 =	vld [tilespmem:s10+$0x7A0]  }
0xae: {  	v0 =	vadd.f32 v1, v0  }
0xaf: {  	v1 =	vld [tilespmem:s10+$0x820]  }
0xb0: {  	v0 =	vadd.f32 v2, v0  }
0xb1: {  	v2 =	vld [tilespmem:s10+$0x8A0]  }
0xb2: {  	v0 =	vadd.f32 v3, v0  }
0xb3: {  	v3 =	vld [tilespmem:s10+$0x920]  }
0xb4: {  	v0 =	vadd.f32 v1, v0  }
0xb5: {  	v1 =	vld [tilespmem:s10+$0x9A0]  }
0xb6: {  	v0 =	vadd.f32 v2, v0  }
0xb7: {  	v2 =	vld [tilespmem:s10+$0xA20]  }
0xb8: {  	v0 =	vadd.f32 v3, v0  }
0xb9: {  	v3 =	vld [tilespmem:s10+$0xAA0]  }
0xba: {  	v0 =	vadd.f32 v1, v0  }
0xbb: {  	v1 =	vld [tilespmem:s10+$0xB20]  }
0xbc: {  	v0 =	vadd.f32 v2, v0  }
0xbd: {  	v2 =	vld [tilespmem:s10+$0xBA0]  }
0xbe: {  	v0 =	vadd.f32 v3, v0  }
0xbf: {  	v3 =	vld [tilespmem:s10+$0xC20]  }
0xc0: {  	v0 =	vadd.f32 v1, v0  }
0xc1: {  	v1 =	vld [tilespmem:s10+$0xCA0]  }
0xc2: {  	v0 =	vadd.f32 v2, v0  }
0xc3: {  	v2 =	vld [tilespmem:s10+$0xD20]  }
0xc4: {  	v0 =	vadd.f32 v3, v0  }
0xc5: {  	v3 =	vld [tilespmem:s10+$0xDA0]  }
0xc6: {  	v0 =	vadd.f32 v1, v0  }
0xc7: {  	v1 =	vld [tilespmem:s10+$0xE20]  }
0xc8: {  	v0 =	vadd.f32 v2, v0  }
0xc9: {  	v2 =	vld [tilespmem:s10+$0xEA0]  }
0xca: {  	v0 =	vadd.f32 v3, v0  }
0xcb: {  	v3 =	vld [tilespmem:s10+$0xF20]  }
0xcc: {  	v0 =	vadd.f32 v1, v0  }
0xcd: {  	v1 =	vld [tilespmem:s10+$0xFA0]  }
0xce: {  	v0 =	vadd.f32 v2, v0;
	_ =	sdelay $0x1  }
0xcf: {  	v0 =	vadd.f32 v3, v0;
	_ =	sdelay $0x1  }
0xd0: {  	v0 =	vadd.f32 v1, v0;
	_ =	sdelay $0x1  }
0xd1: {  	v0 =	vmul.f32 $3.125000000e-02, v0;
	_ =	sdelay $0x1  }
0xd2: {  	[tilespmem:s9+$0x8020] =	vst v0  }
0xd3: {  	v0 =	vld [tilespmem:s10+$0x30]  }
0xd4: {  	v1 =	vld [tilespmem:s10+$0xB0];
	_ =	sdelay $0x1  }
0xd5: {  	v2 =	vld [tilespmem:s10+$0x130];
	_ =	sdelay $0x1  }
0xd6: {  	v3 =	vld [tilespmem:s10+$0x1B0]  }
0xd7: {  	v0 =	vadd.f32 v1, v0  }
0xd8: {  	v1 =	vld [tilespmem:s10+$0x230]  }
0xd9: {  	v0 =	vadd.f32 v2, v0  }
0xda: {  	v2 =	vld [tilespmem:s10+$0x2B0]  }
0xdb: {  	v0 =	vadd.f32 v3, v0  }
0xdc: {  	v3 =	vld [tilespmem:s10+$0x330]  }
0xdd: {  	v0 =	vadd.f32 v1, v0  }
0xde: {  	v1 =	vld [tilespmem:s10+$0x3B0]  }
0xdf: {  	v0 =	vadd.f32 v2, v0  }
0xe0: {  	v2 =	vld [tilespmem:s10+$0x430]  }
0xe1: {  	v0 =	vadd.f32 v3, v0  }
0xe2: {  	v3 =	vld [tilespmem:s10+$0x4B0]  }
0xe3: {  	v0 =	vadd.f32 v1, v0  }
0xe4: {  	v1 =	vld [tilespmem:s10+$0x530]  }
0xe5: {  	v0 =	vadd.f32 v2, v0  }
0xe6: {  	v2 =	vld [tilespmem:s10+$0x5B0]  }
0xe7: {  	v0 =	vadd.f32 v3, v0  }
0xe8: {  	v3 =	vld [tilespmem:s10+$0x630]  }
0xe9: {  	v0 =	vadd.f32 v1, v0  }
0xea: {  	v1 =	vld [tilespmem:s10+$0x6B0]  }
0xeb: {  	v0 =	vadd.f32 v2, v0  }
0xec: {  	v2 =	vld [tilespmem:s10+$0x730]  }
0xed: {  	v0 =	vadd.f32 v3, v0  }
0xee: {  	v3 =	vld [tilespmem:s10+$0x7B0]  }
0xef: {  	v0 =	vadd.f32 v1, v0  }
0xf0: {  	v1 =	vld [tilespmem:s10+$0x830]  }
0xf1: {  	s11 =	simm.s32 $0x1000;
	v0 =	vadd.f32 v2, v0  }
0xf2: {  	s11 =	sand.u32 $0x3FFFF000, s11;
	v2 =	vld [tilespmem:s10+$0x8B0]  }
0xf3: {  	v4 =	vld [tilespmem:s11+$0x0];
	v0 =	vadd.f32 v3, v0  }
0xf4: {  	v3 =	vld [tilespmem:s10+$0x930]  }
0xf5: {  	v5 =	vld [tilespmem:s11+$0x80];
	v0 =	vadd.f32 v1, v0  }
0xf6: {  	v1 =	vld [tilespmem:s10+$0x9B0]  }
0xf7: {  	v6 =	vld [tilespmem:s11+$0x100];
	v0 =	vadd.f32 v2, v0  }
0xf8: {  	v2 =	vld [tilespmem:s10+$0xA30]  }
0xf9: {  	v7 =	vld [tilespmem:s11+$0x180];
	v0 =	vadd.f32 v3, v0  }
0xfa: {  	v3 =	vld [tilespmem:s10+$0xAB0]  }
0xfb: {  	v8 =	vld [tilespmem:s11+$0x200];
	v0 =	vadd.f32 v1, v0;
	v1 =	vadd.f32 v5, v4  }
0xfc: {  	v4 =	vld [tilespmem:s10+$0xB30]  }
0xfd: {  	v5 =	vld [tilespmem:s11+$0x280];
	v0 =	vadd.f32 v2, v0;
	v1 =	vadd.f32 v6, v1  }
0xfe: {  	v2 =	vld [tilespmem:s10+$0xBB0]  }
0xff: {  	v6 =	vld [tilespmem:s11+$0x300];
	v0 =	vadd.f32 v3, v0;
	v1 =	vadd.f32 v7, v1  }
0x100: {  	v3 =	vld [tilespmem:s10+$0xC30]  }
0x101: {  	v7 =	vld [tilespmem:s11+$0x380];
	v0 =	vadd.f32 v4, v0;
	v1 =	vadd.f32 v8, v1  }
0x102: {  	v4 =	vld [tilespmem:s10+$0xCB0]  }
0x103: {  	v8 =	vld [tilespmem:s11+$0x400];
	v0 =	vadd.f32 v2, v0;
	v1 =	vadd.f32 v5, v1  }
0x104: {  	v2 =	vld [tilespmem:s10+$0xD30]  }
0x105: {  	v5 =	vld [tilespmem:s11+$0x480];
	v0 =	vadd.f32 v3, v0;
	v1 =	vadd.f32 v6, v1  }
0x106: {  	v3 =	vld [tilespmem:s10+$0xDB0]  }
0x107: {  	v6 =	vld [tilespmem:s11+$0x500];
	v0 =	vadd.f32 v4, v0;
	v1 =	vadd.f32 v7, v1  }
0x108: {  	v4 =	vld [tilespmem:s10+$0xE30]  }
0x109: {  	v7 =	vld [tilespmem:s11+$0x580];
	v0 =	vadd.f32 v2, v0;
	v1 =	vadd.f32 v8, v1  }
0x10a: {  	v2 =	vld [tilespmem:s10+$0xEB0]  }
0x10b: {  	v8 =	vld [tilespmem:s11+$0x600];
	v0 =	vadd.f32 v3, v0;
	v1 =	vadd.f32 v5, v1  }
0x10c: {  	v3 =	vld [tilespmem:s10+$0xF30]  }
0x10d: {  	v5 =	vld [tilespmem:s11+$0x680];
	v0 =	vadd.f32 v4, v0;
	v1 =	vadd.f32 v6, v1  }
0x10e: {  	v4 =	vld [tilespmem:s10+$0xFB0]  }
0x10f: {  	v0 =	vadd.f32 v2, v0;
	v1 =	vadd.f32 v7, v1  }
0x110: {  	v2 =	vld [tilespmem:s11+$0x700]  }
0x111: {  	v0 =	vadd.f32 v3, v0;
	v1 =	vadd.f32 v8, v1  }
0x112: {  	v3 =	vld [tilespmem:s11+$0x780]  }
0x113: {  	v0 =	vadd.f32 v4, v0;
	v1 =	vadd.f32 v5, v1  }
0x114: {  	v4 =	vld [tilespmem:s11+$0x800]  }
0x115: {  	v0 =	vmul.f32 $3.125000000e-02, v0;
	v1 =	vadd.f32 v2, v1  }
0x116: {  	v2 =	vld [tilespmem:s11+$0x880]  }
0x117: {  	v5 =	vld [tilespmem:s11+$0x900];
	[tilespmem:s9+$0x8030] =	vst v0;
	v0 =	vadd.f32 v3, v1  }
0x118: {  	v1 =	vld [tilespmem:s10+$0x40]  }
0x119: {  	v3 =	vld [tilespmem:s10+$0xC0];
	v0 =	vadd.f32 v4, v0  }
0x11a: {  	v4 =	vld [tilespmem:s11+$0x980]  }
0x11b: {  	v0 =	vadd.f32 v2, v0;
	v2 =	vld [tilespmem:s10+$0x140]  }
0x11c: {  	v6 =	vld [tilespmem:s11+$0xA00]  }
0x11d: {  	v0 =	vadd.f32 v5, v0;
	v5 =	vld [tilespmem:s10+$0x1C0]  }
0x11e: {  	v7 =	vld [tilespmem:s11+$0xA80];
	v1 =	vadd.f32 v3, v1  }
0x11f: {  	v3 =	vld [tilespmem:s10+$0x240];
	v0 =	vadd.f32 v4, v0  }
0x120: {  	v4 =	vld [tilespmem:s11+$0xB00];
	v1 =	vadd.f32 v2, v1  }
0x121: {  	v2 =	vld [tilespmem:s10+$0x2C0];
	v0 =	vadd.f32 v6, v0  }
0x122: {  	v6 =	vld [tilespmem:s11+$0xB80];
	v1 =	vadd.f32 v5, v1  }
0x123: {  	v5 =	vld [tilespmem:s10+$0x340];
	v0 =	vadd.f32 v7, v0  }
0x124: {  	v7 =	vld [tilespmem:s11+$0xC00];
	v1 =	vadd.f32 v3, v1  }
0x125: {  	v3 =	vld [tilespmem:s10+$0x3C0];
	v0 =	vadd.f32 v4, v0  }
0x126: {  	v4 =	vld [tilespmem:s11+$0xC80];
	v1 =	vadd.f32 v2, v1  }
0x127: {  	v2 =	vld [tilespmem:s10+$0x440];
	v0 =	vadd.f32 v6, v0  }
0x128: {  	v6 =	vld [tilespmem:s11+$0xD00];
	v1 =	vadd.f32 v5, v1  }
0x129: {  	v5 =	vld [tilespmem:s10+$0x4C0];
	v0 =	vadd.f32 v7, v0  }
0x12a: {  	v7 =	vld [tilespmem:s11+$0xD80];
	v1 =	vadd.f32 v3, v1  }
0x12b: {  	v3 =	vld [tilespmem:s10+$0x540];
	v0 =	vadd.f32 v4, v0  }
0x12c: {  	v4 =	vld [tilespmem:s11+$0xE00];
	v1 =	vadd.f32 v2, v1  }
0x12d: {  	v2 =	vld [tilespmem:s10+$0x5C0];
	v0 =	vadd.f32 v6, v0  }
0x12e: {  	v6 =	vld [tilespmem:s11+$0xE80];
	v1 =	vadd.f32 v5, v1  }
0x12f: {  	v5 =	vld [tilespmem:s10+$0x640];
	v0 =	vadd.f32 v7, v0  }
0x130: {  	v7 =	vld [tilespmem:s11+$0xF00];
	v1 =	vadd.f32 v3, v1  }
0x131: {  	v3 =	vld [tilespmem:s10+$0x6C0];
	v0 =	vadd.f32 v4, v0  }
0x132: {  	s12 =	simm.s32 $0x2000;
	v4 =	vld [tilespmem:s11+$0xF80];
	v1 =	vadd.f32 v2, v1  }
0x133: {  	s13 =	sand.u32 $0x3FFFF000, s12;
	v2 =	vadd.f32 v6, v0;
	v6 =	vld [tilespmem:s10+$0x740]  }
0x134: {  	v28 =	vld [tilespmem:s13+$0x180];
	v5 =	vadd.f32 v5, v1  }
0x135: {  	v2 =	vadd.f32 v7, v2;
	v7 =	vld [tilespmem:s10+$0x7C0]  }
0x136: {  	v8 =	vld [tilespmem:s10+$0x8C0];
	v3 =	vadd.f32 v3, v5  }
0x137: {  	v5 =	vld [tilespmem:s10+$0x840];
	v4 =	vadd.f32 v4, v2  }
0x138: {  	v12 =	vld [tilespmem:s10+$0xF40];
	v6 =	vadd.f32 v6, v3  }
0x139: {  	s31 =	simm.s32 $0x80;
	v0 =	vld [tilespmem:s13+$0xD80];
	v4 =	vmul.f32 $3.125000000e-02, v4  }
0x13a: {  	s12 =	sand.u32 $0x3FFFFF80, s31;
	v1 =	vld [tilespmem:s13+$0xD00];
	v6 =	vadd.f32 v7, v6  }
0x13b: {  	[tilespmem:s12+$0x8000] =	vst v4;
	v4 =	vld [tilespmem:s10+$0x940]  }
0x13c: {  	v7 =	vld [tilespmem:s11+$0x10];
	v5 =	vadd.f32 v5, v6  }
0x13d: {  	v6 =	vld [tilespmem:s10+$0x9C0]  }
0x13e: {  	v9 =	vld [tilespmem:s11+$0x90];
	v5 =	vadd.f32 v8, v5  }
0x13f: {  	v8 =	vld [tilespmem:s10+$0xA40]  }
0x140: {  	v10 =	vld [tilespmem:s11+$0x110];
	v4 =	vadd.f32 v4, v5  }
0x141: {  	v5 =	vld [tilespmem:s10+$0xAC0]  }
0x142: {  	v11 =	vld [tilespmem:s11+$0x190];
	v4 =	vadd.f32 v6, v4  }
0x143: {  	v6 =	vld [tilespmem:s10+$0xB40]  }
0x144: {  	v7 =	vadd.f32 v9, v7;
	v9 =	vld [tilespmem:s11+$0x210];
	v4 =	vadd.f32 v8, v4  }
0x145: {  	v8 =	vld [tilespmem:s10+$0xBC0]  }
0x146: {  	v7 =	vadd.f32 v10, v7;
	v10 =	vld [tilespmem:s11+$0x290];
	v4 =	vadd.f32 v5, v4  }
0x147: {  	v5 =	vld [tilespmem:s10+$0xC40]  }
0x148: {  	v7 =	vadd.f32 v11, v7;
	v11 =	vld [tilespmem:s11+$0x310];
	v4 =	vadd.f32 v6, v4  }
0x149: {  	v6 =	vld [tilespmem:s10+$0xCC0]  }
0x14a: {  	v7 =	vadd.f32 v9, v7;
	v9 =	vld [tilespmem:s11+$0x390];
	v4 =	vadd.f32 v8, v4  }
0x14b: {  	v8 =	vld [tilespmem:s10+$0xD40]  }
0x14c: {  	v7 =	vadd.f32 v10, v7;
	v10 =	vld [tilespmem:s11+$0x410];
	v4 =	vadd.f32 v5, v4  }
0x14d: {  	v5 =	vld [tilespmem:s10+$0xDC0]  }
0x14e: {  	v7 =	vadd.f32 v11, v7;
	v11 =	vld [tilespmem:s11+$0x490];
	v4 =	vadd.f32 v6, v4  }
0x14f: {  	v6 =	vld [tilespmem:s10+$0xE40]  }
0x150: {  	v7 =	vadd.f32 v9, v7;
	v9 =	vld [tilespmem:s11+$0x510];
	v4 =	vadd.f32 v8, v4  }
0x151: {  	v8 =	vld [tilespmem:s10+$0xEC0]  }
0x152: {  	v2 =	vld [tilespmem:s13+$0xC80];
	v7 =	vadd.f32 v10, v7;
	v4 =	vadd.f32 v5, v4  }
0x153: {  	v10 =	vld [tilespmem:s11+$0x590]  }
0x154: {  	v5 =	vadd.f32 v11, v7;
	v7 =	vld [tilespmem:s11+$0x610];
	v6 =	vadd.f32 v6, v4  }
0x155: {  	v11 =	vld [tilespmem:s10+$0xFC0]  }
0x156: {  	v3 =	vld [tilespmem:s13+$0xC00];
	v9 =	vadd.f32 v9, v5;
	v6 =	vadd.f32 v8, v6  }
0x157: {  	v8 =	vld [tilespmem:s11+$0x690]  }
0x158: {  	v13 =	vld [tilespmem:s11+$0x910];
	v9 =	vadd.f32 v10, v9;
	v10 =	vadd.f32 v12, v6  }
0x159: {  	v12 =	vld [tilespmem:s11+$0x710]  }
0x15a: {  	v14 =	vld [tilespmem:s11+$0x990];
	v9 =	vadd.f32 v7, v9;
	v10 =	vadd.f32 v11, v10  }
0x15b: {  	v11 =	vld [tilespmem:s11+$0x790]  }
0x15c: {  	v15 =	vld [tilespmem:s11+$0xA10];
	v8 =	vadd.f32 v8, v9;
	v9 =	vmul.f32 $3.125000000e-02, v10  }
0x15d: {  	v10 =	vld [tilespmem:s11+$0x810]  }
0x15e: {  	v8 =	vadd.f32 v12, v8;
	v12 =	vld [tilespmem:s11+$0x890];
	[tilespmem:s9+$0x8040] =	vst v9  }
0x15f: {  	v9 =	vld [tilespmem:s10+$0x50]  }
0x160: {  	v8 =	vadd.f32 v11, v8;
	v11 =	vld [tilespmem:s10+$0xD0]  }
0x161: {  	v4 =	vld [tilespmem:s13+$0xB80]  }
0x162: {  	v8 =	vadd.f32 v10, v8;
	v10 =	vld [tilespmem:s10+$0x150]  }
0x163: {  	v5 =	vld [tilespmem:s13+$0xB00]  }
0x164: {  	v8 =	vadd.f32 v12, v8;
	v12 =	vld [tilespmem:s10+$0x1D0]  }
0x165: {  	v6 =	vld [tilespmem:s13+$0xA80];
	v9 =	vadd.f32 v11, v9  }
0x166: {  	v11 =	vld [tilespmem:s10+$0x250];
	v8 =	vadd.f32 v13, v8  }
0x167: {  	v13 =	vld [tilespmem:s11+$0xA90];
	v9 =	vadd.f32 v10, v9  }
0x168: {  	v10 =	vld [tilespmem:s10+$0x2D0];
	v8 =	vadd.f32 v14, v8  }
0x169: {  	v14 =	vld [tilespmem:s11+$0xB10];
	v9 =	vadd.f32 v12, v9  }
0x16a: {  	v12 =	vld [tilespmem:s10+$0x350];
	v8 =	vadd.f32 v15, v8  }
0x16b: {  	v15 =	vld [tilespmem:s11+$0xB90];
	v9 =	vadd.f32 v11, v9  }
0x16c: {  	v11 =	vld [tilespmem:s10+$0x3D0];
	v8 =	vadd.f32 v13, v8  }
0x16d: {  	v13 =	vld [tilespmem:s11+$0xC10];
	v9 =	vadd.f32 v10, v9  }
0x16e: {  	v10 =	vld [tilespmem:s10+$0x450];
	v8 =	vadd.f32 v14, v8  }
0x16f: {  	v14 =	vld [tilespmem:s11+$0xC90];
	v9 =	vadd.f32 v12, v9  }
0x170: {  	v12 =	vld [tilespmem:s10+$0x4D0];
	v8 =	vadd.f32 v15, v8  }
0x171: {  	v15 =	vld [tilespmem:s11+$0xD10];
	v9 =	vadd.f32 v11, v9  }
0x172: {  	v11 =	vld [tilespmem:s10+$0x550];
	v8 =	vadd.f32 v13, v8  }
0x173: {  	v13 =	vld [tilespmem:s11+$0xD90];
	v9 =	vadd.f32 v10, v9  }
0x174: {  	v10 =	vld [tilespmem:s10+$0x5D0];
	v8 =	vadd.f32 v14, v8  }
0x175: {  	v14 =	vld [tilespmem:s11+$0xE10];
	v9 =	vadd.f32 v12, v9  }
0x176: {  	v12 =	vld [tilespmem:s10+$0x650];
	v8 =	vadd.f32 v15, v8  }
0x177: {  	v15 =	vld [tilespmem:s11+$0xE90];
	v9 =	vadd.f32 v11, v9  }
0x178: {  	v11 =	vld [tilespmem:s10+$0x6D0];
	v8 =	vadd.f32 v13, v8  }
0x179: {  	v13 =	vld [tilespmem:s11+$0xF10];
	v9 =	vadd.f32 v10, v9  }
0x17a: {  	v10 =	vld [tilespmem:s10+$0x750];
	v8 =	vadd.f32 v14, v8  }
0x17b: {  	v14 =	vld [tilespmem:s11+$0xF90];
	v9 =	vadd.f32 v12, v9  }
0x17c: {  	v12 =	vadd.f32 v15, v8;
	v15 =	vld [tilespmem:s10+$0x7D0]  }
0x17d: {  	v7 =	vld [tilespmem:s13+$0xA00];
	v11 =	vadd.f32 v11, v9  }
0x17e: {  	v12 =	vadd.f32 v13, v12;
	v13 =	vld [tilespmem:s10+$0x850]  }
0x17f: {  	v16 =	vld [tilespmem:s10+$0x950];
	v10 =	vadd.f32 v10, v11  }
0x180: {  	v11 =	vadd.f32 v14, v12;
	v12 =	vld [tilespmem:s10+$0x8D0]  }
0x181: {  	v21 =	vld [tilespmem:s10+$0xF50];
	v10 =	vadd.f32 v15, v10  }
0x182: {  	v8 =	vld [tilespmem:s13+$0x980];
	v11 =	vmul.f32 $3.125000000e-02, v11  }
0x183: {  	v9 =	vld [tilespmem:s13+$0x900];
	v10 =	vadd.f32 v13, v10  }
0x184: {  	[tilespmem:s12+$0x8010] =	vst v11;
	v11 =	vld [tilespmem:s10+$0x9D0]  }
0x185: {  	v13 =	vld [tilespmem:s11+$0x20];
	v10 =	vadd.f32 v12, v10  }
0x186: {  	v12 =	vld [tilespmem:s10+$0xA50]  }
0x187: {  	v17 =	vld [tilespmem:s11+$0xA0];
	v10 =	vadd.f32 v16, v10  }
0x188: {  	v16 =	vld [tilespmem:s10+$0xAD0]  }
0x189: {  	v18 =	vld [tilespmem:s11+$0x120];
	v10 =	vadd.f32 v11, v10  }
0x18a: {  	v11 =	vld [tilespmem:s10+$0xB50]  }
0x18b: {  	v19 =	vld [tilespmem:s11+$0x1A0];
	v10 =	vadd.f32 v12, v10  }
0x18c: {  	v12 =	vld [tilespmem:s10+$0xBD0]  }
0x18d: {  	v13 =	vadd.f32 v17, v13;
	v17 =	vld [tilespmem:s11+$0x220];
	v10 =	vadd.f32 v16, v10  }
0x18e: {  	v16 =	vld [tilespmem:s10+$0xC50]  }
0x18f: {  	v13 =	vadd.f32 v18, v13;
	v18 =	vld [tilespmem:s11+$0x2A0];
	v10 =	vadd.f32 v11, v10  }
0x190: {  	v11 =	vld [tilespmem:s10+$0xCD0]  }
0x191: {  	v13 =	vadd.f32 v19, v13;
	v19 =	vld [tilespmem:s11+$0x320];
	v10 =	vadd.f32 v12, v10  }
0x192: {  	v12 =	vld [tilespmem:s10+$0xD50]  }
0x193: {  	v13 =	vadd.f32 v17, v13;
	v17 =	vld [tilespmem:s11+$0x3A0];
	v10 =	vadd.f32 v16, v10  }
0x194: {  	v16 =	vld [tilespmem:s10+$0xDD0]  }
0x195: {  	v13 =	vadd.f32 v18, v13;
	v18 =	vld [tilespmem:s11+$0x420];
	v10 =	vadd.f32 v11, v10  }
0x196: {  	v11 =	vld [tilespmem:s10+$0xE50]  }
0x197: {  	v13 =	vadd.f32 v19, v13;
	v19 =	vld [tilespmem:s11+$0x4A0];
	v10 =	vadd.f32 v12, v10  }
0x198: {  	v12 =	vld [tilespmem:s10+$0xED0]  }
0x199: {  	v14 =	vld [tilespmem:s13+$0x680];
	v13 =	vadd.f32 v17, v13;
	v10 =	vadd.f32 v16, v10  }
0x19a: {  	v20 =	vld [tilespmem:s11+$0x520]  }
0x19b: {  	v22 =	vld [tilespmem:s11+$0x5A0];
	v13 =	vadd.f32 v18, v13;
	v10 =	vadd.f32 v11, v10  }
0x19c: {  	v11 =	vld [tilespmem:s10+$0xFD0]  }
0x19d: {  	v15 =	vld [tilespmem:s13+$0x600];
	v13 =	vadd.f32 v19, v13;
	v10 =	vadd.f32 v12, v10  }
0x19e: {  	v12 =	vld [tilespmem:s11+$0x620]  }
0x19f: {  	v23 =	vld [tilespmem:s11+$0x9A0];
	v13 =	vadd.f32 v20, v13;
	v10 =	vadd.f32 v21, v10  }
0x1a0: {  	v20 =	vld [tilespmem:s11+$0x6A0]  }
0x1a1: {  	v24 =	vld [tilespmem:s11+$0xFA0];
	v13 =	vadd.f32 v22, v13;
	v10 =	vadd.f32 v11, v10  }
0x1a2: {  	v11 =	vld [tilespmem:s11+$0x720]  }
0x1a3: {  	v17 =	vld [tilespmem:s13+$0x500];
	v12 =	vadd.f32 v12, v13;
	v10 =	vmul.f32 $3.125000000e-02, v10  }
0x1a4: {  	v13 =	vld [tilespmem:s11+$0x7A0]  }
0x1a5: {  	v12 =	vadd.f32 v20, v12;
	v20 =	vld [tilespmem:s11+$0x820];
	[tilespmem:s9+$0x8050] =	vst v10  }
0x1a6: {  	v10 =	vld [tilespmem:s10+$0x60]  }
0x1a7: {  	v11 =	vadd.f32 v11, v12;
	v12 =	vld [tilespmem:s10+$0xE0]  }
0x1a8: {  	v21 =	vld [tilespmem:s11+$0x8A0]  }
0x1a9: {  	v11 =	vadd.f32 v13, v11;
	v13 =	vld [tilespmem:s10+$0x160]  }
0x1aa: {  	v22 =	vld [tilespmem:s11+$0x920]  }
0x1ab: {  	v11 =	vadd.f32 v20, v11;
	v20 =	vld [tilespmem:s10+$0x1E0]  }
0x1ac: {  	v18 =	vld [tilespmem:s13+$0x480];
	v10 =	vadd.f32 v12, v10  }
0x1ad: {  	v12 =	vld [tilespmem:s10+$0x260];
	v11 =	vadd.f32 v21, v11  }
0x1ae: {  	v21 =	vld [tilespmem:s11+$0xA20];
	v10 =	vadd.f32 v13, v10  }
0x1af: {  	v13 =	vld [tilespmem:s10+$0x2E0];
	v11 =	vadd.f32 v22, v11  }
0x1b0: {  	v22 =	vld [tilespmem:s11+$0xAA0];
	v10 =	vadd.f32 v20, v10  }
0x1b1: {  	v20 =	vld [tilespmem:s10+$0x360];
	v11 =	vadd.f32 v23, v11  }
0x1b2: {  	v23 =	vld [tilespmem:s11+$0xB20];
	v10 =	vadd.f32 v12, v10  }
0x1b3: {  	v12 =	vld [tilespmem:s10+$0x3E0];
	v11 =	vadd.f32 v21, v11  }
0x1b4: {  	v21 =	vld [tilespmem:s11+$0xBA0];
	v10 =	vadd.f32 v13, v10  }
0x1b5: {  	v13 =	vld [tilespmem:s10+$0x460];
	v11 =	vadd.f32 v22, v11  }
0x1b6: {  	v22 =	vld [tilespmem:s11+$0xC20];
	v10 =	vadd.f32 v20, v10  }
0x1b7: {  	v20 =	vld [tilespmem:s10+$0x4E0];
	v11 =	vadd.f32 v23, v11  }
0x1b8: {  	v23 =	vld [tilespmem:s11+$0xCA0];
	v10 =	vadd.f32 v12, v10  }
0x1b9: {  	v12 =	vld [tilespmem:s10+$0x560];
	v11 =	vadd.f32 v21, v11  }
0x1ba: {  	v21 =	vld [tilespmem:s11+$0xD20];
	v10 =	vadd.f32 v13, v10  }
0x1bb: {  	v13 =	vld [tilespmem:s10+$0x5E0];
	v11 =	vadd.f32 v22, v11  }
0x1bc: {  	v22 =	vld [tilespmem:s11+$0xDA0];
	v10 =	vadd.f32 v20, v10  }
0x1bd: {  	v20 =	vld [tilespmem:s10+$0x660];
	v11 =	vadd.f32 v23, v11  }
0x1be: {  	v23 =	vld [tilespmem:s11+$0xE20];
	v10 =	vadd.f32 v12, v10  }
0x1bf: {  	v12 =	vld [tilespmem:s10+$0x6E0];
	v11 =	vadd.f32 v21, v11  }
0x1c0: {  	v21 =	vld [tilespmem:s11+$0xEA0];
	v10 =	vadd.f32 v13, v10  }
0x1c1: {  	v13 =	vld [tilespmem:s10+$0x760];
	v11 =	vadd.f32 v22, v11  }
0x1c2: {  	v22 =	vld [tilespmem:s11+$0xF20];
	v10 =	vadd.f32 v20, v10  }
0x1c3: {  	v11 =	vadd.f32 v23, v11;
	v23 =	vld [tilespmem:s10+$0x7E0]  }
0x1c4: {  	v16 =	vld [tilespmem:s13+$0x580];
	v10 =	vadd.f32 v12, v10  }
0x1c5: {  	v12 =	vld [tilespmem:s10+$0x860];
	v11 =	vadd.f32 v21, v11  }
0x1c6: {  	v19 =	vld [tilespmem:s13+$0x400];
	v10 =	vadd.f32 v13, v10  }
0x1c7: {  	v13 =	vld [tilespmem:s10+$0x8E0];
	v11 =	vadd.f32 v22, v11  }
0x1c8: {  	v20 =	vld [tilespmem:s13+$0x380];
	v10 =	vadd.f32 v23, v10  }
0x1c9: {  	v23 =	vld [tilespmem:s10+$0x960];
	v11 =	vadd.f32 v24, v11  }
0x1ca: {  	v21 =	vld [tilespmem:s13+$0x300];
	v10 =	vadd.f32 v12, v10  }
0x1cb: {  	v12 =	vld [tilespmem:s10+$0x9E0];
	v11 =	vmul.f32 $3.125000000e-02, v11  }
0x1cc: {  	v22 =	vld [tilespmem:s13+$0x280];
	v10 =	vadd.f32 v13, v10  }
0x1cd: {  	[tilespmem:s12+$0x8020] =	vst v11;
	v11 =	vld [tilespmem:s10+$0xA60]  }
0x1ce: {  	v13 =	vld [tilespmem:s11+$0x30];
	v10 =	vadd.f32 v23, v10  }
0x1cf: {  	v23 =	vld [tilespmem:s10+$0xAE0]  }
0x1d0: {  	v25 =	vld [tilespmem:s11+$0xB0];
	v10 =	vadd.f32 v12, v10  }
0x1d1: {  	v12 =	vld [tilespmem:s10+$0xB60]  }
0x1d2: {  	v26 =	vld [tilespmem:s11+$0x130];
	v10 =	vadd.f32 v11, v10  }
0x1d3: {  	v11 =	vld [tilespmem:s10+$0xBE0]  }
0x1d4: {  	v27 =	vld [tilespmem:s11+$0x1B0];
	v10 =	vadd.f32 v23, v10  }
0x1d5: {  	v23 =	vld [tilespmem:s10+$0xC60]  }
0x1d6: {  	v13 =	vadd.f32 v25, v13;
	v25 =	vld [tilespmem:s11+$0x230];
	v10 =	vadd.f32 v12, v10  }
0x1d7: {  	v12 =	vld [tilespmem:s10+$0xCE0]  }
0x1d8: {  	v13 =	vadd.f32 v26, v13;
	v26 =	vld [tilespmem:s11+$0x2B0];
	v10 =	vadd.f32 v11, v10  }
0x1d9: {  	v11 =	vld [tilespmem:s10+$0xD60]  }
0x1da: {  	v13 =	vadd.f32 v27, v13;
	v27 =	vld [tilespmem:s11+$0x330];
	v10 =	vadd.f32 v23, v10  }
0x1db: {  	v23 =	vld [tilespmem:s10+$0xDE0]  }
0x1dc: {  	v13 =	vadd.f32 v25, v13;
	v25 =	vld [tilespmem:s11+$0x3B0];
	v10 =	vadd.f32 v12, v10  }
0x1dd: {  	v12 =	vld [tilespmem:s10+$0xE60]  }
0x1de: {  	v13 =	vadd.f32 v26, v13;
	v26 =	vld [tilespmem:s11+$0x430];
	v10 =	vadd.f32 v11, v10  }
0x1df: {  	v11 =	vld [tilespmem:s10+$0xEE0]  }
0x1e0: {  	v13 =	vadd.f32 v27, v13;
	v27 =	vld [tilespmem:s11+$0x4B0];
	v10 =	vadd.f32 v23, v10  }
0x1e1: {  	v23 =	vld [tilespmem:s10+$0xF60]  }
0x1e2: {  	v13 =	vadd.f32 v25, v13;
	v25 =	vld [tilespmem:s11+$0x530];
	v10 =	vadd.f32 v12, v10  }
0x1e3: {  	v12 =	vld [tilespmem:s10+$0xFE0]  }
0x1e4: {  	v24 =	vld [tilespmem:s13+$0x200];
	v13 =	vadd.f32 v26, v13;
	v10 =	vadd.f32 v11, v10  }
0x1e5: {  	v11 =	vld [tilespmem:s11+$0x5B0]  }
0x1e6: {  	v29 =	vld [tilespmem:s11+$0x830];
	v13 =	vadd.f32 v27, v13;
	v10 =	vadd.f32 v23, v10  }
0x1e7: {  	v23 =	vld [tilespmem:s11+$0x630]  }
0x1e8: {  	v30 =	vld [tilespmem:s11+$0x8B0];
	v13 =	vadd.f32 v25, v13;
	v10 =	vadd.f32 v12, v10  }
0x1e9: {  	v12 =	vld [tilespmem:s11+$0x6B0]  }
0x1ea: {  	v31 =	vld [tilespmem:s11+$0x930];
	v11 =	vadd.f32 v11, v13;
	v10 =	vmul.f32 $3.125000000e-02, v10  }
0x1eb: {  	v13 =	vld [tilespmem:s11+$0x730]  }
0x1ec: {  	v11 =	vadd.f32 v23, v11;
	v23 =	vld [tilespmem:s11+$0x7B0];
	[tilespmem:s9+$0x8060] =	vst v10  }
0x1ed: {  	v10 =	vld [tilespmem:s10+$0x70]  }
0x1ee: {  	v11 =	vadd.f32 v12, v11;
	v12 =	vld [tilespmem:s10+$0xF0]  }
0x1ef: {  	v60 =	vld [tilespmem:s11+$0x9B0]  }
0x1f0: {  	v11 =	vadd.f32 v13, v11;
	v13 =	vld [tilespmem:s10+$0x170]  }
0x1f1: {  	v61 =	vld [tilespmem:s11+$0xA30]  }
0x1f2: {  	v11 =	vadd.f32 v23, v11;
	v23 =	vld [tilespmem:s10+$0x1F0]  }
0x1f3: {  	v27 =	vld [tilespmem:s13+$0x0];
	v10 =	vadd.f32 v12, v10  }
0x1f4: {  	v12 =	vld [tilespmem:s10+$0x270];
	v11 =	vadd.f32 v29, v11  }
0x1f5: {  	v25 =	vld [tilespmem:s13+$0x80];
	v10 =	vadd.f32 v13, v10  }
0x1f6: {  	v13 =	vld [tilespmem:s10+$0x2F0];
	v11 =	vadd.f32 v30, v11  }
0x1f7: {  	v26 =	vld [tilespmem:s13+$0x100];
	v10 =	vadd.f32 v23, v10  }
0x1f8: {  	v23 =	vld [tilespmem:s10+$0x370];
	v11 =	vadd.f32 v31, v11  }
0x1f9: {  	v62 =	vld [tilespmem:s11+$0xAB0];
	v10 =	vadd.f32 v12, v10  }
0x1fa: {  	v12 =	vld [tilespmem:s10+$0x3F0];
	v11 =	vadd.f32 v60, v11  }
0x1fb: {  	v25 =	vadd.f32 v25, v27;
	v27 =	vld [tilespmem:s11+$0xB30];
	v10 =	vadd.f32 v13, v10  }
0x1fc: {  	v13 =	vld [tilespmem:s10+$0x470];
	v11 =	vadd.f32 v61, v11  }
0x1fd: {  	v63 =	vld [tilespmem:s11+$0xBB0];
	v25 =	vadd.f32 v26, v25;
	v26 =	vadd.f32 v23, v10  }
0x1fe: {  	v10 =	vld [tilespmem:s10+$0x4F0];
	v11 =	vadd.f32 v62, v11  }
0x1ff: {  	v25 =	vadd.f32 v28, v25;
	v23 =	vld [tilespmem:s11+$0xC30];
	v12 =	vadd.f32 v12, v26  }
0x200: {  	v27 =	vadd.f32 v27, v11;
	v11 =	vld [tilespmem:s10+$0x570]  }
0x201: {  	v26 =	vadd.f32 v24, v25;
	v24 =	vld [tilespmem:s11+$0xCB0];
	v13 =	vadd.f32 v13, v12  }
0x202: {  	s14 =	simm.s32 $0x2;
	s15 =	simm.s32 $0x3;
	v12 =	vld [tilespmem:s10+$0x5F0];
	v25 =	vadd.f32 v63, v27  }
.LBB2_2:
0x203: {  	p0 =	sne.s32 s15, $0x7;
	v22 =	vadd.f32 v22, v26;
	v26 =	vld [tilespmem:s11+$0xD30];
	v10 =	vadd.f32 v10, v13  }
0x204: {  	v13 =	vadd.f32 v23, v25;
	v23 =	vld [tilespmem:s10+$0x670]  }
0x205: {  	v21 =	vadd.f32 v21, v22;
	v22 =	vld [tilespmem:s11+$0xDB0];
	v10 =	vadd.f32 v11, v10  }
0x206: {  	v11 =	vadd.f32 v24, v13;
	v13 =	vld [tilespmem:s10+$0x6F0]  }
0x207: {  	v20 =	vadd.f32 v20, v21;
	v21 =	vld [tilespmem:s11+$0xE30];
	v10 =	vadd.f32 v12, v10  }
0x208: {  	v11 =	vadd.f32 v26, v11;
	v12 =	vld [tilespmem:s10+$0x770]  }
0x209: {  	v19 =	vadd.f32 v19, v20;
	v20 =	vld [tilespmem:s11+$0xEB0];
	v10 =	vadd.f32 v23, v10  }
0x20a: {  	v11 =	vadd.f32 v22, v11;
	v22 =	vld [tilespmem:s10+$0x7F0]  }
0x20b: {  	v18 =	vadd.f32 v18, v19;
	v19 =	vld [tilespmem:s11+$0xF30];
	v10 =	vadd.f32 v13, v10  }
0x20c: {  	v11 =	vadd.f32 v21, v11;
	v13 =	vld [tilespmem:s10+$0x870]  }
0x20d: {  	v17 =	vadd.f32 v17, v18;
	v18 =	vld [tilespmem:s11+$0xFB0];
	v10 =	vadd.f32 v12, v10  }
0x20e: {  	v11 =	vadd.f32 v20, v11;
	v12 =	vld [tilespmem:s10+$0x8F0]  }
0x20f: {  	v16 =	vadd.f32 v16, v17;
	v17 =	vld [tilespmem:s13+$0x700];
	v10 =	vadd.f32 v22, v10  }
0x210: {  	v11 =	vadd.f32 v19, v11;
	v19 =	vld [tilespmem:s10+$0x970]  }
0x211: {  	v15 =	vadd.f32 v15, v16;
	v16 =	vld [tilespmem:s13+$0x780];
	v10 =	vadd.f32 v13, v10  }
0x212: {  	v11 =	vadd.f32 v18, v11;
	v13 =	vld [tilespmem:s10+$0x9F0]  }
0x213: {  	v14 =	vadd.f32 v14, v15;
	v15 =	vld [tilespmem:s13+$0x800];
	v10 =	vadd.f32 v12, v10  }
0x214: {  	v11 =	vmul.f32 $3.125000000e-02, v11;
	v12 =	vld [tilespmem:s10+$0xA70]  }
0x215: {  	v14 =	vadd.f32 v17, v14;
	v17 =	vld [tilespmem:s13+$0x880];
	v10 =	vadd.f32 v19, v10  }
0x216: {  	[tilespmem:s12+$0x8030] =	vst v11;
	v11 =	vld [tilespmem:s10+$0xAF0]  }
0x217: {  	v14 =	vadd.f32 v16, v14;
	v16 =	vld [tilespmem:s11+$0x40];
	v10 =	vadd.f32 v13, v10  }
0x218: {  	v13 =	vld [tilespmem:s10+$0xB70]  }
0x219: {  	v14 =	vadd.f32 v15, v14;
	v15 =	vld [tilespmem:s11+$0xC0];
	v10 =	vadd.f32 v12, v10  }
0x21a: {  	v12 =	vld [tilespmem:s10+$0xBF0]  }
0x21b: {  	v14 =	vadd.f32 v17, v14;
	v17 =	vld [tilespmem:s11+$0x140];
	v10 =	vadd.f32 v11, v10  }
0x21c: {  	v11 =	vld [tilespmem:s10+$0xC70]  }
0x21d: {  	v9 =	vadd.f32 v9, v14;
	v14 =	vld [tilespmem:s11+$0x1C0];
	v10 =	vadd.f32 v13, v10  }
0x21e: {  	v13 =	vadd.f32 v15, v16;
	v15 =	vld [tilespmem:s10+$0xCF0]  }
0x21f: {  	v8 =	vadd.f32 v8, v9;
	v9 =	vld [tilespmem:s11+$0x240];
	v10 =	vadd.f32 v12, v10  }
0x220: {  	v12 =	vadd.f32 v17, v13;
	v13 =	vld [tilespmem:s10+$0xD70]  }
0x221: {  	v7 =	vadd.f32 v7, v8;
	v8 =	vld [tilespmem:s11+$0x2C0];
	v10 =	vadd.f32 v11, v10  }
0x222: {  	v11 =	vadd.f32 v14, v12;
	v12 =	vld [tilespmem:s10+$0xDF0]  }
0x223: {  	v6 =	vadd.f32 v6, v7;
	v7 =	vld [tilespmem:s11+$0x340];
	v10 =	vadd.f32 v15, v10  }
0x224: {  	v9 =	vadd.f32 v9, v11;
	v11 =	vld [tilespmem:s10+$0xE70]  }
0x225: {  	v5 =	vadd.f32 v5, v6;
	v6 =	vld [tilespmem:s11+$0x3C0];
	v10 =	vadd.f32 v13, v10  }
0x226: {  	v8 =	vadd.f32 v8, v9;
	v9 =	vld [tilespmem:s10+$0xEF0]  }
0x227: {  	v4 =	vadd.f32 v4, v5;
	v5 =	vld [tilespmem:s11+$0x440];
	v10 =	vadd.f32 v12, v10  }
0x228: {  	v7 =	vadd.f32 v7, v8;
	v8 =	vld [tilespmem:s10+$0xF70]  }
0x229: {  	v3 =	vadd.f32 v3, v4;
	v4 =	vld [tilespmem:s11+$0x4C0];
	v10 =	vadd.f32 v11, v10  }
0x22a: {  	v6 =	vadd.f32 v6, v7;
	v7 =	vld [tilespmem:s10+$0xFF0];
	s10 =	smov.u32 s11;
	s11 =	smov.u32 s13  }
0x22b: {  	v2 =	vadd.f32 v2, v3;
	v3 =	vld [tilespmem:s10+$0x540];
	v9 =	vadd.f32 v9, v10  }
0x22c: {  	v10 =	vld [tilespmem:s11+$0xE00];
	v5 =	vadd.f32 v5, v6  }
0x22d: {  	v1 =	vadd.f32 v1, v2;
	v2 =	vld [tilespmem:s10+$0x5C0];
	v6 =	vadd.f32 v8, v9  }
0x22e: {  	v8 =	vld [tilespmem:s11+$0xE80];
	v4 =	vadd.f32 v4, v5  }
0x22f: {  	v0 =	vadd.f32 v0, v1;
	v1 =	vld [tilespmem:s10+$0x640];
	v5 =	vadd.f32 v7, v6  }
0x230: {  	v6 =	vld [tilespmem:s11+$0xF00];
	v3 =	vadd.f32 v3, v4  }
0x231: {  	v0 =	vadd.f32 v10, v0;
	v4 =	vld [tilespmem:s10+$0x6C0];
	v5 =	vmul.f32 $3.125000000e-02, v5  }
0x232: {  	s13 =	sshll.u32 s15, $0xC;
	v7 =	vld [tilespmem:s11+$0xF80];
	v2 =	vadd.f32 v2, v3  }
0x233: {  	s13 =	sand.u32 $0x3FFFF000, s13;
	v3 =	vadd.f32 v8, v0;
	v8 =	vld [tilespmem:s10+$0x740];
	[tilespmem:s9+$0x8070] =	vst v5;
	s9 =	smov.u32 s12  }
0x234: {  	v0 =	vld [tilespmem:s13+$0xD80];
	v2 =	vadd.f32 v1, v2  }
0x235: {  	v3 =	vadd.f32 v6, v3;
	v5 =	vld [tilespmem:s10+$0x7C0]  }
0x236: {  	v1 =	vld [tilespmem:s13+$0xD00];
	v4 =	vadd.f32 v4, v2  }
0x237: {  	v3 =	vadd.f32 v7, v3;
	v6 =	vld [tilespmem:s10+$0x840]  }
0x238: {  	v2 =	vld [tilespmem:s13+$0xC80];
	v4 =	vadd.f32 v8, v4  }
0x239: {  	s12 =	sshll.u32 s14, $0x7;
	s14 =	smov.u32 s15;
	v7 =	vmul.f32 $3.125000000e-02, v3;
	v8 =	vld [tilespmem:s10+$0x8C0]  }
0x23a: {  	s12 =	sand.u32 $0x3FFFFF80, s12;
	v3 =	vld [tilespmem:s13+$0xC00];
	v4 =	vadd.f32 v5, v4  }
0x23b: {  	[tilespmem:s12+$0x8000] =	vst v7;
	v5 =	vld [tilespmem:s10+$0x940]  }
0x23c: {  	v7 =	vld [tilespmem:s11+$0x10];
	v4 =	vadd.f32 v6, v4  }
0x23d: {  	v6 =	vld [tilespmem:s10+$0x9C0]  }
0x23e: {  	v9 =	vld [tilespmem:s11+$0x90];
	v4 =	vadd.f32 v8, v4  }
0x23f: {  	v8 =	vld [tilespmem:s10+$0xA40]  }
0x240: {  	v10 =	vld [tilespmem:s11+$0x110];
	v4 =	vadd.f32 v5, v4  }
0x241: {  	v5 =	vld [tilespmem:s10+$0xAC0]  }
0x242: {  	v11 =	vld [tilespmem:s11+$0x190];
	v4 =	vadd.f32 v6, v4  }
0x243: {  	v6 =	vld [tilespmem:s10+$0xB40]  }
0x244: {  	v7 =	vadd.f32 v9, v7;
	v9 =	vld [tilespmem:s11+$0x210];
	v4 =	vadd.f32 v8, v4  }
0x245: {  	v8 =	vld [tilespmem:s10+$0xBC0]  }
0x246: {  	v7 =	vadd.f32 v10, v7;
	v10 =	vld [tilespmem:s11+$0x290];
	v4 =	vadd.f32 v5, v4  }
0x247: {  	v5 =	vld [tilespmem:s10+$0xC40]  }
0x248: {  	v7 =	vadd.f32 v11, v7;
	v11 =	vld [tilespmem:s11+$0x310];
	v4 =	vadd.f32 v6, v4  }
0x249: {  	v6 =	vld [tilespmem:s10+$0xCC0]  }
0x24a: {  	v7 =	vadd.f32 v9, v7;
	v9 =	vld [tilespmem:s11+$0x390];
	v4 =	vadd.f32 v8, v4  }
0x24b: {  	v8 =	vld [tilespmem:s10+$0xD40]  }
0x24c: {  	v7 =	vadd.f32 v10, v7;
	v10 =	vld [tilespmem:s11+$0x410];
	v4 =	vadd.f32 v5, v4  }
0x24d: {  	v5 =	vld [tilespmem:s10+$0xDC0]  }
0x24e: {  	v7 =	vadd.f32 v11, v7;
	v11 =	vld [tilespmem:s11+$0x490];
	v4 =	vadd.f32 v6, v4  }
0x24f: {  	v6 =	vld [tilespmem:s10+$0xE40]  }
0x250: {  	v7 =	vadd.f32 v9, v7;
	v9 =	vld [tilespmem:s11+$0x510];
	v4 =	vadd.f32 v8, v4  }
0x251: {  	v8 =	vld [tilespmem:s10+$0xEC0]  }
0x252: {  	v7 =	vadd.f32 v10, v7;
	v10 =	vld [tilespmem:s11+$0x590];
	v4 =	vadd.f32 v5, v4  }
0x253: {  	v12 =	vld [tilespmem:s10+$0xF40]  }
0x254: {  	v5 =	vadd.f32 v11, v7;
	v7 =	vld [tilespmem:s11+$0x610];
	v6 =	vadd.f32 v6, v4  }
0x255: {  	v11 =	vld [tilespmem:s10+$0xFC0]  }
0x256: {  	v9 =	vadd.f32 v9, v5;
	v4 =	vld [tilespmem:s13+$0xB80];
	v6 =	vadd.f32 v8, v6  }
0x257: {  	v8 =	vld [tilespmem:s11+$0x690]  }
0x258: {  	v9 =	vadd.f32 v10, v9;
	v5 =	vld [tilespmem:s13+$0xB00];
	v10 =	vadd.f32 v12, v6  }
0x259: {  	v12 =	vld [tilespmem:s11+$0x710]  }
0x25a: {  	v9 =	vadd.f32 v7, v9;
	v6 =	vld [tilespmem:s13+$0xA80];
	v10 =	vadd.f32 v11, v10  }
0x25b: {  	v11 =	vld [tilespmem:s11+$0x790]  }
0x25c: {  	v7 =	vld [tilespmem:s13+$0xA00];
	v8 =	vadd.f32 v8, v9;
	v9 =	vmul.f32 $3.125000000e-02, v10  }
0x25d: {  	v10 =	vld [tilespmem:s11+$0x810]  }
0x25e: {  	v8 =	vadd.f32 v12, v8;
	v12 =	vld [tilespmem:s11+$0x890];
	[tilespmem:s9+$0x8040] =	vst v9  }
0x25f: {  	v9 =	vld [tilespmem:s10+$0x50]  }
0x260: {  	v8 =	vadd.f32 v11, v8;
	v11 =	vld [tilespmem:s10+$0xD0]  }
0x261: {  	v13 =	vld [tilespmem:s11+$0x910]  }
0x262: {  	v8 =	vadd.f32 v10, v8;
	v10 =	vld [tilespmem:s10+$0x150]  }
0x263: {  	v14 =	vld [tilespmem:s11+$0x990]  }
0x264: {  	v8 =	vadd.f32 v12, v8;
	v12 =	vld [tilespmem:s10+$0x1D0]  }
0x265: {  	v15 =	vld [tilespmem:s11+$0xA10];
	v9 =	vadd.f32 v11, v9  }
0x266: {  	v8 =	vadd.f32 v13, v8;
	v11 =	vld [tilespmem:s10+$0x250]  }
0x267: {  	v13 =	vld [tilespmem:s11+$0xA90];
	v9 =	vadd.f32 v10, v9  }
0x268: {  	v8 =	vadd.f32 v14, v8;
	v10 =	vld [tilespmem:s10+$0x2D0]  }
0x269: {  	v14 =	vld [tilespmem:s11+$0xB10];
	v9 =	vadd.f32 v12, v9  }
0x26a: {  	v8 =	vadd.f32 v15, v8;
	v12 =	vld [tilespmem:s10+$0x350]  }
0x26b: {  	v15 =	vld [tilespmem:s11+$0xB90];
	v9 =	vadd.f32 v11, v9  }
0x26c: {  	v8 =	vadd.f32 v13, v8;
	v11 =	vld [tilespmem:s10+$0x3D0]  }
0x26d: {  	v13 =	vld [tilespmem:s11+$0xC10];
	v9 =	vadd.f32 v10, v9  }
0x26e: {  	v8 =	vadd.f32 v14, v8;
	v10 =	vld [tilespmem:s10+$0x450]  }
0x26f: {  	v14 =	vld [tilespmem:s11+$0xC90];
	v9 =	vadd.f32 v12, v9  }
0x270: {  	v8 =	vadd.f32 v15, v8;
	v12 =	vld [tilespmem:s10+$0x4D0]  }
0x271: {  	v15 =	vld [tilespmem:s11+$0xD10];
	v9 =	vadd.f32 v11, v9  }
0x272: {  	v8 =	vadd.f32 v13, v8;
	v11 =	vld [tilespmem:s10+$0x550]  }
0x273: {  	v13 =	vld [tilespmem:s11+$0xD90];
	v9 =	vadd.f32 v10, v9  }
0x274: {  	v8 =	vadd.f32 v14, v8;
	v10 =	vld [tilespmem:s10+$0x5D0]  }
0x275: {  	v14 =	vld [tilespmem:s11+$0xE10];
	v9 =	vadd.f32 v12, v9  }
0x276: {  	v8 =	vadd.f32 v15, v8;
	v12 =	vld [tilespmem:s10+$0x650]  }
0x277: {  	v15 =	vld [tilespmem:s11+$0xE90];
	v9 =	vadd.f32 v11, v9  }
0x278: {  	v8 =	vadd.f32 v13, v8;
	v11 =	vld [tilespmem:s10+$0x6D0]  }
0x279: {  	v13 =	vld [tilespmem:s11+$0xF10];
	v9 =	vadd.f32 v10, v9  }
0x27a: {  	v8 =	vadd.f32 v14, v8;
	v10 =	vld [tilespmem:s10+$0x750]  }
0x27b: {  	v14 =	vld [tilespmem:s11+$0xF90];
	v9 =	vadd.f32 v12, v9  }
0x27c: {  	v12 =	vadd.f32 v15, v8;
	v15 =	vld [tilespmem:s10+$0x7D0]  }
0x27d: {  	v8 =	vld [tilespmem:s13+$0x980];
	v11 =	vadd.f32 v11, v9  }
0x27e: {  	v12 =	vadd.f32 v13, v12;
	v13 =	vld [tilespmem:s10+$0x850]  }
0x27f: {  	v9 =	vld [tilespmem:s13+$0x900];
	v10 =	vadd.f32 v10, v11  }
0x280: {  	v11 =	vadd.f32 v14, v12;
	v12 =	vld [tilespmem:s10+$0x8D0]  }
0x281: {  	v14 =	vld [tilespmem:s13+$0x680];
	v10 =	vadd.f32 v15, v10  }
0x282: {  	v11 =	vmul.f32 $3.125000000e-02, v11;
	v16 =	vld [tilespmem:s10+$0x950]  }
0x283: {  	v15 =	vld [tilespmem:s13+$0x600];
	v10 =	vadd.f32 v13, v10  }
0x284: {  	[tilespmem:s12+$0x8010] =	vst v11;
	v11 =	vld [tilespmem:s10+$0x9D0]  }
0x285: {  	v13 =	vld [tilespmem:s11+$0x20];
	v10 =	vadd.f32 v12, v10  }
0x286: {  	v12 =	vld [tilespmem:s10+$0xA50]  }
0x287: {  	v17 =	vld [tilespmem:s11+$0xA0];
	v10 =	vadd.f32 v16, v10  }
0x288: {  	v16 =	vld [tilespmem:s10+$0xAD0]  }
0x289: {  	v18 =	vld [tilespmem:s11+$0x120];
	v10 =	vadd.f32 v11, v10  }
0x28a: {  	v11 =	vld [tilespmem:s10+$0xB50]  }
0x28b: {  	v19 =	vld [tilespmem:s11+$0x1A0];
	v10 =	vadd.f32 v12, v10  }
0x28c: {  	v12 =	vld [tilespmem:s10+$0xBD0]  }
0x28d: {  	v13 =	vadd.f32 v17, v13;
	v17 =	vld [tilespmem:s11+$0x220];
	v10 =	vadd.f32 v16, v10  }
0x28e: {  	v16 =	vld [tilespmem:s10+$0xC50]  }
0x28f: {  	v13 =	vadd.f32 v18, v13;
	v18 =	vld [tilespmem:s11+$0x2A0];
	v10 =	vadd.f32 v11, v10  }
0x290: {  	v11 =	vld [tilespmem:s10+$0xCD0]  }
0x291: {  	v13 =	vadd.f32 v19, v13;
	v19 =	vld [tilespmem:s11+$0x320];
	v10 =	vadd.f32 v12, v10  }
0x292: {  	v12 =	vld [tilespmem:s10+$0xD50]  }
0x293: {  	v13 =	vadd.f32 v17, v13;
	v17 =	vld [tilespmem:s11+$0x3A0];
	v10 =	vadd.f32 v16, v10  }
0x294: {  	v16 =	vld [tilespmem:s10+$0xDD0]  }
0x295: {  	v13 =	vadd.f32 v18, v13;
	v18 =	vld [tilespmem:s11+$0x420];
	v10 =	vadd.f32 v11, v10  }
0x296: {  	v11 =	vld [tilespmem:s10+$0xE50]  }
0x297: {  	v13 =	vadd.f32 v19, v13;
	v19 =	vld [tilespmem:s11+$0x4A0];
	v10 =	vadd.f32 v12, v10  }
0x298: {  	v12 =	vld [tilespmem:s10+$0xED0]  }
0x299: {  	v13 =	vadd.f32 v17, v13;
	v20 =	vld [tilespmem:s11+$0x520];
	v10 =	vadd.f32 v16, v10  }
0x29a: {  	v21 =	vld [tilespmem:s10+$0xF50]  }
0x29b: {  	v13 =	vadd.f32 v18, v13;
	v22 =	vld [tilespmem:s11+$0x5A0];
	v10 =	vadd.f32 v11, v10  }
0x29c: {  	v11 =	vld [tilespmem:s10+$0xFD0]  }
0x29d: {  	v13 =	vadd.f32 v19, v13;
	v16 =	vld [tilespmem:s13+$0x580];
	v10 =	vadd.f32 v12, v10  }
0x29e: {  	v12 =	vld [tilespmem:s11+$0x620]  }
0x29f: {  	v13 =	vadd.f32 v20, v13;
	v17 =	vld [tilespmem:s13+$0x500];
	v10 =	vadd.f32 v21, v10  }
0x2a0: {  	v20 =	vld [tilespmem:s11+$0x6A0]  }
0x2a1: {  	v13 =	vadd.f32 v22, v13;
	v18 =	vld [tilespmem:s13+$0x480];
	v10 =	vadd.f32 v11, v10  }
0x2a2: {  	v11 =	vld [tilespmem:s11+$0x720]  }
0x2a3: {  	v19 =	vld [tilespmem:s13+$0x400];
	v12 =	vadd.f32 v12, v13;
	v10 =	vmul.f32 $3.125000000e-02, v10  }
0x2a4: {  	v13 =	vld [tilespmem:s11+$0x7A0]  }
0x2a5: {  	v12 =	vadd.f32 v20, v12;
	v20 =	vld [tilespmem:s11+$0x820];
	[tilespmem:s9+$0x8050] =	vst v10  }
0x2a6: {  	v10 =	vld [tilespmem:s10+$0x60]  }
0x2a7: {  	v11 =	vadd.f32 v11, v12;
	v12 =	vld [tilespmem:s10+$0xE0]  }
0x2a8: {  	v21 =	vld [tilespmem:s11+$0x8A0]  }
0x2a9: {  	v11 =	vadd.f32 v13, v11;
	v13 =	vld [tilespmem:s10+$0x160]  }
0x2aa: {  	v22 =	vld [tilespmem:s11+$0x920]  }
0x2ab: {  	v11 =	vadd.f32 v20, v11;
	v20 =	vld [tilespmem:s10+$0x1E0]  }
0x2ac: {  	v23 =	vld [tilespmem:s11+$0x9A0];
	v10 =	vadd.f32 v12, v10  }
0x2ad: {  	v11 =	vadd.f32 v21, v11;
	v12 =	vld [tilespmem:s10+$0x260]  }
0x2ae: {  	v21 =	vld [tilespmem:s11+$0xA20];
	v10 =	vadd.f32 v13, v10  }
0x2af: {  	v11 =	vadd.f32 v22, v11;
	v13 =	vld [tilespmem:s10+$0x2E0]  }
0x2b0: {  	v22 =	vld [tilespmem:s11+$0xAA0];
	v10 =	vadd.f32 v20, v10  }
0x2b1: {  	v11 =	vadd.f32 v23, v11;
	v20 =	vld [tilespmem:s10+$0x360]  }
0x2b2: {  	v23 =	vld [tilespmem:s11+$0xB20];
	v10 =	vadd.f32 v12, v10  }
0x2b3: {  	v11 =	vadd.f32 v21, v11;
	v12 =	vld [tilespmem:s10+$0x3E0]  }
0x2b4: {  	v21 =	vld [tilespmem:s11+$0xBA0];
	v10 =	vadd.f32 v13, v10  }
0x2b5: {  	v11 =	vadd.f32 v22, v11;
	v13 =	vld [tilespmem:s10+$0x460]  }
0x2b6: {  	v22 =	vld [tilespmem:s11+$0xC20];
	v10 =	vadd.f32 v20, v10  }
0x2b7: {  	v11 =	vadd.f32 v23, v11;
	v20 =	vld [tilespmem:s10+$0x4E0]  }
0x2b8: {  	v23 =	vld [tilespmem:s11+$0xCA0];
	v10 =	vadd.f32 v12, v10  }
0x2b9: {  	v11 =	vadd.f32 v21, v11;
	v12 =	vld [tilespmem:s10+$0x560]  }
0x2ba: {  	v21 =	vld [tilespmem:s11+$0xD20];
	v10 =	vadd.f32 v13, v10  }
0x2bb: {  	v11 =	vadd.f32 v22, v11;
	v13 =	vld [tilespmem:s10+$0x5E0]  }
0x2bc: {  	v22 =	vld [tilespmem:s11+$0xDA0];
	v10 =	vadd.f32 v20, v10  }
0x2bd: {  	v11 =	vadd.f32 v23, v11;
	v20 =	vld [tilespmem:s10+$0x660]  }
0x2be: {  	v23 =	vld [tilespmem:s11+$0xE20];
	v10 =	vadd.f32 v12, v10  }
0x2bf: {  	v11 =	vadd.f32 v21, v11;
	v12 =	vld [tilespmem:s10+$0x6E0]  }
0x2c0: {  	v21 =	vld [tilespmem:s11+$0xEA0];
	v10 =	vadd.f32 v13, v10  }
0x2c1: {  	v11 =	vadd.f32 v22, v11;
	v13 =	vld [tilespmem:s10+$0x760]  }
0x2c2: {  	v22 =	vld [tilespmem:s11+$0xF20];
	v10 =	vadd.f32 v20, v10  }
0x2c3: {  	v11 =	vadd.f32 v23, v11;
	v23 =	vld [tilespmem:s10+$0x7E0]  }
0x2c4: {  	v24 =	vld [tilespmem:s11+$0xFA0];
	v10 =	vadd.f32 v12, v10  }
0x2c5: {  	v11 =	vadd.f32 v21, v11;
	v12 =	vld [tilespmem:s10+$0x860]  }
0x2c6: {  	v20 =	vld [tilespmem:s13+$0x380];
	v10 =	vadd.f32 v13, v10  }
0x2c7: {  	v11 =	vadd.f32 v22, v11;
	v13 =	vld [tilespmem:s10+$0x8E0]  }
0x2c8: {  	v21 =	vld [tilespmem:s13+$0x300];
	v10 =	vadd.f32 v23, v10  }
0x2c9: {  	v11 =	vadd.f32 v24, v11;
	v23 =	vld [tilespmem:s10+$0x960]  }
0x2ca: {  	v22 =	vld [tilespmem:s13+$0x280];
	v10 =	vadd.f32 v12, v10  }
0x2cb: {  	v11 =	vmul.f32 $3.125000000e-02, v11;
	v24 =	vld [tilespmem:s10+$0x9E0]  }
0x2cc: {  	v12 =	vld [tilespmem:s13+$0x200];
	v10 =	vadd.f32 v13, v10  }
0x2cd: {  	[tilespmem:s12+$0x8020] =	vst v11;
	v11 =	vld [tilespmem:s10+$0xA60]  }
0x2ce: {  	v13 =	vld [tilespmem:s11+$0x30];
	v10 =	vadd.f32 v23, v10  }
0x2cf: {  	v23 =	vld [tilespmem:s10+$0xAE0]  }
0x2d0: {  	v25 =	vld [tilespmem:s11+$0xB0];
	v10 =	vadd.f32 v24, v10  }
0x2d1: {  	v24 =	vld [tilespmem:s10+$0xB60]  }
0x2d2: {  	v26 =	vld [tilespmem:s11+$0x130];
	v10 =	vadd.f32 v11, v10  }
0x2d3: {  	v11 =	vld [tilespmem:s10+$0xBE0]  }
0x2d4: {  	v27 =	vld [tilespmem:s11+$0x1B0];
	v10 =	vadd.f32 v23, v10  }
0x2d5: {  	v23 =	vld [tilespmem:s10+$0xC60]  }
0x2d6: {  	v13 =	vadd.f32 v25, v13;
	v25 =	vld [tilespmem:s11+$0x230];
	v10 =	vadd.f32 v24, v10  }
0x2d7: {  	v24 =	vld [tilespmem:s10+$0xCE0]  }
0x2d8: {  	v13 =	vadd.f32 v26, v13;
	v26 =	vld [tilespmem:s11+$0x2B0];
	v10 =	vadd.f32 v11, v10  }
0x2d9: {  	v11 =	vld [tilespmem:s10+$0xD60]  }
0x2da: {  	v13 =	vadd.f32 v27, v13;
	v27 =	vld [tilespmem:s11+$0x330];
	v10 =	vadd.f32 v23, v10  }
0x2db: {  	v23 =	vld [tilespmem:s10+$0xDE0]  }
0x2dc: {  	v13 =	vadd.f32 v25, v13;
	v25 =	vld [tilespmem:s11+$0x3B0];
	v10 =	vadd.f32 v24, v10  }
0x2dd: {  	v24 =	vld [tilespmem:s10+$0xE60]  }
0x2de: {  	v13 =	vadd.f32 v26, v13;
	v26 =	vld [tilespmem:s11+$0x430];
	v10 =	vadd.f32 v11, v10  }
0x2df: {  	v11 =	vld [tilespmem:s10+$0xEE0]  }
0x2e0: {  	v13 =	vadd.f32 v27, v13;
	v27 =	vld [tilespmem:s11+$0x4B0];
	v10 =	vadd.f32 v23, v10  }
0x2e1: {  	v23 =	vld [tilespmem:s10+$0xF60]  }
0x2e2: {  	v13 =	vadd.f32 v25, v13;
	v25 =	vld [tilespmem:s11+$0x530];
	v10 =	vadd.f32 v24, v10  }
0x2e3: {  	v24 =	vld [tilespmem:s10+$0xFE0]  }
0x2e4: {  	v13 =	vadd.f32 v26, v13;
	v28 =	vld [tilespmem:s13+$0x180];
	v10 =	vadd.f32 v11, v10  }
0x2e5: {  	v11 =	vld [tilespmem:s11+$0x5B0]  }
0x2e6: {  	v13 =	vadd.f32 v27, v13;
	v26 =	vld [tilespmem:s13+$0x100];
	v10 =	vadd.f32 v23, v10  }
0x2e7: {  	v23 =	vld [tilespmem:s11+$0x630]  }
0x2e8: {  	v13 =	vadd.f32 v25, v13;
	v27 =	vld [tilespmem:s13+$0x0];
	v10 =	vadd.f32 v24, v10  }
0x2e9: {  	v24 =	vld [tilespmem:s11+$0x6B0]  }
0x2ea: {  	v25 =	vld [tilespmem:s13+$0x80];
	v11 =	vadd.f32 v11, v13;
	v10 =	vmul.f32 $3.125000000e-02, v10  }
0x2eb: {  	v13 =	vld [tilespmem:s11+$0x730]  }
0x2ec: {  	v11 =	vadd.f32 v23, v11;
	v23 =	vld [tilespmem:s11+$0x7B0];
	[tilespmem:s9+$0x8060] =	vst v10  }
0x2ed: {  	v10 =	vld [tilespmem:s10+$0x70]  }
0x2ee: {  	v11 =	vadd.f32 v24, v11;
	v24 =	vld [tilespmem:s10+$0xF0]  }
0x2ef: {  	v29 =	vld [tilespmem:s11+$0x830]  }
0x2f0: {  	v11 =	vadd.f32 v13, v11;
	v13 =	vld [tilespmem:s10+$0x170]  }
0x2f1: {  	v30 =	vld [tilespmem:s11+$0x8B0]  }
0x2f2: {  	v11 =	vadd.f32 v23, v11;
	v23 =	vld [tilespmem:s10+$0x1F0]  }
0x2f3: {  	v31 =	vld [tilespmem:s11+$0x930];
	v10 =	vadd.f32 v24, v10  }
0x2f4: {  	v11 =	vadd.f32 v29, v11;
	v24 =	vld [tilespmem:s10+$0x270]  }
0x2f5: {  	v29 =	vld [tilespmem:s11+$0x9B0];
	v10 =	vadd.f32 v13, v10  }
0x2f6: {  	v11 =	vadd.f32 v30, v11;
	v13 =	vld [tilespmem:s10+$0x2F0]  }
0x2f7: {  	v30 =	vld [tilespmem:s11+$0xA30];
	v10 =	vadd.f32 v23, v10  }
0x2f8: {  	v11 =	vadd.f32 v31, v11;
	v23 =	vld [tilespmem:s10+$0x370]  }
0x2f9: {  	v31 =	vld [tilespmem:s11+$0xAB0];
	v10 =	vadd.f32 v24, v10  }
0x2fa: {  	v11 =	vadd.f32 v29, v11;
	v24 =	vld [tilespmem:s10+$0x3F0]  }
0x2fb: {  	v25 =	vadd.f32 v25, v27;
	v27 =	vld [tilespmem:s11+$0xB30];
	v10 =	vadd.f32 v13, v10  }
0x2fc: {  	v11 =	vadd.f32 v30, v11;
	v13 =	vld [tilespmem:s10+$0x470]  }
0x2fd: {  	v25 =	vadd.f32 v26, v25;
	v29 =	vld [tilespmem:s11+$0xBB0];
	v26 =	vadd.f32 v23, v10  }
.Ltmp0:
0x2fe: {  	v11 =	vadd.f32 v31, v11;
	v10 =	vld [tilespmem:s10+$0x4F0];
	(pc) =	sbr.rel @p0 .LBB2_2-.Ltmp0, $4  }
0x2ff: {  	v25 =	vadd.f32 v28, v25;
	v23 =	vld [tilespmem:s11+$0xC30];
	v28 =	vadd.f32 v24, v26  }
0x300: {  	v27 =	vadd.f32 v27, v11;
	v11 =	vld [tilespmem:s10+$0x570]  }
0x301: {  	v26 =	vadd.f32 v12, v25;
	v24 =	vld [tilespmem:s11+$0xCB0];
	v13 =	vadd.f32 v13, v28  }
0x302: {  	s15 =	sadd.s32 $0x1, s15;
	v25 =	vadd.f32 v29, v27;
	v12 =	vld [tilespmem:s10+$0x5F0]  }
0x303: {  	v22 =	vadd.f32 v22, v26;
	_ =	sdelay $0x1  }
0x304: {  	v21 =	vadd.f32 v21, v22;
	_ =	sdelay $0x1  }
0x305: {  	v20 =	vadd.f32 v20, v21;
	_ =	sdelay $0x1  }
0x306: {  	v19 =	vadd.f32 v19, v20;
	_ =	sdelay $0x1  }
0x307: {  	v18 =	vadd.f32 v18, v19;
	_ =	sdelay $0x1  }
0x308: {  	v17 =	vadd.f32 v17, v18;
	_ =	sdelay $0x1  }
0x309: {  	v16 =	vadd.f32 v16, v17  }
0x30a: {  	v60 =	vld [tilespmem:s13+$0x700]  }
0x30b: {  	v15 =	vadd.f32 v15, v16  }
0x30c: {  	v61 =	vld [tilespmem:s13+$0x780]  }
0x30d: {  	v14 =	vadd.f32 v14, v15  }
0x30e: {  	v62 =	vld [tilespmem:s13+$0x800]  }
0x30f: {  	v14 =	vadd.f32 v60, v14  }
0x310: {  	v63 =	vld [tilespmem:s13+$0x880]  }
0x311: {  	v14 =	vadd.f32 v61, v14;
	_ =	sdelay $0x1  }
0x312: {  	v14 =	vadd.f32 v62, v14;
	_ =	sdelay $0x1  }
0x313: {  	v14 =	vadd.f32 v63, v14;
	_ =	sdelay $0x1  }
0x314: {  	v9 =	vadd.f32 v9, v14;
	_ =	sdelay $0x1  }
0x315: {  	v8 =	vadd.f32 v8, v9;
	_ =	sdelay $0x1  }
0x316: {  	v7 =	vadd.f32 v7, v8;
	_ =	sdelay $0x1  }
0x317: {  	v6 =	vadd.f32 v6, v7;
	_ =	sdelay $0x1  }
0x318: {  	v5 =	vadd.f32 v5, v6;
	_ =	sdelay $0x1  }
0x319: {  	v4 =	vadd.f32 v4, v5;
	_ =	sdelay $0x1  }
0x31a: {  	v3 =	vadd.f32 v3, v4;
	_ =	sdelay $0x1  }
0x31b: {  	v2 =	vadd.f32 v2, v3  }
0x31c: {  	v9 =	vld [tilespmem:s13+$0xE00]  }
0x31d: {  	v1 =	vadd.f32 v1, v2  }
0x31e: {  	v14 =	vld [tilespmem:s13+$0xE80]  }
0x31f: {  	v0 =	vadd.f32 v0, v1  }
0x320: {  	v15 =	vld [tilespmem:s13+$0xF00]  }
0x321: {  	v0 =	vadd.f32 v9, v0  }
0x322: {  	v16 =	vld [tilespmem:s13+$0xF80]  }
0x323: {  	v0 =	vadd.f32 v14, v0;
	_ =	sdelay $0x1  }
0x324: {  	v0 =	vadd.f32 v15, v0;
	_ =	sdelay $0x1  }
0x325: {  	v0 =	vadd.f32 v16, v0;
	_ =	sdelay $0x1  }
0x326: {  	s14 =	sshll.u32 s14, $0x7;
	v0 =	vmul.f32 $3.125000000e-02, v0  }
0x327: {  	s14 =	sand.u32 $0x3FFFFF80, s14  }
0x328: {  	[tilespmem:s14+$0x8000] =	vst v0  }
0x329: {  	v0 =	vld [tilespmem:s13+$0x10]  }
0x32a: {  	v17 =	vld [tilespmem:s13+$0x90];
	_ =	sdelay $0x1  }
0x32b: {  	v18 =	vld [tilespmem:s13+$0x110];
	_ =	sdelay $0x1  }
0x32c: {  	v19 =	vld [tilespmem:s13+$0x190]  }
0x32d: {  	v0 =	vadd.f32 v17, v0  }
0x32e: {  	v20 =	vld [tilespmem:s13+$0x210]  }
0x32f: {  	v0 =	vadd.f32 v18, v0  }
0x330: {  	v21 =	vld [tilespmem:s13+$0x290]  }
0x331: {  	v0 =	vadd.f32 v19, v0  }
0x332: {  	v22 =	vld [tilespmem:s13+$0x310]  }
0x333: {  	v0 =	vadd.f32 v20, v0  }
0x334: {  	v26 =	vld [tilespmem:s13+$0x390]  }
0x335: {  	v0 =	vadd.f32 v21, v0  }
0x336: {  	v27 =	vld [tilespmem:s13+$0x410]  }
0x337: {  	v0 =	vadd.f32 v22, v0  }
0x338: {  	v28 =	vld [tilespmem:s13+$0x490]  }
0x339: {  	v0 =	vadd.f32 v26, v0  }
0x33a: {  	v29 =	vld [tilespmem:s13+$0x510]  }
0x33b: {  	v0 =	vadd.f32 v27, v0  }
0x33c: {  	v30 =	vld [tilespmem:s13+$0x590]  }
0x33d: {  	v0 =	vadd.f32 v28, v0  }
0x33e: {  	v31 =	vld [tilespmem:s13+$0x610]  }
0x33f: {  	v0 =	vadd.f32 v29, v0  }
0x340: {  	v32 =	vld [tilespmem:s13+$0x690]  }
0x341: {  	v0 =	vadd.f32 v30, v0  }
0x342: {  	v33 =	vld [tilespmem:s13+$0x710]  }
0x343: {  	v0 =	vadd.f32 v31, v0  }
0x344: {  	v34 =	vld [tilespmem:s13+$0x790]  }
0x345: {  	v0 =	vadd.f32 v32, v0  }
0x346: {  	v35 =	vld [tilespmem:s13+$0x810]  }
0x347: {  	v0 =	vadd.f32 v33, v0  }
0x348: {  	v36 =	vld [tilespmem:s13+$0x890]  }
0x349: {  	v0 =	vadd.f32 v34, v0  }
0x34a: {  	v37 =	vld [tilespmem:s13+$0x910]  }
0x34b: {  	v0 =	vadd.f32 v35, v0  }
0x34c: {  	v38 =	vld [tilespmem:s13+$0x990]  }
0x34d: {  	v0 =	vadd.f32 v36, v0  }
0x34e: {  	v39 =	vld [tilespmem:s13+$0xA10]  }
0x34f: {  	v0 =	vadd.f32 v37, v0  }
0x350: {  	v40 =	vld [tilespmem:s13+$0xA90]  }
0x351: {  	v0 =	vadd.f32 v38, v0  }
0x352: {  	v41 =	vld [tilespmem:s13+$0xB10]  }
0x353: {  	v0 =	vadd.f32 v39, v0  }
0x354: {  	v42 =	vld [tilespmem:s13+$0xB90]  }
0x355: {  	v0 =	vadd.f32 v40, v0  }
0x356: {  	v43 =	vld [tilespmem:s13+$0xC10]  }
0x357: {  	v0 =	vadd.f32 v41, v0  }
0x358: {  	v44 =	vld [tilespmem:s13+$0xC90]  }
0x359: {  	v0 =	vadd.f32 v42, v0  }
0x35a: {  	v45 =	vld [tilespmem:s13+$0xD10]  }
0x35b: {  	v0 =	vadd.f32 v43, v0  }
0x35c: {  	v46 =	vld [tilespmem:s13+$0xD90]  }
0x35d: {  	v0 =	vadd.f32 v44, v0  }
0x35e: {  	v47 =	vld [tilespmem:s13+$0xE10]  }
0x35f: {  	v0 =	vadd.f32 v45, v0  }
0x360: {  	v48 =	vld [tilespmem:s13+$0xE90]  }
0x361: {  	v0 =	vadd.f32 v46, v0  }
0x362: {  	v49 =	vld [tilespmem:s13+$0xF10]  }
0x363: {  	v0 =	vadd.f32 v47, v0  }
0x364: {  	v50 =	vld [tilespmem:s13+$0xF90]  }
0x365: {  	v0 =	vadd.f32 v48, v0;
	_ =	sdelay $0x1  }
0x366: {  	v0 =	vadd.f32 v49, v0;
	_ =	sdelay $0x1  }
0x367: {  	v0 =	vadd.f32 v50, v0;
	_ =	sdelay $0x1  }
0x368: {  	v0 =	vmul.f32 $3.125000000e-02, v0;
	_ =	sdelay $0x1  }
0x369: {  	[tilespmem:s14+$0x8010] =	vst v0  }
0x36a: {  	v0 =	vld [tilespmem:s13+$0x20]  }
0x36b: {  	v51 =	vld [tilespmem:s13+$0xA0];
	_ =	sdelay $0x1  }
0x36c: {  	v52 =	vld [tilespmem:s13+$0x120];
	_ =	sdelay $0x1  }
0x36d: {  	v53 =	vld [tilespmem:s13+$0x1A0]  }
0x36e: {  	v0 =	vadd.f32 v51, v0  }
0x36f: {  	v54 =	vld [tilespmem:s13+$0x220]  }
0x370: {  	v0 =	vadd.f32 v52, v0  }
0x371: {  	v55 =	vld [tilespmem:s13+$0x2A0]  }
0x372: {  	v0 =	vadd.f32 v53, v0  }
0x373: {  	v56 =	vld [tilespmem:s13+$0x320]  }
0x374: {  	v0 =	vadd.f32 v54, v0  }
0x375: {  	v57 =	vld [tilespmem:s13+$0x3A0]  }
0x376: {  	v0 =	vadd.f32 v55, v0  }
0x377: {  	v58 =	vld [tilespmem:s13+$0x420]  }
0x378: {  	v0 =	vadd.f32 v56, v0  }
0x379: {  	v59 =	vld [tilespmem:s13+$0x4A0]  }
0x37a: {  	v0 =	vadd.f32 v57, v0  }
0x37b: {  	v60 =	vld [tilespmem:s13+$0x520]  }
0x37c: {  	v0 =	vadd.f32 v58, v0  }
0x37d: {  	v61 =	vld [tilespmem:s13+$0x5A0]  }
0x37e: {  	v0 =	vadd.f32 v59, v0  }
0x37f: {  	v62 =	vld [tilespmem:s13+$0x620]  }
0x380: {  	v0 =	vadd.f32 v60, v0  }
0x381: {  	v63 =	vld [tilespmem:s13+$0x6A0]  }
0x382: {  	v0 =	vadd.f32 v61, v0  }
0x383: {  	v6 =	vld [tilespmem:s13+$0x720]  }
0x384: {  	v0 =	vadd.f32 v62, v0  }
0x385: {  	v7 =	vld [tilespmem:s13+$0x7A0]  }
0x386: {  	v0 =	vadd.f32 v63, v0  }
0x387: {  	v8 =	vld [tilespmem:s13+$0x820]  }
0x388: {  	v0 =	vadd.f32 v6, v0  }
0x389: {  	v9 =	vld [tilespmem:s13+$0x8A0]  }
0x38a: {  	v0 =	vadd.f32 v7, v0  }
0x38b: {  	v14 =	vld [tilespmem:s13+$0x920]  }
0x38c: {  	v0 =	vadd.f32 v8, v0  }
0x38d: {  	v15 =	vld [tilespmem:s13+$0x9A0]  }
0x38e: {  	v0 =	vadd.f32 v9, v0  }
0x38f: {  	v16 =	vld [tilespmem:s13+$0xA20]  }
0x390: {  	v0 =	vadd.f32 v14, v0  }
0x391: {  	v17 =	vld [tilespmem:s13+$0xAA0]  }
0x392: {  	v0 =	vadd.f32 v15, v0  }
0x393: {  	v18 =	vld [tilespmem:s13+$0xB20]  }
0x394: {  	v0 =	vadd.f32 v16, v0  }
0x395: {  	v19 =	vld [tilespmem:s13+$0xBA0]  }
0x396: {  	v0 =	vadd.f32 v17, v0  }
0x397: {  	v20 =	vld [tilespmem:s13+$0xC20]  }
0x398: {  	v0 =	vadd.f32 v18, v0  }
0x399: {  	v21 =	vld [tilespmem:s13+$0xCA0]  }
0x39a: {  	v0 =	vadd.f32 v19, v0  }
0x39b: {  	v22 =	vld [tilespmem:s13+$0xD20]  }
0x39c: {  	v0 =	vadd.f32 v20, v0  }
0x39d: {  	v26 =	vld [tilespmem:s13+$0xDA0]  }
0x39e: {  	v0 =	vadd.f32 v21, v0  }
0x39f: {  	v27 =	vld [tilespmem:s13+$0xE20]  }
0x3a0: {  	v0 =	vadd.f32 v22, v0  }
0x3a1: {  	v28 =	vld [tilespmem:s13+$0xEA0]  }
0x3a2: {  	v0 =	vadd.f32 v26, v0  }
0x3a3: {  	v29 =	vld [tilespmem:s13+$0xF20]  }
0x3a4: {  	v0 =	vadd.f32 v27, v0  }
0x3a5: {  	v30 =	vld [tilespmem:s13+$0xFA0]  }
0x3a6: {  	v0 =	vadd.f32 v28, v0;
	_ =	sdelay $0x1  }
0x3a7: {  	v0 =	vadd.f32 v29, v0;
	_ =	sdelay $0x1  }
0x3a8: {  	v0 =	vadd.f32 v30, v0;
	_ =	sdelay $0x1  }
0x3a9: {  	v0 =	vmul.f32 $3.125000000e-02, v0;
	_ =	sdelay $0x1  }
0x3aa: {  	[tilespmem:s14+$0x8020] =	vst v0  }
0x3ab: {  	v0 =	vld [tilespmem:s13+$0x30]  }
0x3ac: {  	v31 =	vld [tilespmem:s13+$0xB0];
	_ =	sdelay $0x1  }
0x3ad: {  	v32 =	vld [tilespmem:s13+$0x130];
	_ =	sdelay $0x1  }
0x3ae: {  	v33 =	vld [tilespmem:s13+$0x1B0]  }
0x3af: {  	v0 =	vadd.f32 v31, v0  }
0x3b0: {  	v34 =	vld [tilespmem:s13+$0x230]  }
0x3b1: {  	v0 =	vadd.f32 v32, v0  }
0x3b2: {  	v35 =	vld [tilespmem:s13+$0x2B0]  }
0x3b3: {  	v0 =	vadd.f32 v33, v0  }
0x3b4: {  	v36 =	vld [tilespmem:s13+$0x330]  }
0x3b5: {  	v0 =	vadd.f32 v34, v0  }
0x3b6: {  	v37 =	vld [tilespmem:s13+$0x3B0]  }
0x3b7: {  	v0 =	vadd.f32 v35, v0  }
0x3b8: {  	v38 =	vld [tilespmem:s13+$0x430]  }
0x3b9: {  	v0 =	vadd.f32 v36, v0  }
0x3ba: {  	v39 =	vld [tilespmem:s13+$0x4B0]  }
0x3bb: {  	v0 =	vadd.f32 v37, v0  }
0x3bc: {  	v40 =	vld [tilespmem:s13+$0x530]  }
0x3bd: {  	v0 =	vadd.f32 v38, v0  }
0x3be: {  	v41 =	vld [tilespmem:s13+$0x5B0]  }
0x3bf: {  	v0 =	vadd.f32 v39, v0  }
0x3c0: {  	v42 =	vld [tilespmem:s13+$0x630]  }
0x3c1: {  	v0 =	vadd.f32 v40, v0  }
0x3c2: {  	v43 =	vld [tilespmem:s13+$0x6B0]  }
0x3c3: {  	v0 =	vadd.f32 v41, v0  }
0x3c4: {  	v44 =	vld [tilespmem:s13+$0x730]  }
0x3c5: {  	v0 =	vadd.f32 v42, v0  }
0x3c6: {  	v45 =	vld [tilespmem:s13+$0x7B0]  }
0x3c7: {  	v0 =	vadd.f32 v43, v0  }
0x3c8: {  	v46 =	vld [tilespmem:s13+$0x830]  }
0x3c9: {  	v0 =	vadd.f32 v44, v0  }
0x3ca: {  	v47 =	vld [tilespmem:s13+$0x8B0]  }
0x3cb: {  	v0 =	vadd.f32 v45, v0  }
0x3cc: {  	v48 =	vld [tilespmem:s13+$0x930]  }
0x3cd: {  	v0 =	vadd.f32 v46, v0  }
0x3ce: {  	v49 =	vld [tilespmem:s13+$0x9B0]  }
0x3cf: {  	v0 =	vadd.f32 v47, v0  }
0x3d0: {  	v50 =	vld [tilespmem:s13+$0xA30]  }
0x3d1: {  	v0 =	vadd.f32 v48, v0  }
0x3d2: {  	v51 =	vld [tilespmem:s13+$0xAB0]  }
0x3d3: {  	v0 =	vadd.f32 v49, v0  }
0x3d4: {  	v52 =	vld [tilespmem:s13+$0xB30]  }
0x3d5: {  	v0 =	vadd.f32 v50, v0  }
0x3d6: {  	v53 =	vld [tilespmem:s13+$0xBB0]  }
0x3d7: {  	v0 =	vadd.f32 v51, v0  }
0x3d8: {  	v54 =	vld [tilespmem:s13+$0xC30]  }
0x3d9: {  	v55 =	vld [tilespmem:s11+$0xD30];
	v0 =	vadd.f32 v52, v0  }
0x3da: {  	v56 =	vadd.f32 v23, v25;
	v57 =	vld [tilespmem:s13+$0xCB0]  }
0x3db: {  	v58 =	vld [tilespmem:s11+$0xDB0];
	v0 =	vadd.f32 v53, v0  }
0x3dc: {  	v1 =	vadd.f32 v24, v56;
	v59 =	vld [tilespmem:s13+$0xD30]  }
0x3dd: {  	v60 =	vld [tilespmem:s11+$0xE30];
	v0 =	vadd.f32 v54, v0  }
0x3de: {  	v1 =	vadd.f32 v55, v1;
	v61 =	vld [tilespmem:s13+$0xDB0]  }
0x3df: {  	v62 =	vld [tilespmem:s11+$0xEB0];
	v0 =	vadd.f32 v57, v0  }
0x3e0: {  	v1 =	vadd.f32 v58, v1;
	v63 =	vld [tilespmem:s13+$0xE30]  }
0x3e1: {  	v9 =	vld [tilespmem:s11+$0xF30];
	v0 =	vadd.f32 v59, v0  }
0x3e2: {  	v1 =	vadd.f32 v60, v1;
	v14 =	vld [tilespmem:s13+$0xEB0]  }
0x3e3: {  	v15 =	vld [tilespmem:s11+$0xFB0];
	v0 =	vadd.f32 v61, v0  }
0x3e4: {  	v1 =	vadd.f32 v62, v1;
	v16 =	vld [tilespmem:s13+$0xF30]  }
0x3e5: {  	v0 =	vadd.f32 v63, v0  }
0x3e6: {  	v1 =	vadd.f32 v9, v1;
	v17 =	vld [tilespmem:s13+$0xFB0]  }
0x3e7: {  	v0 =	vadd.f32 v14, v0  }
0x3e8: {  	v1 =	vadd.f32 v15, v1  }
0x3e9: {  	v0 =	vadd.f32 v16, v0  }
0x3ea: {  	v1 =	vmul.f32 $3.125000000e-02, v1  }
0x3eb: {  	v0 =	vadd.f32 v17, v0  }
0x3ec: {  	[tilespmem:s12+$0x8030] =	vst v1  }
0x3ed: {  	v1 =	vld [tilespmem:s11+$0x40];
	v0 =	vmul.f32 $3.125000000e-02, v0  }
0x3ee: {  	v18 =	vld [tilespmem:s11+$0xC0]  }
0x3ef: {  	v19 =	vld [tilespmem:s11+$0x140];
	[tilespmem:s14+$0x8030] =	vst v0  }
0x3f0: {  	v0 =	vld [tilespmem:s13+$0x40]  }
0x3f1: {  	v20 =	vld [tilespmem:s13+$0xC0]  }
0x3f2: {  	v21 =	vld [tilespmem:s11+$0x1C0]  }
0x3f3: {  	v1 =	vadd.f32 v18, v1;
	v22 =	vld [tilespmem:s13+$0x140]  }
0x3f4: {  	v23 =	vld [tilespmem:s11+$0x240]  }
0x3f5: {  	v1 =	vadd.f32 v19, v1;
	v24 =	vld [tilespmem:s13+$0x1C0]  }
0x3f6: {  	v25 =	vld [tilespmem:s11+$0x2C0];
	v0 =	vadd.f32 v20, v0  }
0x3f7: {  	v1 =	vadd.f32 v21, v1;
	v26 =	vld [tilespmem:s13+$0x240]  }
0x3f8: {  	v27 =	vld [tilespmem:s11+$0x340];
	v0 =	vadd.f32 v22, v0  }
0x3f9: {  	v1 =	vadd.f32 v23, v1;
	v28 =	vld [tilespmem:s13+$0x2C0]  }
0x3fa: {  	v29 =	vld [tilespmem:s11+$0x3C0];
	v0 =	vadd.f32 v24, v0  }
0x3fb: {  	v1 =	vadd.f32 v25, v1;
	v30 =	vld [tilespmem:s13+$0x340]  }
0x3fc: {  	v31 =	vld [tilespmem:s11+$0x440];
	v0 =	vadd.f32 v26, v0  }
0x3fd: {  	v1 =	vadd.f32 v27, v1;
	v32 =	vld [tilespmem:s13+$0x3C0]  }
0x3fe: {  	v33 =	vld [tilespmem:s11+$0x4C0];
	v0 =	vadd.f32 v28, v0  }
0x3ff: {  	v1 =	vadd.f32 v29, v1;
	v34 =	vld [tilespmem:s13+$0x440]  }
0x400: {  	v35 =	vld [tilespmem:s11+$0x540];
	v0 =	vadd.f32 v30, v0  }
0x401: {  	v1 =	vadd.f32 v31, v1;
	v36 =	vld [tilespmem:s13+$0x4C0]  }
0x402: {  	v37 =	vld [tilespmem:s11+$0x5C0];
	v0 =	vadd.f32 v32, v0  }
0x403: {  	v1 =	vadd.f32 v33, v1;
	v38 =	vld [tilespmem:s13+$0x540]  }
0x404: {  	v39 =	vld [tilespmem:s11+$0x640];
	v0 =	vadd.f32 v34, v0  }
0x405: {  	v1 =	vadd.f32 v35, v1;
	v40 =	vld [tilespmem:s13+$0x5C0]  }
0x406: {  	v41 =	vld [tilespmem:s11+$0x6C0];
	v0 =	vadd.f32 v36, v0  }
0x407: {  	v1 =	vadd.f32 v37, v1;
	v42 =	vld [tilespmem:s13+$0x640]  }
0x408: {  	v43 =	vld [tilespmem:s11+$0x740];
	v0 =	vadd.f32 v38, v0  }
0x409: {  	v1 =	vadd.f32 v39, v1;
	v44 =	vld [tilespmem:s13+$0x6C0]  }
0x40a: {  	v45 =	vld [tilespmem:s11+$0x7C0];
	v0 =	vadd.f32 v40, v0  }
0x40b: {  	v1 =	vadd.f32 v41, v1;
	v46 =	vld [tilespmem:s13+$0x740]  }
0x40c: {  	v47 =	vld [tilespmem:s11+$0x840];
	v0 =	vadd.f32 v42, v0  }
0x40d: {  	v1 =	vadd.f32 v43, v1;
	v48 =	vld [tilespmem:s13+$0x7C0]  }
0x40e: {  	v49 =	vld [tilespmem:s11+$0x8C0];
	v0 =	vadd.f32 v44, v0  }
0x40f: {  	v1 =	vadd.f32 v45, v1;
	v50 =	vld [tilespmem:s13+$0x840]  }
0x410: {  	v51 =	vld [tilespmem:s11+$0x940];
	v0 =	vadd.f32 v46, v0  }
0x411: {  	v1 =	vadd.f32 v47, v1;
	v52 =	vld [tilespmem:s13+$0x8C0]  }
0x412: {  	v53 =	vld [tilespmem:s11+$0x9C0];
	v0 =	vadd.f32 v48, v0  }
0x413: {  	v1 =	vadd.f32 v49, v1;
	v54 =	vld [tilespmem:s13+$0x940]  }
0x414: {  	v55 =	vld [tilespmem:s11+$0xA40];
	v0 =	vadd.f32 v50, v0  }
0x415: {  	v1 =	vadd.f32 v51, v1;
	v56 =	vld [tilespmem:s13+$0x9C0]  }
0x416: {  	v57 =	vld [tilespmem:s11+$0xAC0];
	v0 =	vadd.f32 v52, v0  }
0x417: {  	v1 =	vadd.f32 v53, v1;
	v58 =	vld [tilespmem:s13+$0xA40]  }
0x418: {  	v59 =	vld [tilespmem:s11+$0xB40];
	v0 =	vadd.f32 v54, v0  }
0x419: {  	v1 =	vadd.f32 v55, v1;
	v60 =	vld [tilespmem:s13+$0xAC0]  }
0x41a: {  	v61 =	vld [tilespmem:s11+$0xBC0];
	v0 =	vadd.f32 v56, v0  }
0x41b: {  	v1 =	vadd.f32 v57, v1;
	v62 =	vld [tilespmem:s13+$0xB40]  }
0x41c: {  	v63 =	vld [tilespmem:s11+$0xC40];
	v0 =	vadd.f32 v58, v0  }
0x41d: {  	v1 =	vadd.f32 v59, v1;
	v9 =	vld [tilespmem:s13+$0xBC0]  }
0x41e: {  	v14 =	vld [tilespmem:s11+$0xCC0];
	v0 =	vadd.f32 v60, v0  }
0x41f: {  	v1 =	vadd.f32 v61, v1;
	v15 =	vld [tilespmem:s13+$0xC40]  }
0x420: {  	v16 =	vld [tilespmem:s11+$0xD40];
	v0 =	vadd.f32 v62, v0  }
0x421: {  	v1 =	vadd.f32 v63, v1;
	v17 =	vld [tilespmem:s13+$0xCC0]  }
0x422: {  	v18 =	vld [tilespmem:s11+$0xDC0];
	v0 =	vadd.f32 v9, v0  }
0x423: {  	v1 =	vadd.f32 v14, v1;
	v19 =	vld [tilespmem:s13+$0xD40]  }
0x424: {  	v20 =	vld [tilespmem:s11+$0xE40];
	v0 =	vadd.f32 v15, v0  }
0x425: {  	v1 =	vadd.f32 v16, v1;
	v21 =	vld [tilespmem:s13+$0xDC0]  }
0x426: {  	v22 =	vld [tilespmem:s11+$0xEC0];
	v0 =	vadd.f32 v17, v0  }
0x427: {  	v1 =	vadd.f32 v18, v1;
	v23 =	vld [tilespmem:s13+$0xE40]  }
0x428: {  	v24 =	vld [tilespmem:s11+$0xF40];
	v0 =	vadd.f32 v19, v0  }
0x429: {  	v25 =	vld [tilespmem:s13+$0xEC0];
	v1 =	vadd.f32 v20, v1  }
0x42a: {  	v26 =	vld [tilespmem:s11+$0xFC0];
	v0 =	vadd.f32 v21, v0  }
0x42b: {  	v27 =	vld [tilespmem:s13+$0xF40];
	v1 =	vadd.f32 v22, v1  }
0x42c: {  	v0 =	vadd.f32 v23, v0  }
0x42d: {  	v28 =	vld [tilespmem:s13+$0xFC0];
	v1 =	vadd.f32 v24, v1  }
0x42e: {  	v0 =	vadd.f32 v25, v0  }
0x42f: {  	v4 =	vld [tilespmem:s10+$0x670];
	v1 =	vadd.f32 v26, v1  }
0x430: {  	v3 =	vld [tilespmem:s10+$0x6F0];
	v0 =	vadd.f32 v27, v0  }
0x431: {  	v2 =	vld [tilespmem:s10+$0x770];
	v6 =	vmul.f32 $3.125000000e-02, v1  }
0x432: {  	v7 =	vld [tilespmem:s10+$0xAF0];
	v5 =	vadd.f32 v28, v0  }
0x433: {  	v8 =	vld [tilespmem:s10+$0xA70];
	[tilespmem:s12+$0x8040] =	vst v6  }
0x434: {  	v6 =	vld [tilespmem:s11+$0x50];
	v5 =	vmul.f32 $3.125000000e-02, v5  }
0x435: {  	v29 =	vld [tilespmem:s11+$0xD0]  }
0x436: {  	v30 =	vld [tilespmem:s11+$0x150];
	[tilespmem:s14+$0x8040] =	vst v5  }
0x437: {  	v5 =	vld [tilespmem:s13+$0x50]  }
0x438: {  	v31 =	vld [tilespmem:s13+$0xD0]  }
0x439: {  	v32 =	vld [tilespmem:s11+$0x1D0]  }
0x43a: {  	v6 =	vadd.f32 v29, v6;
	v33 =	vld [tilespmem:s13+$0x150]  }
0x43b: {  	v34 =	vld [tilespmem:s11+$0x250]  }
0x43c: {  	v6 =	vadd.f32 v30, v6;
	v35 =	vld [tilespmem:s13+$0x1D0]  }
0x43d: {  	v36 =	vld [tilespmem:s11+$0x2D0];
	v5 =	vadd.f32 v31, v5  }
0x43e: {  	v6 =	vadd.f32 v32, v6;
	v37 =	vld [tilespmem:s13+$0x250]  }
0x43f: {  	v38 =	vld [tilespmem:s11+$0x350];
	v5 =	vadd.f32 v33, v5  }
0x440: {  	v6 =	vadd.f32 v34, v6;
	v39 =	vld [tilespmem:s13+$0x2D0]  }
0x441: {  	v40 =	vld [tilespmem:s11+$0x3D0];
	v5 =	vadd.f32 v35, v5  }
0x442: {  	v6 =	vadd.f32 v36, v6;
	v41 =	vld [tilespmem:s13+$0x350]  }
0x443: {  	v42 =	vld [tilespmem:s11+$0x450];
	v5 =	vadd.f32 v37, v5  }
0x444: {  	v6 =	vadd.f32 v38, v6;
	v43 =	vld [tilespmem:s13+$0x3D0]  }
0x445: {  	v44 =	vld [tilespmem:s11+$0x4D0];
	v5 =	vadd.f32 v39, v5  }
0x446: {  	v6 =	vadd.f32 v40, v6;
	v45 =	vld [tilespmem:s13+$0x450]  }
0x447: {  	v46 =	vld [tilespmem:s11+$0x550];
	v5 =	vadd.f32 v41, v5  }
0x448: {  	v6 =	vadd.f32 v42, v6;
	v47 =	vld [tilespmem:s13+$0x4D0]  }
0x449: {  	v48 =	vld [tilespmem:s11+$0x5D0];
	v5 =	vadd.f32 v43, v5  }
0x44a: {  	v6 =	vadd.f32 v44, v6;
	v49 =	vld [tilespmem:s13+$0x550]  }
0x44b: {  	v50 =	vld [tilespmem:s11+$0x650];
	v5 =	vadd.f32 v45, v5  }
0x44c: {  	v6 =	vadd.f32 v46, v6;
	v51 =	vld [tilespmem:s13+$0x5D0]  }
0x44d: {  	v52 =	vld [tilespmem:s11+$0x6D0];
	v5 =	vadd.f32 v47, v5  }
0x44e: {  	v6 =	vadd.f32 v48, v6;
	v53 =	vld [tilespmem:s13+$0x650]  }
0x44f: {  	v54 =	vld [tilespmem:s11+$0x750];
	v5 =	vadd.f32 v49, v5  }
0x450: {  	v6 =	vadd.f32 v50, v6;
	v55 =	vld [tilespmem:s13+$0x6D0]  }
0x451: {  	v56 =	vld [tilespmem:s11+$0x7D0];
	v5 =	vadd.f32 v51, v5  }
0x452: {  	v6 =	vadd.f32 v52, v6;
	v57 =	vld [tilespmem:s13+$0x750]  }
0x453: {  	v58 =	vld [tilespmem:s11+$0x850];
	v5 =	vadd.f32 v53, v5  }
0x454: {  	v6 =	vadd.f32 v54, v6;
	v59 =	vld [tilespmem:s13+$0x7D0]  }
0x455: {  	v60 =	vld [tilespmem:s11+$0x8D0];
	v5 =	vadd.f32 v55, v5  }
0x456: {  	v6 =	vadd.f32 v56, v6;
	v61 =	vld [tilespmem:s13+$0x850]  }
0x457: {  	v62 =	vld [tilespmem:s11+$0x950];
	v5 =	vadd.f32 v57, v5  }
0x458: {  	v6 =	vadd.f32 v58, v6;
	v63 =	vld [tilespmem:s13+$0x8D0]  }
0x459: {  	v20 =	vld [tilespmem:s11+$0x9D0];
	v5 =	vadd.f32 v59, v5  }
0x45a: {  	v6 =	vadd.f32 v60, v6;
	v21 =	vld [tilespmem:s13+$0x950]  }
0x45b: {  	v22 =	vld [tilespmem:s11+$0xA50];
	v5 =	vadd.f32 v61, v5  }
0x45c: {  	v6 =	vadd.f32 v62, v6;
	v23 =	vld [tilespmem:s13+$0x9D0]  }
0x45d: {  	v24 =	vld [tilespmem:s11+$0xAD0];
	v5 =	vadd.f32 v63, v5  }
0x45e: {  	v6 =	vadd.f32 v20, v6;
	v25 =	vld [tilespmem:s13+$0xA50]  }
0x45f: {  	v26 =	vld [tilespmem:s11+$0xB50];
	v5 =	vadd.f32 v21, v5  }
0x460: {  	v6 =	vadd.f32 v22, v6;
	v27 =	vld [tilespmem:s13+$0xAD0]  }
0x461: {  	v28 =	vld [tilespmem:s11+$0xBD0];
	v5 =	vadd.f32 v23, v5  }
0x462: {  	v6 =	vadd.f32 v24, v6;
	v29 =	vld [tilespmem:s13+$0xB50]  }
0x463: {  	v30 =	vld [tilespmem:s11+$0xC50];
	v5 =	vadd.f32 v25, v5  }
0x464: {  	v6 =	vadd.f32 v26, v6;
	v31 =	vld [tilespmem:s13+$0xBD0]  }
0x465: {  	v32 =	vld [tilespmem:s11+$0xCD0];
	v5 =	vadd.f32 v27, v5  }
0x466: {  	v6 =	vadd.f32 v28, v6;
	v33 =	vld [tilespmem:s13+$0xC50]  }
0x467: {  	v34 =	vld [tilespmem:s11+$0xD50];
	v5 =	vadd.f32 v29, v5  }
0x468: {  	v6 =	vadd.f32 v30, v6;
	v35 =	vld [tilespmem:s13+$0xCD0]  }
0x469: {  	v36 =	vld [tilespmem:s11+$0xDD0];
	v5 =	vadd.f32 v31, v5  }
0x46a: {  	v6 =	vadd.f32 v32, v6;
	v37 =	vld [tilespmem:s13+$0xD50]  }
0x46b: {  	v38 =	vld [tilespmem:s11+$0xE50];
	v5 =	vadd.f32 v33, v5  }
0x46c: {  	v6 =	vadd.f32 v34, v6;
	v39 =	vld [tilespmem:s13+$0xDD0]  }
0x46d: {  	v40 =	vld [tilespmem:s11+$0xED0];
	v5 =	vadd.f32 v35, v5  }
0x46e: {  	v6 =	vadd.f32 v36, v6;
	v41 =	vld [tilespmem:s13+$0xE50]  }
0x46f: {  	v42 =	vld [tilespmem:s11+$0xF50];
	v5 =	vadd.f32 v37, v5  }
0x470: {  	v6 =	vadd.f32 v38, v6;
	v43 =	vld [tilespmem:s13+$0xED0]  }
0x471: {  	v44 =	vld [tilespmem:s11+$0xFD0];
	v5 =	vadd.f32 v39, v5  }
0x472: {  	v6 =	vadd.f32 v40, v6;
	v45 =	vld [tilespmem:s13+$0xF50]  }
0x473: {  	v14 =	vld [tilespmem:s10+$0x970];
	v5 =	vadd.f32 v41, v5  }
0x474: {  	v46 =	vld [tilespmem:s13+$0xFD0];
	v6 =	vadd.f32 v42, v6  }
0x475: {  	v18 =	vld [tilespmem:s10+$0xEF0];
	v5 =	vadd.f32 v43, v5  }
0x476: {  	v1 =	vld [tilespmem:s10+$0x7F0];
	v6 =	vadd.f32 v44, v6  }
0x477: {  	v9 =	vld [tilespmem:s10+$0x9F0];
	v5 =	vadd.f32 v45, v5  }
0x478: {  	v15 =	vld [tilespmem:s10+$0x8F0];
	v47 =	vmul.f32 $3.125000000e-02, v6  }
0x479: {  	v19 =	vld [tilespmem:s10+$0xE70];
	v48 =	vadd.f32 v46, v5  }
0x47a: {  	v20 =	vld [tilespmem:s10+$0xDF0];
	[tilespmem:s12+$0x8050] =	vst v47  }
0x47b: {  	v16 =	vld [tilespmem:s11+$0x60];
	v17 =	vmul.f32 $3.125000000e-02, v48  }
0x47c: {  	v49 =	vld [tilespmem:s11+$0xE0]  }
0x47d: {  	v50 =	vld [tilespmem:s11+$0x160];
	[tilespmem:s14+$0x8050] =	vst v17  }
0x47e: {  	v17 =	vld [tilespmem:s13+$0x60]  }
0x47f: {  	v51 =	vld [tilespmem:s13+$0xE0]  }
0x480: {  	v52 =	vld [tilespmem:s11+$0x1E0]  }
0x481: {  	v16 =	vadd.f32 v49, v16;
	v53 =	vld [tilespmem:s13+$0x160]  }
0x482: {  	v54 =	vld [tilespmem:s11+$0x260]  }
0x483: {  	v16 =	vadd.f32 v50, v16;
	v55 =	vld [tilespmem:s13+$0x1E0]  }
0x484: {  	v56 =	vld [tilespmem:s11+$0x2E0];
	v17 =	vadd.f32 v51, v17  }
0x485: {  	v16 =	vadd.f32 v52, v16;
	v57 =	vld [tilespmem:s13+$0x260]  }
0x486: {  	v58 =	vld [tilespmem:s11+$0x360];
	v17 =	vadd.f32 v53, v17  }
0x487: {  	v16 =	vadd.f32 v54, v16;
	v59 =	vld [tilespmem:s13+$0x2E0]  }
0x488: {  	v60 =	vld [tilespmem:s11+$0x3E0];
	v17 =	vadd.f32 v55, v17  }
0x489: {  	v16 =	vadd.f32 v56, v16;
	v61 =	vld [tilespmem:s13+$0x360]  }
0x48a: {  	v62 =	vld [tilespmem:s11+$0x460];
	v17 =	vadd.f32 v57, v17  }
0x48b: {  	v16 =	vadd.f32 v58, v16;
	v63 =	vld [tilespmem:s13+$0x3E0]  }
0x48c: {  	v24 =	vld [tilespmem:s11+$0x4E0];
	v17 =	vadd.f32 v59, v17  }
0x48d: {  	v16 =	vadd.f32 v60, v16;
	v25 =	vld [tilespmem:s13+$0x460]  }
0x48e: {  	v26 =	vld [tilespmem:s11+$0x560];
	v17 =	vadd.f32 v61, v17  }
0x48f: {  	v16 =	vadd.f32 v62, v16;
	v27 =	vld [tilespmem:s13+$0x4E0]  }
0x490: {  	v28 =	vld [tilespmem:s11+$0x5E0];
	v17 =	vadd.f32 v63, v17  }
0x491: {  	v16 =	vadd.f32 v24, v16;
	v29 =	vld [tilespmem:s13+$0x560]  }
0x492: {  	v30 =	vld [tilespmem:s11+$0x660];
	v17 =	vadd.f32 v25, v17  }
0x493: {  	v16 =	vadd.f32 v26, v16;
	v31 =	vld [tilespmem:s13+$0x5E0]  }
0x494: {  	v32 =	vld [tilespmem:s11+$0x6E0];
	v17 =	vadd.f32 v27, v17  }
0x495: {  	v16 =	vadd.f32 v28, v16;
	v33 =	vld [tilespmem:s13+$0x660]  }
0x496: {  	v34 =	vld [tilespmem:s11+$0x760];
	v17 =	vadd.f32 v29, v17  }
0x497: {  	v16 =	vadd.f32 v30, v16;
	v35 =	vld [tilespmem:s13+$0x6E0]  }
0x498: {  	v36 =	vld [tilespmem:s11+$0x7E0];
	v17 =	vadd.f32 v31, v17  }
0x499: {  	v16 =	vadd.f32 v32, v16;
	v37 =	vld [tilespmem:s13+$0x760]  }
0x49a: {  	v38 =	vld [tilespmem:s11+$0x860];
	v17 =	vadd.f32 v33, v17  }
0x49b: {  	v16 =	vadd.f32 v34, v16;
	v39 =	vld [tilespmem:s13+$0x7E0]  }
0x49c: {  	v40 =	vld [tilespmem:s11+$0x8E0];
	v17 =	vadd.f32 v35, v17  }
0x49d: {  	v16 =	vadd.f32 v36, v16;
	v41 =	vld [tilespmem:s13+$0x860]  }
0x49e: {  	v42 =	vld [tilespmem:s11+$0x960];
	v17 =	vadd.f32 v37, v17  }
0x49f: {  	v16 =	vadd.f32 v38, v16;
	v43 =	vld [tilespmem:s13+$0x8E0]  }
0x4a0: {  	v44 =	vld [tilespmem:s11+$0x9E0];
	v17 =	vadd.f32 v39, v17  }
0x4a1: {  	v16 =	vadd.f32 v40, v16;
	v45 =	vld [tilespmem:s13+$0x960]  }
0x4a2: {  	v46 =	vld [tilespmem:s11+$0xA60];
	v17 =	vadd.f32 v41, v17  }
0x4a3: {  	v16 =	vadd.f32 v42, v16;
	v47 =	vld [tilespmem:s13+$0x9E0]  }
0x4a4: {  	v48 =	vld [tilespmem:s11+$0xAE0];
	v17 =	vadd.f32 v43, v17  }
0x4a5: {  	v16 =	vadd.f32 v44, v16;
	v49 =	vld [tilespmem:s13+$0xA60]  }
0x4a6: {  	v50 =	vld [tilespmem:s11+$0xB60];
	v17 =	vadd.f32 v45, v17  }
0x4a7: {  	v16 =	vadd.f32 v46, v16;
	v51 =	vld [tilespmem:s13+$0xAE0]  }
0x4a8: {  	v52 =	vld [tilespmem:s11+$0xBE0];
	v17 =	vadd.f32 v47, v17  }
0x4a9: {  	v16 =	vadd.f32 v48, v16;
	v53 =	vld [tilespmem:s13+$0xB60]  }
0x4aa: {  	v54 =	vld [tilespmem:s11+$0xC60];
	v17 =	vadd.f32 v49, v17  }
0x4ab: {  	v16 =	vadd.f32 v50, v16;
	v55 =	vld [tilespmem:s13+$0xBE0]  }
0x4ac: {  	v56 =	vld [tilespmem:s11+$0xCE0];
	v17 =	vadd.f32 v51, v17  }
0x4ad: {  	v16 =	vadd.f32 v52, v16;
	v57 =	vld [tilespmem:s13+$0xC60]  }
0x4ae: {  	v58 =	vld [tilespmem:s11+$0xD60];
	v17 =	vadd.f32 v53, v17  }
0x4af: {  	v16 =	vadd.f32 v54, v16;
	v59 =	vld [tilespmem:s13+$0xCE0]  }
0x4b0: {  	v60 =	vld [tilespmem:s11+$0xDE0];
	v17 =	vadd.f32 v55, v17  }
0x4b1: {  	v16 =	vadd.f32 v56, v16;
	v61 =	vld [tilespmem:s13+$0xD60]  }
0x4b2: {  	v62 =	vld [tilespmem:s11+$0xE60];
	v17 =	vadd.f32 v57, v17  }
0x4b3: {  	v16 =	vadd.f32 v58, v16;
	v63 =	vld [tilespmem:s13+$0xDE0]  }
0x4b4: {  	v28 =	vld [tilespmem:s11+$0xEE0];
	v17 =	vadd.f32 v59, v17  }
0x4b5: {  	v16 =	vadd.f32 v60, v16;
	v29 =	vld [tilespmem:s13+$0xE60]  }
0x4b6: {  	v30 =	vld [tilespmem:s11+$0xF60];
	v17 =	vadd.f32 v61, v17  }
0x4b7: {  	v16 =	vadd.f32 v62, v16;
	v31 =	vld [tilespmem:s13+$0xEE0]  }
0x4b8: {  	v32 =	vld [tilespmem:s11+$0xFE0];
	v17 =	vadd.f32 v63, v17  }
0x4b9: {  	v16 =	vadd.f32 v28, v16;
	v33 =	vld [tilespmem:s13+$0xF60]  }
0x4ba: {  	v22 =	vld [tilespmem:s10+$0xCF0];
	v17 =	vadd.f32 v29, v17  }
0x4bb: {  	v34 =	vld [tilespmem:s13+$0xFE0];
	v16 =	vadd.f32 v30, v16  }
0x4bc: {  	v0 =	vld [tilespmem:s10+$0x870];
	v17 =	vadd.f32 v31, v17  }
0x4bd: {  	v6 =	vld [tilespmem:s10+$0xB70];
	v16 =	vadd.f32 v32, v16  }
0x4be: {  	v21 =	vld [tilespmem:s10+$0xD70];
	v17 =	vadd.f32 v33, v17  }
0x4bf: {  	v23 =	vld [tilespmem:s10+$0xC70];
	v35 =	vmul.f32 $3.125000000e-02, v16  }
0x4c0: {  	v5 =	vld [tilespmem:s10+$0xBF0];
	v25 =	vadd.f32 v34, v17  }
0x4c1: {  	v16 =	vld [tilespmem:s10+$0xFF0];
	[tilespmem:s12+$0x8060] =	vst v35  }
0x4c2: {  	v37 =	vld [tilespmem:s11+$0x70];
	v36 =	vmul.f32 $3.125000000e-02, v25  }
0x4c3: {  	v38 =	vld [tilespmem:s11+$0xF0]  }
0x4c4: {  	v28 =	vld [tilespmem:s11+$0x170];
	[tilespmem:s14+$0x8060] =	vst v36  }
0x4c5: {  	v24 =	vld [tilespmem:s13+$0x70]  }
0x4c6: {  	v27 =	vld [tilespmem:s13+$0xF0]  }
0x4c7: {  	v30 =	vld [tilespmem:s11+$0x1F0]  }
0x4c8: {  	v29 =	vld [tilespmem:s13+$0x170]  }
0x4c9: {  	v40 =	vld [tilespmem:s11+$0x270]  }
0x4ca: {  	v25 =	vadd.f32 v38, v37;
	v39 =	vld [tilespmem:s13+$0x1F0]  }
0x4cb: {  	v42 =	vld [tilespmem:s11+$0x2F0];
	v24 =	vadd.f32 v27, v24  }
0x4cc: {  	v25 =	vadd.f32 v28, v25;
	v41 =	vld [tilespmem:s13+$0x270]  }
0x4cd: {  	v44 =	vld [tilespmem:s11+$0x370];
	v24 =	vadd.f32 v29, v24  }
0x4ce: {  	v43 =	vld [tilespmem:s13+$0x2F0];
	v25 =	vadd.f32 v30, v25  }
0x4cf: {  	v46 =	vld [tilespmem:s11+$0x3F0];
	v24 =	vadd.f32 v39, v24  }
0x4d0: {  	v45 =	vld [tilespmem:s13+$0x370];
	v25 =	vadd.f32 v40, v25  }
0x4d1: {  	v48 =	vld [tilespmem:s11+$0x470];
	v24 =	vadd.f32 v41, v24  }
0x4d2: {  	v47 =	vld [tilespmem:s13+$0x3F0];
	v25 =	vadd.f32 v42, v25  }
0x4d3: {  	v50 =	vld [tilespmem:s11+$0x4F0];
	v24 =	vadd.f32 v43, v24  }
0x4d4: {  	v49 =	vld [tilespmem:s13+$0x470];
	v25 =	vadd.f32 v44, v25  }
0x4d5: {  	v52 =	vld [tilespmem:s11+$0x570];
	v24 =	vadd.f32 v45, v24  }
0x4d6: {  	v51 =	vld [tilespmem:s13+$0x4F0];
	v25 =	vadd.f32 v46, v25  }
0x4d7: {  	v58 =	vld [tilespmem:s11+$0x670];
	v24 =	vadd.f32 v47, v24  }
0x4d8: {  	v53 =	vld [tilespmem:s13+$0x570];
	v25 =	vadd.f32 v48, v25  }
0x4d9: {  	v10 =	vadd.f32 v10, v13;
	v55 =	vld [tilespmem:s11+$0x5F0];
	v54 =	vadd.f32 v49, v24  }
0x4da: {  	v56 =	vld [tilespmem:s13+$0x5F0];
	v25 =	vadd.f32 v50, v25  }
0x4db: {  	v10 =	vadd.f32 v11, v10;
	v60 =	vld [tilespmem:s11+$0x6F0];
	v57 =	vadd.f32 v51, v54  }
0x4dc: {  	v59 =	vld [tilespmem:s13+$0x670];
	v25 =	vadd.f32 v52, v25  }
0x4dd: {  	v10 =	vadd.f32 v12, v10;
	v35 =	vld [tilespmem:s11+$0x970];
	v11 =	vadd.f32 v53, v57  }
0x4de: {  	v61 =	vld [tilespmem:s13+$0x6F0];
	v24 =	vadd.f32 v55, v25  }
0x4df: {  	v4 =	vadd.f32 v4, v10;
	v63 =	vld [tilespmem:s11+$0x770];
	v62 =	vadd.f32 v56, v11  }
0x4e0: {  	v28 =	vld [tilespmem:s13+$0x770];
	v13 =	vadd.f32 v58, v24  }
0x4e1: {  	v3 =	vadd.f32 v3, v4;
	v29 =	vld [tilespmem:s11+$0x7F0];
	v10 =	vadd.f32 v59, v62  }
0x4e2: {  	v30 =	vld [tilespmem:s13+$0x7F0];
	v12 =	vadd.f32 v60, v13  }
0x4e3: {  	v2 =	vadd.f32 v2, v3;
	v31 =	vld [tilespmem:s11+$0x870];
	v10 =	vadd.f32 v61, v10  }
0x4e4: {  	v32 =	vld [tilespmem:s13+$0x870];
	v11 =	vadd.f32 v63, v12  }
0x4e5: {  	v1 =	vadd.f32 v1, v2;
	v33 =	vld [tilespmem:s11+$0x8F0];
	v10 =	vadd.f32 v28, v10  }
0x4e6: {  	v34 =	vld [tilespmem:s13+$0x8F0];
	v4 =	vadd.f32 v29, v11  }
0x4e7: {  	v0 =	vadd.f32 v0, v1;
	v17 =	vld [tilespmem:s10+$0xF70];
	v10 =	vadd.f32 v30, v10  }
0x4e8: {  	v36 =	vld [tilespmem:s13+$0x970];
	v3 =	vadd.f32 v31, v4  }
0x4e9: {  	v0 =	vadd.f32 v15, v0;
	v37 =	vld [tilespmem:s11+$0x9F0];
	v10 =	vadd.f32 v32, v10  }
0x4ea: {  	v38 =	vld [tilespmem:s13+$0x9F0];
	v2 =	vadd.f32 v33, v3  }
0x4eb: {  	v0 =	vadd.f32 v14, v0;
	v39 =	vld [tilespmem:s11+$0xA70];
	v10 =	vadd.f32 v34, v10  }
0x4ec: {  	v40 =	vld [tilespmem:s13+$0xA70];
	v1 =	vadd.f32 v35, v2  }
0x4ed: {  	v0 =	vadd.f32 v9, v0;
	v41 =	vld [tilespmem:s11+$0xAF0];
	v4 =	vadd.f32 v36, v10  }
0x4ee: {  	v42 =	vld [tilespmem:s13+$0xAF0];
	v1 =	vadd.f32 v37, v1  }
0x4ef: {  	v0 =	vadd.f32 v8, v0;
	v43 =	vld [tilespmem:s11+$0xB70];
	v3 =	vadd.f32 v38, v4  }
0x4f0: {  	v44 =	vld [tilespmem:s13+$0xB70];
	v1 =	vadd.f32 v39, v1  }
0x4f1: {  	v0 =	vadd.f32 v7, v0;
	v45 =	vld [tilespmem:s11+$0xBF0];
	v2 =	vadd.f32 v40, v3  }
0x4f2: {  	v46 =	vld [tilespmem:s13+$0xBF0];
	v1 =	vadd.f32 v41, v1  }
0x4f3: {  	v0 =	vadd.f32 v6, v0;
	v47 =	vld [tilespmem:s11+$0xC70];
	v2 =	vadd.f32 v42, v2  }
0x4f4: {  	v48 =	vld [tilespmem:s13+$0xC70];
	v1 =	vadd.f32 v43, v1  }
0x4f5: {  	v0 =	vadd.f32 v5, v0;
	v49 =	vld [tilespmem:s11+$0xCF0];
	v2 =	vadd.f32 v44, v2  }
0x4f6: {  	v50 =	vld [tilespmem:s13+$0xCF0];
	v1 =	vadd.f32 v45, v1  }
0x4f7: {  	v0 =	vadd.f32 v23, v0;
	v51 =	vld [tilespmem:s11+$0xD70];
	v2 =	vadd.f32 v46, v2  }
0x4f8: {  	v52 =	vld [tilespmem:s13+$0xD70];
	v1 =	vadd.f32 v47, v1  }
0x4f9: {  	v0 =	vadd.f32 v22, v0;
	v53 =	vld [tilespmem:s11+$0xDF0];
	v2 =	vadd.f32 v48, v2  }
0x4fa: {  	v54 =	vld [tilespmem:s13+$0xDF0];
	v1 =	vadd.f32 v49, v1  }
0x4fb: {  	v0 =	vadd.f32 v21, v0;
	v55 =	vld [tilespmem:s11+$0xE70];
	v2 =	vadd.f32 v50, v2  }
0x4fc: {  	v56 =	vld [tilespmem:s13+$0xE70];
	v1 =	vadd.f32 v51, v1  }
0x4fd: {  	v0 =	vadd.f32 v20, v0;
	v57 =	vld [tilespmem:s11+$0xEF0];
	v2 =	vadd.f32 v52, v2  }
0x4fe: {  	v58 =	vld [tilespmem:s13+$0xEF0];
	v1 =	vadd.f32 v53, v1  }
0x4ff: {  	v0 =	vadd.f32 v19, v0;
	v59 =	vld [tilespmem:s11+$0xF70];
	v2 =	vadd.f32 v54, v2  }
0x500: {  	v60 =	vld [tilespmem:s13+$0xF70];
	v1 =	vadd.f32 v55, v1  }
0x501: {  	v0 =	vadd.f32 v18, v0;
	v61 =	vld [tilespmem:s11+$0xFF0];
	v2 =	vadd.f32 v56, v2  }
0x502: {  	v62 =	vld [tilespmem:s13+$0xFF0];
	v1 =	vadd.f32 v57, v1  }
0x503: {  	v0 =	vadd.f32 v17, v0;
	v2 =	vadd.f32 v58, v2  }
0x504: {  	v1 =	vadd.f32 v59, v1  }
0x505: {  	v0 =	vadd.f32 v16, v0;
	v2 =	vadd.f32 v60, v2  }
0x506: {  	v1 =	vadd.f32 v61, v1  }
0x507: {  	v0 =	vmul.f32 $3.125000000e-02, v0;
	v2 =	vadd.f32 v62, v2  }
0x508: {  	v1 =	vmul.f32 $3.125000000e-02, v1  }
0x509: {  	s8 =	sadd.s32 $0x1, s8;
	[tilespmem:s9+$0x8070] =	vst v0;
	v63 =	vmul.f32 $3.125000000e-02, v2  }
0x50a: {  	p0 =	sne.s32 s8, s5;
	[tilespmem:s12+$0x8070] =	vst v1  }
.Ltmp1:
0x50b: {  	[tilespmem:s14+$0x8070] =	vst v63;
	(pc) =	sbr.rel @p0 .LBB2_1-.Ltmp1, $4  }
0x50c: {  	[hbm4b:s4+s2] =	stream.linear.scatter [tilespmem:s7], [sflag:$0x1], $0x400, $0x38;
	[tilespmem:$0x8400] =	vst v63  }
0x50d: {  	_ =	swait.ge [sflag:s6], $0x400  }
0x50e: {  	[sflag:s6] =	ssyncset.done $0x0  }
0x50f: {  	[sflag:s6] =	ssyncadd.s32 $0xFFFFFC00  }
0x510: {  	_ =	sfence.sel $0x180000  }
0x511: {  	[bflag:$0x0] =	sbarrier.arrive $0xFFFF  }
0x512: {  	p0 =	sne.s32 s1, $0x0;
	_ =	strace $0x90000047  }
0x513: {  	s0 =	sadd.s32 @!p0 $0x100000, s0;
	[bflag:$0x2] =	sbarrier.arrive $0xFFFF  }
0x514: {  	[sflag:s0] =	ssyncadd.tile.s32 @!p0 $0x1;
	_ =	shalt  }
.Lfunc_end2:
_tile_overlayer_lowered:
.L_overlay_start_2:
0x515: {  	(tag) =	ssettag $0x2  }
0x516: {  	s0 =	rddreg [dreg:$0x0];
	s2 =	stileid.u32  }
0x517: {  	s1 =	rddreg [dreg:$0x1];
	p0 =	sne.s32 s2, $0x0  }
0x518: {  	s3 =	rddreg [dreg:$0x2];
	[bflag:$0x3] =	sbarrier.arrive $0xFFFF;
	s2 =	simm.s32 @!p0 $0x1C01  }
0x519: {  	[timem:s3], [sflag:s2] =	dma.local @!p0 [hbm:s0], s1  }
0x51a: {  	s0 =	simm.s32 @!p0 $0x1  }
0x51b: {  	_ =	swait.ge @!p0 [sflag:s0], s1  }
0x51c: {  	s1 =	ssub.s32 @!p0 $0x0, s1;
	[sflag:s0] =	ssyncset.done @!p0 $0x0  }
0x51d: {  	[sflag:s0] =	ssyncadd.s32 @!p0 s1  }
0x51e: {  	[bflag:$0x3] =	sbarrier.arrive $0xFFFF  }
0x51f: {  	_ =	shalt  }

</sc_bundles>
